<compile_context>
chip_gen: v7x
topology: tpu7x:2x2x1
jax: 0.10.2.dev20260603
libtpu: 0.0.44.dev20260713+nightly
codegen_flags: <defaults>
</compile_context>

<pallas_src>
import functools

import jax
import jax.numpy as jnp
from jax import lax
from jax.experimental import pallas as pl
from jax.experimental.pallas import tpu as pltpu
from jax.experimental.pallas import tpu_sc as plsc

Bn, Vn, Dn, Hn, Kn = 4, 2048, 128, 8, 6
HD = Dn // Hn
ROWW = 2 * Dn
TQ = 1024
TA = 512

NC, NS = 2, 16
NW = NC * NS
KG = Kn - 1
R = Bn * Vn * KG
PER_W = R // NW
CH = 128
NCH = PER_W // CH


def _knn_proj_body(xt_ref, xf_ref, x2c_ref, x2r_ref, wq_ref, wkv_ref,
                   idx_ref, q_ref, p_ref):
    b = pl.program_id(0)
    xt = xt_ref[0]
    xf = xf_ref[0]
    q_ref[0] = lax.dot_general(xt, wq_ref[...], (((1,), (0,)), ((), ())),
                               preferred_element_type=jnp.float32)
    p_ref[0] = lax.dot_general(xt, wkv_ref[...], (((1,), (0,)), ((), ())),
                               preferred_element_type=jnp.float32)
    prod = lax.dot_general(xt, xf, (((1,), (1,)), ((), ())),
                           preferred_element_type=jnp.float32)
    lane = lax.broadcasted_iota(jnp.int32, (TQ, 128), 1)
    nblk = Vn // 128
    t = pl.program_id(1)
    selfcol = lax.broadcasted_iota(jnp.int32, (TQ, 1), 0) + t * TQ
    x2c = x2c_ref[0]
    x2r = x2r_ref[0]
    INF = jnp.float32(jnp.inf)
    tv = [jnp.full((TQ, 128), INF, jnp.float32) for _ in range(Kn - 1)]
    tb = [jnp.zeros((TQ, 128), jnp.int32) for _ in range(Kn - 1)]
    for i in range(nblk):
        v = (x2c + x2r[:, i * 128:(i + 1) * 128]) - 2.0 * prod[:, i * 128:(i + 1) * 128]
        v = jnp.where(lane + i * 128 == selfcol, INF, v)
        ib = jnp.int32(i)
        lt = [v < tv[j] for j in range(Kn - 1)]
        for j in range(Kn - 2, 0, -1):
            tv[j] = jnp.where(lt[j], jnp.where(lt[j - 1], tv[j - 1], v), tv[j])
            tb[j] = jnp.where(lt[j], jnp.where(lt[j - 1], tb[j - 1], ib), tb[j])
        tv[0] = jnp.where(lt[0], v, tv[0])
        tb[0] = jnp.where(lt[0], ib, tb[0])
    picks = []
    for pick in range(Kn - 1):
        m = jnp.min(tv[0], axis=1, keepdims=True)
        colarr = tb[0] * 128 + lane
        amin = jnp.min(jnp.where(tv[0] == m, colarr,
                                 jnp.int32(2**30)), axis=1)
        picks.append(amin[:, None])
        if pick < Kn - 2:
            cond = colarr == amin[:, None]
            for j in range(Kn - 2):
                tv[j] = jnp.where(cond, tv[j + 1], tv[j])
                tb[j] = jnp.where(cond, tb[j + 1], tb[j])
            tv[Kn - 2] = jnp.where(cond, INF, tv[Kn - 2])
    idx_ref[0] = jnp.concatenate(picks, axis=1) + b * Vn


def _attn_body(xt_ref, q_ref, p_ref, g_ref, wo_ref, m_ref, out_ref):
    xt = xt_ref[0]
    q = q_ref[0]
    g = g_ref[0]
    pown = p_ref[0]
    hsum = m_ref[...]
    krows = [pown[:, :Dn]] + [g[:, k * ROWW:k * ROWW + Dn] for k in range(KG)]
    vrows = [pown[:, Dn:]] + [g[:, k * ROWW + Dn:(k + 1) * ROWW]
                              for k in range(KG)]
    scores = [lax.dot_general(q * kg, hsum, (((1,), (0,)), ((), ())),
                              preferred_element_type=jnp.float32)
              for kg in krows]
    mx = scores[0]
    for k in range(1, Kn):
        mx = jnp.maximum(mx, scores[k])
    es = [jnp.exp(s - mx) for s in scores]
    den = es[0]
    for k in range(1, Kn):
        den = den + es[k]
    inv = 1.0 / den
    acc = -pown[:, Dn:]
    for k in range(Kn):
        w = es[k] * inv
        wbig = lax.dot_general(w, hsum, (((1,), (1,)), ((), ())),
                               preferred_element_type=jnp.float32)
        acc = acc + wbig * vrows[k]
    out_ref[0] = xt + lax.dot_general(acc, wo_ref[...], (((1,), (0,)), ((), ())),
                                      preferred_element_type=jnp.float32)


NBUF = 3


def _sc_gather_body(table_hbm, idx_hbm, out_hbm, idx_v,
                    b0, b1, b2, g0, g1, g2, o0, o1, o2):
    wid = lax.axis_index("s") * NC + lax.axis_index("c")
    bufs, gsems, osems = [b0, b1, b2], [g0, g1, g2], [o0, o1, o2]
    pltpu.sync_copy(idx_hbm.at[wid], idx_v)
    gcp = [pltpu.async_copy(table_hbm.at[idx_v.at[c]], bufs[c], gsems[c])
           for c in range(NBUF)]
    ocp = [None] * NBUF
    base = wid * PER_W
    for c in range(NCH):
        s = c % NBUF
        gcp[s].wait()
        ocp[s] = pltpu.async_copy(bufs[s],
                                  out_hbm.at[pl.ds(base + c * CH, CH)],
                                  osems[s])
        if c + NBUF < NCH:
            ocp[s].wait()
            gcp[s] = pltpu.async_copy(table_hbm.at[idx_v.at[c + NBUF]],
                                      bufs[s], gsems[s])
    for c in range(NCH - NBUF, NCH):
        ocp[c % NBUF].wait()


def kernel(x, in_proj_weight, out_proj_weight):
    wq = in_proj_weight[:Dn].T * (1.0 / jnp.sqrt(jnp.float32(HD)))
    wkv = jnp.concatenate([in_proj_weight[Dn:2 * Dn].T,
                           in_proj_weight[2 * Dn:].T], axis=1)
    wo = out_proj_weight.T
    hsum = jnp.repeat(jnp.eye(Hn, dtype=jnp.float32), HD, axis=0)
    x2 = jnp.sum(x * x, axis=-1)

    idx, q, p = pl.pallas_call(
        _knn_proj_body,
        grid=(Bn, Vn // TQ),
        in_specs=[
            pl.BlockSpec((1, TQ, Dn), lambda b, t: (b, t, 0)),
            pl.BlockSpec((1, Vn, Dn), lambda b, t: (b, 0, 0)),
            pl.BlockSpec((1, TQ, 1), lambda b, t: (b, t, 0)),
            pl.BlockSpec((1, 1, Vn), lambda b, t: (b, 0, 0)),
            pl.BlockSpec((Dn, Dn), lambda b, t: (0, 0)),
            pl.BlockSpec((Dn, ROWW), lambda b, t: (0, 0)),
        ],
        out_specs=[
            pl.BlockSpec((1, TQ, KG), lambda b, t: (b, t, 0)),
            pl.BlockSpec((1, TQ, Dn), lambda b, t: (b, t, 0)),
            pl.BlockSpec((1, TQ, ROWW), lambda b, t: (b, t, 0)),
        ],
        out_shape=[
            jax.ShapeDtypeStruct((Bn, Vn, KG), jnp.int32),
            jax.ShapeDtypeStruct((Bn, Vn, Dn), jnp.float32),
            jax.ShapeDtypeStruct((Bn, Vn, ROWW), jnp.float32),
        ],
    )(x, x, x2.reshape(Bn, Vn, 1), x2.reshape(Bn, 1, Vn), wq, wkv)

    table = p.reshape(Bn * Vn, ROWW)
    idx_rows = idx.reshape(NW, NCH, CH)

    mesh = plsc.VectorSubcoreMesh(core_axis_name="c", subcore_axis_name="s")
    g = pl.kernel(
        _sc_gather_body,
        out_type=jax.ShapeDtypeStruct((R, ROWW), jnp.float32),
        mesh=mesh,
        scratch_types=(
            [pltpu.VMEM((NCH, CH), jnp.int32)]
            + [pltpu.VMEM((CH, ROWW), jnp.float32)] * NBUF
            + [pltpu.SemaphoreType.DMA] * (2 * NBUF)
        ),
    )(table, idx_rows)

    out = pl.pallas_call(
        _attn_body,
        grid=(Bn, Vn // TA),
        in_specs=[
            pl.BlockSpec((1, TA, Dn), lambda b, t: (b, t, 0)),
            pl.BlockSpec((1, TA, Dn), lambda b, t: (b, t, 0)),
            pl.BlockSpec((1, TA, ROWW), lambda b, t: (b, t, 0)),
            pl.BlockSpec((1, TA, KG * ROWW), lambda b, t: (b, t, 0)),
            pl.BlockSpec((Dn, Dn), lambda b, t: (0, 0)),
            pl.BlockSpec((Dn, Hn), lambda b, t: (0, 0)),
        ],
        out_specs=pl.BlockSpec((1, TA, Dn), lambda b, t: (b, t, 0)),
        out_shape=jax.ShapeDtypeStruct((Bn, Vn, Dn), jnp.float32),
    )(x, q, p, g.reshape(Bn, Vn, KG * ROWW), wo, hsum)
    return out

# --- scband reference (transcript-rebuilt; emitter-appended) ---
"""Pipeline reference for scband-mha-knn-15960098472025 (READ-ONLY COPY).

The authoritative reference and input builder live on the scoring server;
editing this copy changes nothing except your own understanding.
"""

import jax, jax.numpy as jnp
import numpy as np

B, V, D, H, K = 4, 2048, 128, 8, 6


def setup_inputs(seed: int = 0) -> dict:
    key = jax.random.key(seed)
    k1, k2, k3 = jax.random.split(key, 3)
    x = jax.random.normal(k1, (B, V, D), dtype=jnp.float32)
    in_proj_weight = jax.random.normal(k2, (3 * D, D), dtype=jnp.float32) * (1.0 / np.sqrt(D))
    out_proj_weight = jax.random.normal(k3, (D, D), dtype=jnp.float32) * (1.0 / np.sqrt(D))
    return {"x": x, "in_proj_weight": in_proj_weight, "out_proj_weight": out_proj_weight}


def _mha_knn_forward(x, in_proj_weight, out_proj_weight):
    Bv, Vn, Dd = x.shape
    # knn_points: squared euclidean distances within each batch, K smallest, sorted ascending
    x2 = jnp.sum(x * x, axis=-1)
    d2 = x2[:, :, None] + x2[:, None, :] - 2.0 * jnp.einsum('bnd,bmd->bnm', x, x)
    _, idx = jax.lax.top_k(-d2, K)  # [B, V, K], ascending distance order (self is first)
    # knn_gather
    k_nbr = jax.vmap(lambda xb, ib: xb[ib])(x, idx)  # [B, V, K, D]
    q = x[:, :, None, :]  # [B, V, 1, D]
    v = k_nbr - q  # use_direction=True
    Nq = Bv * Vn
    qf = q.reshape(Nq, 1, Dd)
    kf = k_nbr.reshape(Nq, K, Dd)
    vf = v.reshape(Nq, K, Dd)
    # nn.MultiheadAttention (bias=False, batch_first=True, dropout inactive in eval/0.0)
    Wq = in_proj_weight[:Dd]
    Wk = in_proj_weight[Dd:2 * Dd]
    Wv = in_proj_weight[2 * Dd:]
    hd = Dd // H

    def split_heads(t):
        n, L, _ = t.shape
        return t.reshape(n, L, H, hd).transpose(0, 2, 1, 3)

    qh = split_heads(qf @ Wq.T)
    kh = split_heads(kf @ Wk.T)
    vh = split_heads(vf @ Wv.T)
    scores = jnp.einsum('nhld,nhkd->nhlk', qh, kh) / jnp.sqrt(jnp.asarray(hd, dtype=x.dtype))
    attn = jax.nn.softmax(scores, axis=-1)  # [Nq, H, 1, K]
    oh = jnp.einsum('nhlk,nhkd->nhld', attn, vh)
    of = oh.transpose(0, 2, 1, 3).reshape(Nq, 1, Dd) @ out_proj_weight.T
    vout = of.reshape(Bv, Vn, Dd)
    # attention weights averaged over heads, scatter-added back onto neighbor indices
    x_w = attn.mean(axis=1).reshape(Bv, Vn, K)
    xw_acc = jnp.zeros((Bv, Vn), dtype=x.dtype)
    xw_acc = jax.vmap(lambda acc, i, w: acc.at[i].add(w))(xw_acc, idx.reshape(Bv, -1), x_w.reshape(Bv, -1))
    # return_weights=False, return_v=False, use_direction=True -> output is residual x + v
    out = x + vout
    return out


def reference(x, in_proj_weight, out_proj_weight):
    return _mha_knn_forward(x, in_proj_weight, out_proj_weight)

if __name__ == "__main__":
    import jax
    _d = setup_inputs()
    print(jax.jit(kernel)(*tuple(_d.values())))

</pallas_src>

<mosaic_0001>
#map = affine_map<(d0, d1) -> (0, 0)>
#map1 = affine_map<(d0, d1) -> (0, 0, 0)>
module attributes {stable_mosaic.version = 14 : i64} {
  func.func @_sc_gather_body(%arg0: i32, %arg1: i32, %arg2: memref<8192x256xf32, #tpu.memory_space<hbm>>, %arg3: memref<32x10x128xi32, #tpu.memory_space<hbm>>, %arg4: memref<40960x256xf32, #tpu.memory_space<hbm>>, %arg5: memref<10x128xi32, #tpu.memory_space<vmem>>, %arg6: memref<128x256xf32, #tpu.memory_space<vmem>>, %arg7: memref<128x256xf32, #tpu.memory_space<vmem>>, %arg8: memref<128x256xf32, #tpu.memory_space<vmem>>, %arg9: memref<!tpu.dma_semaphore, #tpu.memory_space<semaphore_mem>>, %arg10: memref<!tpu.dma_semaphore, #tpu.memory_space<semaphore_mem>>, %arg11: memref<!tpu.dma_semaphore, #tpu.memory_space<semaphore_mem>>, %arg12: memref<!tpu.dma_semaphore, #tpu.memory_space<semaphore_mem>>, %arg13: memref<!tpu.dma_semaphore, #tpu.memory_space<semaphore_mem>>, %arg14: memref<!tpu.dma_semaphore, #tpu.memory_space<semaphore_mem>>) attributes {dimension_semantics = [#tpu.dimension_semantics<core_parallel>, #tpu.dimension_semantics<subcore_parallel>], iteration_bounds = array<i64: 2, 16>, scalar_prefetch = 0 : i64, scratch_operands = 10 : i64, tpu.core_type = #tpu.core_type<sc_vector_subcore>, window_params = [{transform_indices = #map}, {transform_indices = #map1}, {transform_indices = #map}]} {
    %mul3A = arith.constant 2 : i32
    %mul3A_0 = arith.muli %arg1, %mul3A : i32
    %add3A = arith.addi %mul3A_0, %arg0 : i32
    "tpu.region"() ({
      %run_scoped3A = tpu.sem_alloc : memref<!tpu.dma_semaphore, #tpu.memory_space<semaphore_mem>>
      %dma_start3A_241 = arith.constant 0 : i32
      %dma_start3A_242 = arith.constant 0 : i32
      %dma_start3A_243 = tpu.memref_slice %arg3[%add3A, %dma_start3A_241, %dma_start3A_242] : memref<32x10x128xi32, #tpu.memory_space<hbm>> -> memref<1x10x128xi32, #tpu.memory_space<hbm>>
      %dma_start3A_244 = tpu.memref_squeeze %dma_start3A_243 : memref<1x10x128xi32, #tpu.memory_space<hbm>> -> memref<10x128xi32, #tpu.memory_space<hbm>>
      %dma_start3A_245 = arith.constant 0 : i32
      %dma_start3A_246 = arith.constant 0 : i32
      %dma_start3A_247 = tpu.memref_slice %arg3[%add3A, %dma_start3A_245, %dma_start3A_246] : memref<32x10x128xi32, #tpu.memory_space<hbm>> -> memref<1x10x128xi32, #tpu.memory_space<hbm>>
      %dma_start3A_248 = tpu.memref_squeeze %dma_start3A_247 : memref<1x10x128xi32, #tpu.memory_space<hbm>> -> memref<10x128xi32, #tpu.memory_space<hbm>>
      tpu.enqueue_dma source(%dma_start3A_248 : memref<10x128xi32, #tpu.memory_space<hbm>>) target(%arg5 : memref<10x128xi32, #tpu.memory_space<vmem>>) target_semaphore(%run_scoped3A : memref<!tpu.dma_semaphore, #tpu.memory_space<semaphore_mem>>)
      %dma_wait3A_249 = arith.constant 0 : i32
      %dma_wait3A_250 = arith.constant 0 : i32
      %dma_wait3A_251 = tpu.memref_slice %arg3[%add3A, %dma_wait3A_249, %dma_wait3A_250] : memref<32x10x128xi32, #tpu.memory_space<hbm>> -> memref<1x10x128xi32, #tpu.memory_space<hbm>>
      %dma_wait3A_252 = tpu.memref_squeeze %dma_wait3A_251 : memref<1x10x128xi32, #tpu.memory_space<hbm>> -> memref<10x128xi32, #tpu.memory_space<hbm>>
      %dma_wait3A_253 = arith.constant 0 : i32
      %dma_wait3A_254 = arith.constant 0 : i32
      %dma_wait3A_255 = tpu.memref_slice %arg3[%add3A, %dma_wait3A_253, %dma_wait3A_254] : memref<32x10x128xi32, #tpu.memory_space<hbm>> -> memref<1x10x128xi32, #tpu.memory_space<hbm>>
      %dma_wait3A_256 = tpu.memref_squeeze %dma_wait3A_255 : memref<1x10x128xi32, #tpu.memory_space<hbm>> -> memref<10x128xi32, #tpu.memory_space<hbm>>
      tpu.wait_dma2 semaphore(%run_scoped3A : memref<!tpu.dma_semaphore, #tpu.memory_space<semaphore_mem>>) src(%dma_wait3A_256 : memref<10x128xi32, #tpu.memory_space<hbm>>) dst(%arg5 : memref<10x128xi32, #tpu.memory_space<vmem>>)
      tpu.yield
    }) : () -> ()
    %dma_start3A = arith.constant 0 : i32
    %dma_start3A_1 = arith.constant 0 : i32
    %dma_start3A_2 = tpu.memref_slice %arg5[%dma_start3A, %dma_start3A_1] : memref<10x128xi32, #tpu.memory_space<vmem>> -> memref<1x128xi32, #tpu.memory_space<vmem>>
    %dma_start3A_3 = tpu.memref_squeeze %dma_start3A_2 : memref<1x128xi32, #tpu.memory_space<vmem>> -> memref<128xi32, #tpu.memory_space<vmem>>
    %dma_start3A_4 = arith.constant 0 : i32
    %dma_start3A_5 = arith.constant 0 : i32
    %dma_start3A_6 = tpu.memref_slice %arg2[%dma_start3A_4, %dma_start3A_5] : memref<8192x256xf32, #tpu.memory_space<hbm>> -> memref<8192x256xf32, #tpu.memory_space<hbm>>
    tpu.enqueue_indirect_dma source(%dma_start3A_6 : memref<8192x256xf32, #tpu.memory_space<hbm>>) target(%arg6 : memref<128x256xf32, #tpu.memory_space<vmem>>) offsets(%dma_start3A_3 : memref<128xi32, #tpu.memory_space<vmem>>) semaphore(%arg9 : memref<!tpu.dma_semaphore, #tpu.memory_space<semaphore_mem>>)
    %dma_start3A_7 = arith.constant 1 : i32
    %dma_start3A_8 = arith.constant 0 : i32
    %dma_start3A_9 = tpu.memref_slice %arg5[%dma_start3A_7, %dma_start3A_8] : memref<10x128xi32, #tpu.memory_space<vmem>> -> memref<1x128xi32, #tpu.memory_space<vmem>>
    %dma_start3A_10 = tpu.memref_squeeze %dma_start3A_9 : memref<1x128xi32, #tpu.memory_space<vmem>> -> memref<128xi32, #tpu.memory_space<vmem>>
    %dma_start3A_11 = arith.constant 0 : i32
    %dma_start3A_12 = arith.constant 0 : i32
    %dma_start3A_13 = tpu.memref_slice %arg2[%dma_start3A_11, %dma_start3A_12] : memref<8192x256xf32, #tpu.memory_space<hbm>> -> memref<8192x256xf32, #tpu.memory_space<hbm>>
    tpu.enqueue_indirect_dma source(%dma_start3A_13 : memref<8192x256xf32, #tpu.memory_space<hbm>>) target(%arg7 : memref<128x256xf32, #tpu.memory_space<vmem>>) offsets(%dma_start3A_10 : memref<128xi32, #tpu.memory_space<vmem>>) semaphore(%arg10 : memref<!tpu.dma_semaphore, #tpu.memory_space<semaphore_mem>>)
    %dma_start3A_14 = arith.constant 2 : i32
    %dma_start3A_15 = arith.constant 0 : i32
    %dma_start3A_16 = tpu.memref_slice %arg5[%dma_start3A_14, %dma_start3A_15] : memref<10x128xi32, #tpu.memory_space<vmem>> -> memref<1x128xi32, #tpu.memory_space<vmem>>
    %dma_start3A_17 = tpu.memref_squeeze %dma_start3A_16 : memref<1x128xi32, #tpu.memory_space<vmem>> -> memref<128xi32, #tpu.memory_space<vmem>>
    %dma_start3A_18 = arith.constant 0 : i32
    %dma_start3A_19 = arith.constant 0 : i32
    %dma_start3A_20 = tpu.memref_slice %arg2[%dma_start3A_18, %dma_start3A_19] : memref<8192x256xf32, #tpu.memory_space<hbm>> -> memref<8192x256xf32, #tpu.memory_space<hbm>>
    tpu.enqueue_indirect_dma source(%dma_start3A_20 : memref<8192x256xf32, #tpu.memory_space<hbm>>) target(%arg8 : memref<128x256xf32, #tpu.memory_space<vmem>>) offsets(%dma_start3A_17 : memref<128xi32, #tpu.memory_space<vmem>>) semaphore(%arg11 : memref<!tpu.dma_semaphore, #tpu.memory_space<semaphore_mem>>)
    %mul3A_21 = arith.constant 1280 : i32
    %mul3A_22 = arith.muli %add3A, %mul3A_21 : i32
    %dma_wait3A = arith.constant 0 : i32
    %dma_wait3A_23 = arith.constant 0 : i32
    %dma_wait3A_24 = tpu.memref_slice %arg5[%dma_wait3A, %dma_wait3A_23] : memref<10x128xi32, #tpu.memory_space<vmem>> -> memref<1x128xi32, #tpu.memory_space<vmem>>
    %dma_wait3A_25 = tpu.memref_squeeze %dma_wait3A_24 : memref<1x128xi32, #tpu.memory_space<vmem>> -> memref<128xi32, #tpu.memory_space<vmem>>
    %dma_wait3A_26 = arith.constant 0 : i32
    %dma_wait3A_27 = arith.constant 0 : i32
    %dma_wait3A_28 = tpu.memref_slice %arg2[%dma_wait3A_26, %dma_wait3A_27] : memref<8192x256xf32, #tpu.memory_space<hbm>> -> memref<8192x256xf32, #tpu.memory_space<hbm>>
    tpu.wait_indirect_dma semaphore(%arg9 : memref<!tpu.dma_semaphore, #tpu.memory_space<semaphore_mem>>) src(%dma_wait3A_28 : memref<8192x256xf32, #tpu.memory_space<hbm>>) dst(%arg6 : memref<128x256xf32, #tpu.memory_space<vmem>>)
    %add3A_29 = arith.constant 0 : i32
    %add3A_30 = arith.addi %mul3A_22, %add3A_29 : i32
    %dma_start3A_31 = arith.constant 0 : i32
    %dma_start3A_32 = tpu.memref_slice %arg4[%add3A_30, %dma_start3A_31] : memref<40960x256xf32, #tpu.memory_space<hbm>> -> memref<128x256xf32, #tpu.memory_space<hbm>>
    %dma_start3A_33 = arith.constant 0 : i32
    %dma_start3A_34 = tpu.memref_slice %arg4[%add3A_30, %dma_start3A_33] : memref<40960x256xf32, #tpu.memory_space<hbm>> -> memref<128x256xf32, #tpu.memory_space<hbm>>
    tpu.enqueue_dma source(%arg6 : memref<128x256xf32, #tpu.memory_space<vmem>>) target(%dma_start3A_34 : memref<128x256xf32, #tpu.memory_space<hbm>>) target_semaphore(%arg12 : memref<!tpu.dma_semaphore, #tpu.memory_space<semaphore_mem>>)
    %dma_wait3A_35 = arith.constant 0 : i32
    %dma_wait3A_36 = tpu.memref_slice %arg4[%add3A_30, %dma_wait3A_35] : memref<40960x256xf32, #tpu.memory_space<hbm>> -> memref<128x256xf32, #tpu.memory_space<hbm>>
    %dma_wait3A_37 = arith.constant 0 : i32
    %dma_wait3A_38 = tpu.memref_slice %arg4[%add3A_30, %dma_wait3A_37] : memref<40960x256xf32, #tpu.memory_space<hbm>> -> memref<128x256xf32, #tpu.memory_space<hbm>>
    tpu.wait_dma2 semaphore(%arg12 : memref<!tpu.dma_semaphore, #tpu.memory_space<semaphore_mem>>) src(%arg6 : memref<128x256xf32, #tpu.memory_space<vmem>>) dst(%dma_wait3A_38 : memref<128x256xf32, #tpu.memory_space<hbm>>)
    %dma_start3A_39 = arith.constant 3 : i32
    %dma_start3A_40 = arith.constant 0 : i32
    %dma_start3A_41 = tpu.memref_slice %arg5[%dma_start3A_39, %dma_start3A_40] : memref<10x128xi32, #tpu.memory_space<vmem>> -> memref<1x128xi32, #tpu.memory_space<vmem>>
    %dma_start3A_42 = tpu.memref_squeeze %dma_start3A_41 : memref<1x128xi32, #tpu.memory_space<vmem>> -> memref<128xi32, #tpu.memory_space<vmem>>
    %dma_start3A_43 = arith.constant 0 : i32
    %dma_start3A_44 = arith.constant 0 : i32
    %dma_start3A_45 = tpu.memref_slice %arg2[%dma_start3A_43, %dma_start3A_44] : memref<8192x256xf32, #tpu.memory_space<hbm>> -> memref<8192x256xf32, #tpu.memory_space<hbm>>
    tpu.enqueue_indirect_dma source(%dma_start3A_45 : memref<8192x256xf32, #tpu.memory_space<hbm>>) target(%arg6 : memref<128x256xf32, #tpu.memory_space<vmem>>) offsets(%dma_start3A_42 : memref<128xi32, #tpu.memory_space<vmem>>) semaphore(%arg9 : memref<!tpu.dma_semaphore, #tpu.memory_space<semaphore_mem>>)
    %dma_wait3A_46 = arith.constant 1 : i32
    %dma_wait3A_47 = arith.constant 0 : i32
    %dma_wait3A_48 = tpu.memref_slice %arg5[%dma_wait3A_46, %dma_wait3A_47] : memref<10x128xi32, #tpu.memory_space<vmem>> -> memref<1x128xi32, #tpu.memory_space<vmem>>
    %dma_wait3A_49 = tpu.memref_squeeze %dma_wait3A_48 : memref<1x128xi32, #tpu.memory_space<vmem>> -> memref<128xi32, #tpu.memory_space<vmem>>
    %dma_wait3A_50 = arith.constant 0 : i32
    %dma_wait3A_51 = arith.constant 0 : i32
    %dma_wait3A_52 = tpu.memref_slice %arg2[%dma_wait3A_50, %dma_wait3A_51] : memref<8192x256xf32, #tpu.memory_space<hbm>> -> memref<8192x256xf32, #tpu.memory_space<hbm>>
    tpu.wait_indirect_dma semaphore(%arg10 : memref<!tpu.dma_semaphore, #tpu.memory_space<semaphore_mem>>) src(%dma_wait3A_52 : memref<8192x256xf32, #tpu.memory_space<hbm>>) dst(%arg7 : memref<128x256xf32, #tpu.memory_space<vmem>>)
    %add3A_53 = arith.constant 128 : i32
    %add3A_54 = arith.addi %mul3A_22, %add3A_53 : i32
    %dma_start3A_55 = arith.constant 0 : i32
    %dma_start3A_56 = tpu.memref_slice %arg4[%add3A_54, %dma_start3A_55] : memref<40960x256xf32, #tpu.memory_space<hbm>> -> memref<128x256xf32, #tpu.memory_space<hbm>>
    %dma_start3A_57 = arith.constant 0 : i32
    %dma_start3A_58 = tpu.memref_slice %arg4[%add3A_54, %dma_start3A_57] : memref<40960x256xf32, #tpu.memory_space<hbm>> -> memref<128x256xf32, #tpu.memory_space<hbm>>
    tpu.enqueue_dma source(%arg7 : memref<128x256xf32, #tpu.memory_space<vmem>>) target(%dma_start3A_58 : memref<128x256xf32, #tpu.memory_space<hbm>>) target_semaphore(%arg13 : memref<!tpu.dma_semaphore, #tpu.memory_space<semaphore_mem>>)
    %dma_wait3A_59 = arith.constant 0 : i32
    %dma_wait3A_60 = tpu.memref_slice %arg4[%add3A_54, %dma_wait3A_59] : memref<40960x256xf32, #tpu.memory_space<hbm>> -> memref<128x256xf32, #tpu.memory_space<hbm>>
    %dma_wait3A_61 = arith.constant 0 : i32
    %dma_wait3A_62 = tpu.memref_slice %arg4[%add3A_54, %dma_wait3A_61] : memref<40960x256xf32, #tpu.memory_space<hbm>> -> memref<128x256xf32, #tpu.memory_space<hbm>>
    tpu.wait_dma2 semaphore(%arg13 : memref<!tpu.dma_semaphore, #tpu.memory_space<semaphore_mem>>) src(%arg7 : memref<128x256xf32, #tpu.memory_space<vmem>>) dst(%dma_wait3A_62 : memref<128x256xf32, #tpu.memory_space<hbm>>)
    %dma_start3A_63 = arith.constant 4 : i32
    %dma_start3A_64 = arith.constant 0 : i32
    %dma_start3A_65 = tpu.memref_slice %arg5[%dma_start3A_63, %dma_start3A_64] : memref<10x128xi32, #tpu.memory_space<vmem>> -> memref<1x128xi32, #tpu.memory_space<vmem>>
    %dma_start3A_66 = tpu.memref_squeeze %dma_start3A_65 : memref<1x128xi32, #tpu.memory_space<vmem>> -> memref<128xi32, #tpu.memory_space<vmem>>
    %dma_start3A_67 = arith.constant 0 : i32
    %dma_start3A_68 = arith.constant 0 : i32
    %dma_start3A_69 = tpu.memref_slice %arg2[%dma_start3A_67, %dma_start3A_68] : memref<8192x256xf32, #tpu.memory_space<hbm>> -> memref<8192x256xf32, #tpu.memory_space<hbm>>
    tpu.enqueue_indirect_dma source(%dma_start3A_69 : memref<8192x256xf32, #tpu.memory_space<hbm>>) target(%arg7 : memref<128x256xf32, #tpu.memory_space<vmem>>) offsets(%dma_start3A_66 : memref<128xi32, #tpu.memory_space<vmem>>) semaphore(%arg10 : memref<!tpu.dma_semaphore, #tpu.memory_space<semaphore_mem>>)
    %dma_wait3A_70 = arith.constant 2 : i32
    %dma_wait3A_71 = arith.constant 0 : i32
    %dma_wait3A_72 = tpu.memref_slice %arg5[%dma_wait3A_70, %dma_wait3A_71] : memref<10x128xi32, #tpu.memory_space<vmem>> -> memref<1x128xi32, #tpu.memory_space<vmem>>
    %dma_wait3A_73 = tpu.memref_squeeze %dma_wait3A_72 : memref<1x128xi32, #tpu.memory_space<vmem>> -> memref<128xi32, #tpu.memory_space<vmem>>
    %dma_wait3A_74 = arith.constant 0 : i32
    %dma_wait3A_75 = arith.constant 0 : i32
    %dma_wait3A_76 = tpu.memref_slice %arg2[%dma_wait3A_74, %dma_wait3A_75] : memref<8192x256xf32, #tpu.memory_space<hbm>> -> memref<8192x256xf32, #tpu.memory_space<hbm>>
    tpu.wait_indirect_dma semaphore(%arg11 : memref<!tpu.dma_semaphore, #tpu.memory_space<semaphore_mem>>) src(%dma_wait3A_76 : memref<8192x256xf32, #tpu.memory_space<hbm>>) dst(%arg8 : memref<128x256xf32, #tpu.memory_space<vmem>>)
    %add3A_77 = arith.constant 256 : i32
    %add3A_78 = arith.addi %mul3A_22, %add3A_77 : i32
    %dma_start3A_79 = arith.constant 0 : i32
    %dma_start3A_80 = tpu.memref_slice %arg4[%add3A_78, %dma_start3A_79] : memref<40960x256xf32, #tpu.memory_space<hbm>> -> memref<128x256xf32, #tpu.memory_space<hbm>>
    %dma_start3A_81 = arith.constant 0 : i32
    %dma_start3A_82 = tpu.memref_slice %arg4[%add3A_78, %dma_start3A_81] : memref<40960x256xf32, #tpu.memory_space<hbm>> -> memref<128x256xf32, #tpu.memory_space<hbm>>
    tpu.enqueue_dma source(%arg8 : memref<128x256xf32, #tpu.memory_space<vmem>>) target(%dma_start3A_82 : memref<128x256xf32, #tpu.memory_space<hbm>>) target_semaphore(%arg14 : memref<!tpu.dma_semaphore, #tpu.memory_space<semaphore_mem>>)
    %dma_wait3A_83 = arith.constant 0 : i32
    %dma_wait3A_84 = tpu.memref_slice %arg4[%add3A_78, %dma_wait3A_83] : memref<40960x256xf32, #tpu.memory_space<hbm>> -> memref<128x256xf32, #tpu.memory_space<hbm>>
    %dma_wait3A_85 = arith.constant 0 : i32
    %dma_wait3A_86 = tpu.memref_slice %arg4[%add3A_78, %dma_wait3A_85] : memref<40960x256xf32, #tpu.memory_space<hbm>> -> memref<128x256xf32, #tpu.memory_space<hbm>>
    tpu.wait_dma2 semaphore(%arg14 : memref<!tpu.dma_semaphore, #tpu.memory_space<semaphore_mem>>) src(%arg8 : memref<128x256xf32, #tpu.memory_space<vmem>>) dst(%dma_wait3A_86 : memref<128x256xf32, #tpu.memory_space<hbm>>)
    %dma_start3A_87 = arith.constant 5 : i32
    %dma_start3A_88 = arith.constant 0 : i32
    %dma_start3A_89 = tpu.memref_slice %arg5[%dma_start3A_87, %dma_start3A_88] : memref<10x128xi32, #tpu.memory_space<vmem>> -> memref<1x128xi32, #tpu.memory_space<vmem>>
    %dma_start3A_90 = tpu.memref_squeeze %dma_start3A_89 : memref<1x128xi32, #tpu.memory_space<vmem>> -> memref<128xi32, #tpu.memory_space<vmem>>
    %dma_start3A_91 = arith.constant 0 : i32
    %dma_start3A_92 = arith.constant 0 : i32
    %dma_start3A_93 = tpu.memref_slice %arg2[%dma_start3A_91, %dma_start3A_92] : memref<8192x256xf32, #tpu.memory_space<hbm>> -> memref<8192x256xf32, #tpu.memory_space<hbm>>
    tpu.enqueue_indirect_dma source(%dma_start3A_93 : memref<8192x256xf32, #tpu.memory_space<hbm>>) target(%arg8 : memref<128x256xf32, #tpu.memory_space<vmem>>) offsets(%dma_start3A_90 : memref<128xi32, #tpu.memory_space<vmem>>) semaphore(%arg11 : memref<!tpu.dma_semaphore, #tpu.memory_space<semaphore_mem>>)
    %dma_wait3A_94 = arith.constant 3 : i32
    %dma_wait3A_95 = arith.constant 0 : i32
    %dma_wait3A_96 = tpu.memref_slice %arg5[%dma_wait3A_94, %dma_wait3A_95] : memref<10x128xi32, #tpu.memory_space<vmem>> -> memref<1x128xi32, #tpu.memory_space<vmem>>
    %dma_wait3A_97 = tpu.memref_squeeze %dma_wait3A_96 : memref<1x128xi32, #tpu.memory_space<vmem>> -> memref<128xi32, #tpu.memory_space<vmem>>
    %dma_wait3A_98 = arith.constant 0 : i32
    %dma_wait3A_99 = arith.constant 0 : i32
    %dma_wait3A_100 = tpu.memref_slice %arg2[%dma_wait3A_98, %dma_wait3A_99] : memref<8192x256xf32, #tpu.memory_space<hbm>> -> memref<8192x256xf32, #tpu.memory_space<hbm>>
    tpu.wait_indirect_dma semaphore(%arg9 : memref<!tpu.dma_semaphore, #tpu.memory_space<semaphore_mem>>) src(%dma_wait3A_100 : memref<8192x256xf32, #tpu.memory_space<hbm>>) dst(%arg6 : memref<128x256xf32, #tpu.memory_space<vmem>>)
    %add3A_101 = arith.constant 384 : i32
    %add3A_102 = arith.addi %mul3A_22, %add3A_101 : i32
    %dma_start3A_103 = arith.constant 0 : i32
    %dma_start3A_104 = tpu.memref_slice %arg4[%add3A_102, %dma_start3A_103] : memref<40960x256xf32, #tpu.memory_space<hbm>> -> memref<128x256xf32, #tpu.memory_space<hbm>>
    %dma_start3A_105 = arith.constant 0 : i32
    %dma_start3A_106 = tpu.memref_slice %arg4[%add3A_102, %dma_start3A_105] : memref<40960x256xf32, #tpu.memory_space<hbm>> -> memref<128x256xf32, #tpu.memory_space<hbm>>
    tpu.enqueue_dma source(%arg6 : memref<128x256xf32, #tpu.memory_space<vmem>>) target(%dma_start3A_106 : memref<128x256xf32, #tpu.memory_space<hbm>>) target_semaphore(%arg12 : memref<!tpu.dma_semaphore, #tpu.memory_space<semaphore_mem>>)
    %dma_wait3A_107 = arith.constant 0 : i32
    %dma_wait3A_108 = tpu.memref_slice %arg4[%add3A_102, %dma_wait3A_107] : memref<40960x256xf32, #tpu.memory_space<hbm>> -> memref<128x256xf32, #tpu.memory_space<hbm>>
    %dma_wait3A_109 = arith.constant 0 : i32
    %dma_wait3A_110 = tpu.memref_slice %arg4[%add3A_102, %dma_wait3A_109] : memref<40960x256xf32, #tpu.memory_space<hbm>> -> memref<128x256xf32, #tpu.memory_space<hbm>>
    tpu.wait_dma2 semaphore(%arg12 : memref<!tpu.dma_semaphore, #tpu.memory_space<semaphore_mem>>) src(%arg6 : memref<128x256xf32, #tpu.memory_space<vmem>>) dst(%dma_wait3A_110 : memref<128x256xf32, #tpu.memory_space<hbm>>)
    %dma_start3A_111 = arith.constant 6 : i32
    %dma_start3A_112 = arith.constant 0 : i32
    %dma_start3A_113 = tpu.memref_slice %arg5[%dma_start3A_111, %dma_start3A_112] : memref<10x128xi32, #tpu.memory_space<vmem>> -> memref<1x128xi32, #tpu.memory_space<vmem>>
    %dma_start3A_114 = tpu.memref_squeeze %dma_start3A_113 : memref<1x128xi32, #tpu.memory_space<vmem>> -> memref<128xi32, #tpu.memory_space<vmem>>
    %dma_start3A_115 = arith.constant 0 : i32
    %dma_start3A_116 = arith.constant 0 : i32
    %dma_start3A_117 = tpu.memref_slice %arg2[%dma_start3A_115, %dma_start3A_116] : memref<8192x256xf32, #tpu.memory_space<hbm>> -> memref<8192x256xf32, #tpu.memory_space<hbm>>
    tpu.enqueue_indirect_dma source(%dma_start3A_117 : memref<8192x256xf32, #tpu.memory_space<hbm>>) target(%arg6 : memref<128x256xf32, #tpu.memory_space<vmem>>) offsets(%dma_start3A_114 : memref<128xi32, #tpu.memory_space<vmem>>) semaphore(%arg9 : memref<!tpu.dma_semaphore, #tpu.memory_space<semaphore_mem>>)
    %dma_wait3A_118 = arith.constant 4 : i32
    %dma_wait3A_119 = arith.constant 0 : i32
    %dma_wait3A_120 = tpu.memref_slice %arg5[%dma_wait3A_118, %dma_wait3A_119] : memref<10x128xi32, #tpu.memory_space<vmem>> -> memref<1x128xi32, #tpu.memory_space<vmem>>
    %dma_wait3A_121 = tpu.memref_squeeze %dma_wait3A_120 : memref<1x128xi32, #tpu.memory_space<vmem>> -> memref<128xi32, #tpu.memory_space<vmem>>
    %dma_wait3A_122 = arith.constant 0 : i32
    %dma_wait3A_123 = arith.constant 0 : i32
    %dma_wait3A_124 = tpu.memref_slice %arg2[%dma_wait3A_122, %dma_wait3A_123] : memref<8192x256xf32, #tpu.memory_space<hbm>> -> memref<8192x256xf32, #tpu.memory_space<hbm>>
    tpu.wait_indirect_dma semaphore(%arg10 : memref<!tpu.dma_semaphore, #tpu.memory_space<semaphore_mem>>) src(%dma_wait3A_124 : memref<8192x256xf32, #tpu.memory_space<hbm>>) dst(%arg7 : memref<128x256xf32, #tpu.memory_space<vmem>>)
    %add3A_125 = arith.constant 512 : i32
    %add3A_126 = arith.addi %mul3A_22, %add3A_125 : i32
    %dma_start3A_127 = arith.constant 0 : i32
    %dma_start3A_128 = tpu.memref_slice %arg4[%add3A_126, %dma_start3A_127] : memref<40960x256xf32, #tpu.memory_space<hbm>> -> memref<128x256xf32, #tpu.memory_space<hbm>>
    %dma_start3A_129 = arith.constant 0 : i32
    %dma_start3A_130 = tpu.memref_slice %arg4[%add3A_126, %dma_start3A_129] : memref<40960x256xf32, #tpu.memory_space<hbm>> -> memref<128x256xf32, #tpu.memory_space<hbm>>
    tpu.enqueue_dma source(%arg7 : memref<128x256xf32, #tpu.memory_space<vmem>>) target(%dma_start3A_130 : memref<128x256xf32, #tpu.memory_space<hbm>>) target_semaphore(%arg13 : memref<!tpu.dma_semaphore, #tpu.memory_space<semaphore_mem>>)
    %dma_wait3A_131 = arith.constant 0 : i32
    %dma_wait3A_132 = tpu.memref_slice %arg4[%add3A_126, %dma_wait3A_131] : memref<40960x256xf32, #tpu.memory_space<hbm>> -> memref<128x256xf32, #tpu.memory_space<hbm>>
    %dma_wait3A_133 = arith.constant 0 : i32
    %dma_wait3A_134 = tpu.memref_slice %arg4[%add3A_126, %dma_wait3A_133] : memref<40960x256xf32, #tpu.memory_space<hbm>> -> memref<128x256xf32, #tpu.memory_space<hbm>>
    tpu.wait_dma2 semaphore(%arg13 : memref<!tpu.dma_semaphore, #tpu.memory_space<semaphore_mem>>) src(%arg7 : memref<128x256xf32, #tpu.memory_space<vmem>>) dst(%dma_wait3A_134 : memref<128x256xf32, #tpu.memory_space<hbm>>)
    %dma_start3A_135 = arith.constant 7 : i32
    %dma_start3A_136 = arith.constant 0 : i32
    %dma_start3A_137 = tpu.memref_slice %arg5[%dma_start3A_135, %dma_start3A_136] : memref<10x128xi32, #tpu.memory_space<vmem>> -> memref<1x128xi32, #tpu.memory_space<vmem>>
    %dma_start3A_138 = tpu.memref_squeeze %dma_start3A_137 : memref<1x128xi32, #tpu.memory_space<vmem>> -> memref<128xi32, #tpu.memory_space<vmem>>
    %dma_start3A_139 = arith.constant 0 : i32
    %dma_start3A_140 = arith.constant 0 : i32
    %dma_start3A_141 = tpu.memref_slice %arg2[%dma_start3A_139, %dma_start3A_140] : memref<8192x256xf32, #tpu.memory_space<hbm>> -> memref<8192x256xf32, #tpu.memory_space<hbm>>
    tpu.enqueue_indirect_dma source(%dma_start3A_141 : memref<8192x256xf32, #tpu.memory_space<hbm>>) target(%arg7 : memref<128x256xf32, #tpu.memory_space<vmem>>) offsets(%dma_start3A_138 : memref<128xi32, #tpu.memory_space<vmem>>) semaphore(%arg10 : memref<!tpu.dma_semaphore, #tpu.memory_space<semaphore_mem>>)
    %dma_wait3A_142 = arith.constant 5 : i32
    %dma_wait3A_143 = arith.constant 0 : i32
    %dma_wait3A_144 = tpu.memref_slice %arg5[%dma_wait3A_142, %dma_wait3A_143] : memref<10x128xi32, #tpu.memory_space<vmem>> -> memref<1x128xi32, #tpu.memory_space<vmem>>
    %dma_wait3A_145 = tpu.memref_squeeze %dma_wait3A_144 : memref<1x128xi32, #tpu.memory_space<vmem>> -> memref<128xi32, #tpu.memory_space<vmem>>
    %dma_wait3A_146 = arith.constant 0 : i32
    %dma_wait3A_147 = arith.constant 0 : i32
    %dma_wait3A_148 = tpu.memref_slice %arg2[%dma_wait3A_146, %dma_wait3A_147] : memref<8192x256xf32, #tpu.memory_space<hbm>> -> memref<8192x256xf32, #tpu.memory_space<hbm>>
    tpu.wait_indirect_dma semaphore(%arg11 : memref<!tpu.dma_semaphore, #tpu.memory_space<semaphore_mem>>) src(%dma_wait3A_148 : memref<8192x256xf32, #tpu.memory_space<hbm>>) dst(%arg8 : memref<128x256xf32, #tpu.memory_space<vmem>>)
    %add3A_149 = arith.constant 640 : i32
    %add3A_150 = arith.addi %mul3A_22, %add3A_149 : i32
    %dma_start3A_151 = arith.constant 0 : i32
    %dma_start3A_152 = tpu.memref_slice %arg4[%add3A_150, %dma_start3A_151] : memref<40960x256xf32, #tpu.memory_space<hbm>> -> memref<128x256xf32, #tpu.memory_space<hbm>>
    %dma_start3A_153 = arith.constant 0 : i32
    %dma_start3A_154 = tpu.memref_slice %arg4[%add3A_150, %dma_start3A_153] : memref<40960x256xf32, #tpu.memory_space<hbm>> -> memref<128x256xf32, #tpu.memory_space<hbm>>
    tpu.enqueue_dma source(%arg8 : memref<128x256xf32, #tpu.memory_space<vmem>>) target(%dma_start3A_154 : memref<128x256xf32, #tpu.memory_space<hbm>>) target_semaphore(%arg14 : memref<!tpu.dma_semaphore, #tpu.memory_space<semaphore_mem>>)
    %dma_wait3A_155 = arith.constant 0 : i32
    %dma_wait3A_156 = tpu.memref_slice %arg4[%add3A_150, %dma_wait3A_155] : memref<40960x256xf32, #tpu.memory_space<hbm>> -> memref<128x256xf32, #tpu.memory_space<hbm>>
    %dma_wait3A_157 = arith.constant 0 : i32
    %dma_wait3A_158 = tpu.memref_slice %arg4[%add3A_150, %dma_wait3A_157] : memref<40960x256xf32, #tpu.memory_space<hbm>> -> memref<128x256xf32, #tpu.memory_space<hbm>>
    tpu.wait_dma2 semaphore(%arg14 : memref<!tpu.dma_semaphore, #tpu.memory_space<semaphore_mem>>) src(%arg8 : memref<128x256xf32, #tpu.memory_space<vmem>>) dst(%dma_wait3A_158 : memref<128x256xf32, #tpu.memory_space<hbm>>)
    %dma_start3A_159 = arith.constant 8 : i32
    %dma_start3A_160 = arith.constant 0 : i32
    %dma_start3A_161 = tpu.memref_slice %arg5[%dma_start3A_159, %dma_start3A_160] : memref<10x128xi32, #tpu.memory_space<vmem>> -> memref<1x128xi32, #tpu.memory_space<vmem>>
    %dma_start3A_162 = tpu.memref_squeeze %dma_start3A_161 : memref<1x128xi32, #tpu.memory_space<vmem>> -> memref<128xi32, #tpu.memory_space<vmem>>
    %dma_start3A_163 = arith.constant 0 : i32
    %dma_start3A_164 = arith.constant 0 : i32
    %dma_start3A_165 = tpu.memref_slice %arg2[%dma_start3A_163, %dma_start3A_164] : memref<8192x256xf32, #tpu.memory_space<hbm>> -> memref<8192x256xf32, #tpu.memory_space<hbm>>
    tpu.enqueue_indirect_dma source(%dma_start3A_165 : memref<8192x256xf32, #tpu.memory_space<hbm>>) target(%arg8 : memref<128x256xf32, #tpu.memory_space<vmem>>) offsets(%dma_start3A_162 : memref<128xi32, #tpu.memory_space<vmem>>) semaphore(%arg11 : memref<!tpu.dma_semaphore, #tpu.memory_space<semaphore_mem>>)
    %dma_wait3A_166 = arith.constant 6 : i32
    %dma_wait3A_167 = arith.constant 0 : i32
    %dma_wait3A_168 = tpu.memref_slice %arg5[%dma_wait3A_166, %dma_wait3A_167] : memref<10x128xi32, #tpu.memory_space<vmem>> -> memref<1x128xi32, #tpu.memory_space<vmem>>
    %dma_wait3A_169 = tpu.memref_squeeze %dma_wait3A_168 : memref<1x128xi32, #tpu.memory_space<vmem>> -> memref<128xi32, #tpu.memory_space<vmem>>
    %dma_wait3A_170 = arith.constant 0 : i32
    %dma_wait3A_171 = arith.constant 0 : i32
    %dma_wait3A_172 = tpu.memref_slice %arg2[%dma_wait3A_170, %dma_wait3A_171] : memref<8192x256xf32, #tpu.memory_space<hbm>> -> memref<8192x256xf32, #tpu.memory_space<hbm>>
    tpu.wait_indirect_dma semaphore(%arg9 : memref<!tpu.dma_semaphore, #tpu.memory_space<semaphore_mem>>) src(%dma_wait3A_172 : memref<8192x256xf32, #tpu.memory_space<hbm>>) dst(%arg6 : memref<128x256xf32, #tpu.memory_space<vmem>>)
    %add3A_173 = arith.constant 768 : i32
    %add3A_174 = arith.addi %mul3A_22, %add3A_173 : i32
    %dma_start3A_175 = arith.constant 0 : i32
    %dma_start3A_176 = tpu.memref_slice %arg4[%add3A_174, %dma_start3A_175] : memref<40960x256xf32, #tpu.memory_space<hbm>> -> memref<128x256xf32, #tpu.memory_space<hbm>>
    %dma_start3A_177 = arith.constant 0 : i32
    %dma_start3A_178 = tpu.memref_slice %arg4[%add3A_174, %dma_start3A_177] : memref<40960x256xf32, #tpu.memory_space<hbm>> -> memref<128x256xf32, #tpu.memory_space<hbm>>
    tpu.enqueue_dma source(%arg6 : memref<128x256xf32, #tpu.memory_space<vmem>>) target(%dma_start3A_178 : memref<128x256xf32, #tpu.memory_space<hbm>>) target_semaphore(%arg12 : memref<!tpu.dma_semaphore, #tpu.memory_space<semaphore_mem>>)
    %dma_wait3A_179 = arith.constant 0 : i32
    %dma_wait3A_180 = tpu.memref_slice %arg4[%add3A_174, %dma_wait3A_179] : memref<40960x256xf32, #tpu.memory_space<hbm>> -> memref<128x256xf32, #tpu.memory_space<hbm>>
    %dma_wait3A_181 = arith.constant 0 : i32
    %dma_wait3A_182 = tpu.memref_slice %arg4[%add3A_174, %dma_wait3A_181] : memref<40960x256xf32, #tpu.memory_space<hbm>> -> memref<128x256xf32, #tpu.memory_space<hbm>>
    tpu.wait_dma2 semaphore(%arg12 : memref<!tpu.dma_semaphore, #tpu.memory_space<semaphore_mem>>) src(%arg6 : memref<128x256xf32, #tpu.memory_space<vmem>>) dst(%dma_wait3A_182 : memref<128x256xf32, #tpu.memory_space<hbm>>)
    %dma_start3A_183 = arith.constant 9 : i32
    %dma_start3A_184 = arith.constant 0 : i32
    %dma_start3A_185 = tpu.memref_slice %arg5[%dma_start3A_183, %dma_start3A_184] : memref<10x128xi32, #tpu.memory_space<vmem>> -> memref<1x128xi32, #tpu.memory_space<vmem>>
    %dma_start3A_186 = tpu.memref_squeeze %dma_start3A_185 : memref<1x128xi32, #tpu.memory_space<vmem>> -> memref<128xi32, #tpu.memory_space<vmem>>
    %dma_start3A_187 = arith.constant 0 : i32
    %dma_start3A_188 = arith.constant 0 : i32
    %dma_start3A_189 = tpu.memref_slice %arg2[%dma_start3A_187, %dma_start3A_188] : memref<8192x256xf32, #tpu.memory_space<hbm>> -> memref<8192x256xf32, #tpu.memory_space<hbm>>
    tpu.enqueue_indirect_dma source(%dma_start3A_189 : memref<8192x256xf32, #tpu.memory_space<hbm>>) target(%arg6 : memref<128x256xf32, #tpu.memory_space<vmem>>) offsets(%dma_start3A_186 : memref<128xi32, #tpu.memory_space<vmem>>) semaphore(%arg9 : memref<!tpu.dma_semaphore, #tpu.memory_space<semaphore_mem>>)
    %dma_wait3A_190 = arith.constant 7 : i32
    %dma_wait3A_191 = arith.constant 0 : i32
    %dma_wait3A_192 = tpu.memref_slice %arg5[%dma_wait3A_190, %dma_wait3A_191] : memref<10x128xi32, #tpu.memory_space<vmem>> -> memref<1x128xi32, #tpu.memory_space<vmem>>
    %dma_wait3A_193 = tpu.memref_squeeze %dma_wait3A_192 : memref<1x128xi32, #tpu.memory_space<vmem>> -> memref<128xi32, #tpu.memory_space<vmem>>
    %dma_wait3A_194 = arith.constant 0 : i32
    %dma_wait3A_195 = arith.constant 0 : i32
    %dma_wait3A_196 = tpu.memref_slice %arg2[%dma_wait3A_194, %dma_wait3A_195] : memref<8192x256xf32, #tpu.memory_space<hbm>> -> memref<8192x256xf32, #tpu.memory_space<hbm>>
    tpu.wait_indirect_dma semaphore(%arg10 : memref<!tpu.dma_semaphore, #tpu.memory_space<semaphore_mem>>) src(%dma_wait3A_196 : memref<8192x256xf32, #tpu.memory_space<hbm>>) dst(%arg7 : memref<128x256xf32, #tpu.memory_space<vmem>>)
    %add3A_197 = arith.constant 896 : i32
    %add3A_198 = arith.addi %mul3A_22, %add3A_197 : i32
    %dma_start3A_199 = arith.constant 0 : i32
    %dma_start3A_200 = tpu.memref_slice %arg4[%add3A_198, %dma_start3A_199] : memref<40960x256xf32, #tpu.memory_space<hbm>> -> memref<128x256xf32, #tpu.memory_space<hbm>>
    %dma_start3A_201 = arith.constant 0 : i32
    %dma_start3A_202 = tpu.memref_slice %arg4[%add3A_198, %dma_start3A_201] : memref<40960x256xf32, #tpu.memory_space<hbm>> -> memref<128x256xf32, #tpu.memory_space<hbm>>
    tpu.enqueue_dma source(%arg7 : memref<128x256xf32, #tpu.memory_space<vmem>>) target(%dma_start3A_202 : memref<128x256xf32, #tpu.memory_space<hbm>>) target_semaphore(%arg13 : memref<!tpu.dma_semaphore, #tpu.memory_space<semaphore_mem>>)
    %dma_wait3A_203 = arith.constant 8 : i32
    %dma_wait3A_204 = arith.constant 0 : i32
    %dma_wait3A_205 = tpu.memref_slice %arg5[%dma_wait3A_203, %dma_wait3A_204] : memref<10x128xi32, #tpu.memory_space<vmem>> -> memref<1x128xi32, #tpu.memory_space<vmem>>
    %dma_wait3A_206 = tpu.memref_squeeze %dma_wait3A_205 : memref<1x128xi32, #tpu.memory_space<vmem>> -> memref<128xi32, #tpu.memory_space<vmem>>
    %dma_wait3A_207 = arith.constant 0 : i32
    %dma_wait3A_208 = arith.constant 0 : i32
    %dma_wait3A_209 = tpu.memref_slice %arg2[%dma_wait3A_207, %dma_wait3A_208] : memref<8192x256xf32, #tpu.memory_space<hbm>> -> memref<8192x256xf32, #tpu.memory_space<hbm>>
    tpu.wait_indirect_dma semaphore(%arg11 : memref<!tpu.dma_semaphore, #tpu.memory_space<semaphore_mem>>) src(%dma_wait3A_209 : memref<8192x256xf32, #tpu.memory_space<hbm>>) dst(%arg8 : memref<128x256xf32, #tpu.memory_space<vmem>>)
    %add3A_210 = arith.constant 1024 : i32
    %add3A_211 = arith.addi %mul3A_22, %add3A_210 : i32
    %dma_start3A_212 = arith.constant 0 : i32
    %dma_start3A_213 = tpu.memref_slice %arg4[%add3A_211, %dma_start3A_212] : memref<40960x256xf32, #tpu.memory_space<hbm>> -> memref<128x256xf32, #tpu.memory_space<hbm>>
    %dma_start3A_214 = arith.constant 0 : i32
    %dma_start3A_215 = tpu.memref_slice %arg4[%add3A_211, %dma_start3A_214] : memref<40960x256xf32, #tpu.memory_space<hbm>> -> memref<128x256xf32, #tpu.memory_space<hbm>>
    tpu.enqueue_dma source(%arg8 : memref<128x256xf32, #tpu.memory_space<vmem>>) target(%dma_start3A_215 : memref<128x256xf32, #tpu.memory_space<hbm>>) target_semaphore(%arg14 : memref<!tpu.dma_semaphore, #tpu.memory_space<semaphore_mem>>)
    %dma_wait3A_216 = arith.constant 9 : i32
    %dma_wait3A_217 = arith.constant 0 : i32
    %dma_wait3A_218 = tpu.memref_slice %arg5[%dma_wait3A_216, %dma_wait3A_217] : memref<10x128xi32, #tpu.memory_space<vmem>> -> memref<1x128xi32, #tpu.memory_space<vmem>>
    %dma_wait3A_219 = tpu.memref_squeeze %dma_wait3A_218 : memref<1x128xi32, #tpu.memory_space<vmem>> -> memref<128xi32, #tpu.memory_space<vmem>>
    %dma_wait3A_220 = arith.constant 0 : i32
    %dma_wait3A_221 = arith.constant 0 : i32
    %dma_wait3A_222 = tpu.memref_slice %arg2[%dma_wait3A_220, %dma_wait3A_221] : memref<8192x256xf32, #tpu.memory_space<hbm>> -> memref<8192x256xf32, #tpu.memory_space<hbm>>
    tpu.wait_indirect_dma semaphore(%arg9 : memref<!tpu.dma_semaphore, #tpu.memory_space<semaphore_mem>>) src(%dma_wait3A_222 : memref<8192x256xf32, #tpu.memory_space<hbm>>) dst(%arg6 : memref<128x256xf32, #tpu.memory_space<vmem>>)
    %add3A_223 = arith.constant 1152 : i32
    %add3A_224 = arith.addi %mul3A_22, %add3A_223 : i32
    %dma_start3A_225 = arith.constant 0 : i32
    %dma_start3A_226 = tpu.memref_slice %arg4[%add3A_224, %dma_start3A_225] : memref<40960x256xf32, #tpu.memory_space<hbm>> -> memref<128x256xf32, #tpu.memory_space<hbm>>
    %dma_start3A_227 = arith.constant 0 : i32
    %dma_start3A_228 = tpu.memref_slice %arg4[%add3A_224, %dma_start3A_227] : memref<40960x256xf32, #tpu.memory_space<hbm>> -> memref<128x256xf32, #tpu.memory_space<hbm>>
    tpu.enqueue_dma source(%arg6 : memref<128x256xf32, #tpu.memory_space<vmem>>) target(%dma_start3A_228 : memref<128x256xf32, #tpu.memory_space<hbm>>) target_semaphore(%arg12 : memref<!tpu.dma_semaphore, #tpu.memory_space<semaphore_mem>>)
    %dma_wait3A_229 = arith.constant 0 : i32
    %dma_wait3A_230 = tpu.memref_slice %arg4[%add3A_198, %dma_wait3A_229] : memref<40960x256xf32, #tpu.memory_space<hbm>> -> memref<128x256xf32, #tpu.memory_space<hbm>>
    %dma_wait3A_231 = arith.constant 0 : i32
    %dma_wait3A_232 = tpu.memref_slice %arg4[%add3A_198, %dma_wait3A_231] : memref<40960x256xf32, #tpu.memory_space<hbm>> -> memref<128x256xf32, #tpu.memory_space<hbm>>
    tpu.wait_dma2 semaphore(%arg13 : memref<!tpu.dma_semaphore, #tpu.memory_space<semaphore_mem>>) src(%arg7 : memref<128x256xf32, #tpu.memory_space<vmem>>) dst(%dma_wait3A_232 : memref<128x256xf32, #tpu.memory_space<hbm>>)
    %dma_wait3A_233 = arith.constant 0 : i32
    %dma_wait3A_234 = tpu.memref_slice %arg4[%add3A_211, %dma_wait3A_233] : memref<40960x256xf32, #tpu.memory_space<hbm>> -> memref<128x256xf32, #tpu.memory_space<hbm>>
    %dma_wait3A_235 = arith.constant 0 : i32
    %dma_wait3A_236 = tpu.memref_slice %arg4[%add3A_211, %dma_wait3A_235] : memref<40960x256xf32, #tpu.memory_space<hbm>> -> memref<128x256xf32, #tpu.memory_space<hbm>>
    tpu.wait_dma2 semaphore(%arg14 : memref<!tpu.dma_semaphore, #tpu.memory_space<semaphore_mem>>) src(%arg8 : memref<128x256xf32, #tpu.memory_space<vmem>>) dst(%dma_wait3A_236 : memref<128x256xf32, #tpu.memory_space<hbm>>)
    %dma_wait3A_237 = arith.constant 0 : i32
    %dma_wait3A_238 = tpu.memref_slice %arg4[%add3A_224, %dma_wait3A_237] : memref<40960x256xf32, #tpu.memory_space<hbm>> -> memref<128x256xf32, #tpu.memory_space<hbm>>
    %dma_wait3A_239 = arith.constant 0 : i32
    %dma_wait3A_240 = tpu.memref_slice %arg4[%add3A_224, %dma_wait3A_239] : memref<40960x256xf32, #tpu.memory_space<hbm>> -> memref<128x256xf32, #tpu.memory_space<hbm>>
    tpu.wait_dma2 semaphore(%arg12 : memref<!tpu.dma_semaphore, #tpu.memory_space<semaphore_mem>>) src(%arg6 : memref<128x256xf32, #tpu.memory_space<vmem>>) dst(%dma_wait3A_240 : memref<128x256xf32, #tpu.memory_space<hbm>>)
    return
  }
}

module attributes {stable_mosaic.version = 14 : i64} {
  func.func @_knn_proj_body(%arg0: i32, %arg1: i32, %arg2: memref<1x1024x128xf32, #tpu.memory_space<vmem>>, %arg3: memref<1x2048x128xf32, #tpu.memory_space<vmem>>, %arg4: memref<1x1024x1xf32, #tpu.memory_space<vmem>>, %arg5: memref<1x1x2048xf32, #tpu.memory_space<vmem>>, %arg6: memref<128x128xf32, #tpu.memory_space<vmem>>, %arg7: memref<128x256xf32, #tpu.memory_space<vmem>>, %arg8: memref<1x1024x5xi32, #tpu.memory_space<vmem>>, %arg9: memref<1x1024x128xf32, #tpu.memory_space<vmem>>, %arg10: memref<1x1024x256xf32, #tpu.memory_space<vmem>>) attributes {dimension_semantics = [#tpu.dimension_semantics<arbitrary>, #tpu.dimension_semantics<arbitrary>], iteration_bounds = array<i64: 4, 2>, scalar_prefetch = 0 : i64, scratch_operands = 0 : i64, tpu.core_type = #tpu.core_type<tc>, window_params = [{transform_indices = @transform_0, window_bounds = array<i64: 1, 1024, 128>}, {transform_indices = @transform_1, window_bounds = array<i64: 1, 2048, 128>}, {transform_indices = @transform_2, window_bounds = array<i64: 1, 1024, 1>}, {transform_indices = @transform_3, window_bounds = array<i64: 1, 1, 2048>}, {pipeline_mode = #tpu.pipeline_mode<synchronous>, transform_indices = @transform_4, window_bounds = array<i64: 128, 128>}, {pipeline_mode = #tpu.pipeline_mode<synchronous>, transform_indices = @transform_5, window_bounds = array<i64: 128, 256>}, {transform_indices = @transform_6, window_bounds = array<i64: 1, 1024, 5>}, {transform_indices = @transform_7, window_bounds = array<i64: 1, 1024, 128>}, {transform_indices = @transform_8, window_bounds = array<i64: 1, 1024, 256>}]} {
    %get3A = arith.constant 0 : index
    %get3A_0 = arith.constant 0 : index
    %get3A_1 = arith.constant 0 : index
    %get3A_2 = vector.load %arg2[%get3A, %get3A_0, %get3A_1] : memref<1x1024x128xf32, #tpu.memory_space<vmem>>, vector<1x1024x128xf32>
    %get3A_3 = vector.shape_cast %get3A_2 : vector<1x1024x128xf32> to vector<1024x128xf32>
    %get3A_4 = arith.constant 0 : index
    %get3A_5 = arith.constant 0 : index
    %get3A_6 = arith.constant 0 : index
    %get3A_7 = vector.load %arg3[%get3A_4, %get3A_5, %get3A_6] : memref<1x2048x128xf32, #tpu.memory_space<vmem>>, vector<1x2048x128xf32>
    %get3A_8 = vector.shape_cast %get3A_7 : vector<1x2048x128xf32> to vector<2048x128xf32>
    %get3A_9 = arith.constant 0 : index
    %get3A_10 = arith.constant 0 : index
    %get3A_11 = vector.load %arg6[%get3A_9, %get3A_10] : memref<128x128xf32, #tpu.memory_space<vmem>>, vector<128x128xf32>
    %dot_general3A = arith.constant dense<0.000000e+00> : vector<1024x128xf32>
    %dot_general3A_12 = tpu.matmul %get3A_3, %get3A_11, %dot_general3A {dimension_numbers = #tpu.dot_dimension_numbers<[1], [0], [0], [1], [0, 0, 1, 1], [], []>, transpose_lhs_hint = false} : vector<1024x128xf32>, vector<128x128xf32>, vector<1024x128xf32> -> vector<1024x128xf32>
    %swap3A = arith.constant 0 : index
    %swap3A_13 = arith.constant 0 : index
    %swap3A_14 = arith.constant 0 : index
    %swap3A_15 = vector.load %arg9[%swap3A, %swap3A_13, %swap3A_14] : memref<1x1024x128xf32, #tpu.memory_space<vmem>>, vector<1x1024x128xf32>
    %swap3A_16 = vector.shape_cast %swap3A_15 : vector<1x1024x128xf32> to vector<1024x128xf32>
    %swap3A_17 = vector.shape_cast %dot_general3A_12 : vector<1024x128xf32> to vector<1x1024x128xf32>
    tpu.vector_store %arg9[%swap3A, %swap3A_13, %swap3A_14], %swap3A_17 {strides = array<i32>} : memref<1x1024x128xf32, #tpu.memory_space<vmem>>, vector<1x1024x128xf32>,
    %get3A_18 = arith.constant 0 : index
    %get3A_19 = arith.constant 0 : index
    %get3A_20 = vector.load %arg7[%get3A_18, %get3A_19] : memref<128x256xf32, #tpu.memory_space<vmem>>, vector<128x256xf32>
    %dot_general3A_21 = arith.constant dense<0.000000e+00> : vector<1024x256xf32>
    %dot_general3A_22 = tpu.matmul %get3A_3, %get3A_20, %dot_general3A_21 {dimension_numbers = #tpu.dot_dimension_numbers<[1], [0], [0], [1], [0, 0, 1, 1], [], []>, transpose_lhs_hint = false} : vector<1024x128xf32>, vector<128x256xf32>, vector<1024x256xf32> -> vector<1024x256xf32>
    %swap3A_23 = arith.constant 0 : index
    %swap3A_24 = arith.constant 0 : index
    %swap3A_25 = arith.constant 0 : index
    %swap3A_26 = vector.load %arg10[%swap3A_23, %swap3A_24, %swap3A_25] : memref<1x1024x256xf32, #tpu.memory_space<vmem>>, vector<1x1024x256xf32>
    %swap3A_27 = vector.shape_cast %swap3A_26 : vector<1x1024x256xf32> to vector<1024x256xf32>
    %swap3A_28 = vector.shape_cast %dot_general3A_22 : vector<1024x256xf32> to vector<1x1024x256xf32>
    tpu.vector_store %arg10[%swap3A_23, %swap3A_24, %swap3A_25], %swap3A_28 {strides = array<i32>} : memref<1x1024x256xf32, #tpu.memory_space<vmem>>, vector<1x1024x256xf32>,
    %dot_general3A_29 = arith.constant dense<0.000000e+00> : vector<1024x2048xf32>
    %dot_general3A_30 = tpu.matmul %get3A_3, %get3A_8, %dot_general3A_29 {dimension_numbers = #tpu.dot_dimension_numbers<[1], [1], [0], [0], [0, 0, 1, 0], [], []>, transpose_lhs_hint = false} : vector<1024x128xf32>, vector<2048x128xf32>, vector<1024x2048xf32> -> vector<1024x2048xf32>
    %iota3A = tpu.iota {dimensions = array<i32: 1>} : vector<1024x128xi32>
    %iota3A_31 = tpu.iota {dimensions = array<i32: 0>} : vector<1024x1xi32>
    %mul3A = arith.constant 1024 : i32
    %mul3A_32 = arith.muli %arg1, %mul3A : i32
    %add3A = vector.broadcast %mul3A_32 : i32 to vector<1024x1xi32>
    %add3A_33 = arith.addi %iota3A_31, %add3A : vector<1024x1xi32>
    %get3A_34 = arith.constant 0 : index
    %get3A_35 = arith.constant 0 : index
    %get3A_36 = arith.constant 0 : index
    %get3A_37 = vector.load %arg4[%get3A_34, %get3A_35, %get3A_36] : memref<1x1024x1xf32, #tpu.memory_space<vmem>>, vector<1x1024x1xf32>
    %get3A_38 = vector.shape_cast %get3A_37 : vector<1x1024x1xf32> to vector<1024x1xf32>
    %get3A_39 = arith.constant 0 : index
    %get3A_40 = arith.constant 0 : index
    %get3A_41 = arith.constant 0 : index
    %get3A_42 = vector.load %arg5[%get3A_39, %get3A_40, %get3A_41] : memref<1x1x2048xf32, #tpu.memory_space<vmem>>, vector<1x1x2048xf32>
    %get3A_43 = vector.shape_cast %get3A_42 : vector<1x1x2048xf32> to vector<1x2048xf32>
    %broadcast_in_dim3A = arith.constant 0x7F800000 : f32
    %broadcast_in_dim3A_44 = vector.broadcast %broadcast_in_dim3A : f32 to vector<1024x128xf32>
    %broadcast_in_dim3A_45 = arith.constant 0x7F800000 : f32
    %broadcast_in_dim3A_46 = vector.broadcast %broadcast_in_dim3A_45 : f32 to vector<1024x128xf32>
    %broadcast_in_dim3A_47 = arith.constant 0x7F800000 : f32
    %broadcast_in_dim3A_48 = vector.broadcast %broadcast_in_dim3A_47 : f32 to vector<1024x128xf32>
    %broadcast_in_dim3A_49 = arith.constant 0x7F800000 : f32
    %broadcast_in_dim3A_50 = vector.broadcast %broadcast_in_dim3A_49 : f32 to vector<1024x128xf32>
    %broadcast_in_dim3A_51 = arith.constant 0x7F800000 : f32
    %broadcast_in_dim3A_52 = vector.broadcast %broadcast_in_dim3A_51 : f32 to vector<1024x128xf32>
    %broadcast_in_dim3A_53 = arith.constant 0 : i32
    %broadcast_in_dim3A_54 = vector.broadcast %broadcast_in_dim3A_53 : i32 to vector<1024x128xi32>
    %broadcast_in_dim3A_55 = arith.constant 0 : i32
    %broadcast_in_dim3A_56 = vector.broadcast %broadcast_in_dim3A_55 : i32 to vector<1024x128xi32>
    %broadcast_in_dim3A_57 = arith.constant 0 : i32
    %broadcast_in_dim3A_58 = vector.broadcast %broadcast_in_dim3A_57 : i32 to vector<1024x128xi32>
    %broadcast_in_dim3A_59 = arith.constant 0 : i32
    %broadcast_in_dim3A_60 = vector.broadcast %broadcast_in_dim3A_59 : i32 to vector<1024x128xi32>
    %broadcast_in_dim3A_61 = arith.constant 0 : i32
    %broadcast_in_dim3A_62 = vector.broadcast %broadcast_in_dim3A_61 : i32 to vector<1024x128xi32>
    %slice3A = vector.extract_strided_slice %get3A_43 {offsets = [0, 0], sizes = [1, 128], strides = [1, 1]} : vector<1x2048xf32> to vector<1x128xf32>
    %add3A_63 = vector.broadcast %get3A_38 : vector<1024x1xf32> to vector<1024x128xf32>
    %add3A_64 = vector.broadcast %slice3A : vector<1x128xf32> to vector<1024x128xf32>
    %add3A_65 = arith.addf %add3A_63, %add3A_64 : vector<1024x128xf32>
    %slice3A_66 = vector.extract_strided_slice %dot_general3A_30 {offsets = [0, 0], sizes = [1024, 128], strides = [1, 1]} : vector<1024x2048xf32> to vector<1024x128xf32>
    %mul3A_67 = arith.constant 2.000000e+00 : f32
    %mul3A_68 = vector.broadcast %mul3A_67 : f32 to vector<1024x128xf32>
    %mul3A_69 = arith.mulf %mul3A_68, %slice3A_66 : vector<1024x128xf32>
    %sub3A = arith.subf %add3A_65, %mul3A_69 : vector<1024x128xf32>
    %add3A_70 = arith.constant 0 : i32
    %add3A_71 = vector.broadcast %add3A_70 : i32 to vector<1024x128xi32>
    %add3A_72 = arith.addi %iota3A, %add3A_71 : vector<1024x128xi32>
    %eq3A = vector.broadcast %add3A_33 : vector<1024x1xi32> to vector<1024x128xi32>
    %eq3A_73 = arith.cmpi eq, %add3A_72, %eq3A : vector<1024x128xi32>
    %jit3A = arith.constant 0x7F800000 : f32
    %broadcast_in_dim3A_74 = vector.broadcast %jit3A : f32 to vector<1024x128xf32>
    %select_n3A = arith.select %eq3A_73, %broadcast_in_dim3A_74, %sub3A : vector<1024x128xi1>, vector<1024x128xf32>
    %lt3A = arith.cmpf olt, %select_n3A, %broadcast_in_dim3A_44 : vector<1024x128xf32>
    %lt3A_75 = arith.cmpf olt, %select_n3A, %broadcast_in_dim3A_46 : vector<1024x128xf32>
    %lt3A_76 = arith.cmpf olt, %select_n3A, %broadcast_in_dim3A_48 : vector<1024x128xf32>
    %lt3A_77 = arith.cmpf olt, %select_n3A, %broadcast_in_dim3A_50 : vector<1024x128xf32>
    %lt3A_78 = arith.cmpf olt, %select_n3A, %broadcast_in_dim3A_52 : vector<1024x128xf32>
    %select_n3A_79 = arith.select %lt3A_77, %broadcast_in_dim3A_50, %select_n3A : vector<1024x128xi1>, vector<1024x128xf32>
    %select_n3A_80 = arith.select %lt3A_78, %select_n3A_79, %broadcast_in_dim3A_52 : vector<1024x128xi1>, vector<1024x128xf32>
    %jit3A_81 = arith.constant 0 : i32
    %broadcast_in_dim3A_82 = vector.broadcast %jit3A_81 : i32 to vector<1024x128xi32>
    %select_n3A_83 = arith.select %lt3A_77, %broadcast_in_dim3A_60, %broadcast_in_dim3A_82 : vector<1024x128xi1>, vector<1024x128xi32>
    %select_n3A_84 = arith.select %lt3A_78, %select_n3A_83, %broadcast_in_dim3A_62 : vector<1024x128xi1>, vector<1024x128xi32>
    %select_n3A_85 = arith.select %lt3A_76, %broadcast_in_dim3A_48, %select_n3A : vector<1024x128xi1>, vector<1024x128xf32>
    %select_n3A_86 = arith.select %lt3A_77, %select_n3A_85, %broadcast_in_dim3A_50 : vector<1024x128xi1>, vector<1024x128xf32>
    %jit3A_87 = arith.constant 0 : i32
    %broadcast_in_dim3A_88 = vector.broadcast %jit3A_87 : i32 to vector<1024x128xi32>
    %select_n3A_89 = arith.select %lt3A_76, %broadcast_in_dim3A_58, %broadcast_in_dim3A_88 : vector<1024x128xi1>, vector<1024x128xi32>
    %select_n3A_90 = arith.select %lt3A_77, %select_n3A_89, %broadcast_in_dim3A_60 : vector<1024x128xi1>, vector<1024x128xi32>
    %select_n3A_91 = arith.select %lt3A_75, %broadcast_in_dim3A_46, %select_n3A : vector<1024x128xi1>, vector<1024x128xf32>
    %select_n3A_92 = arith.select %lt3A_76, %select_n3A_91, %broadcast_in_dim3A_48 : vector<1024x128xi1>, vector<1024x128xf32>
    %jit3A_93 = arith.constant 0 : i32
    %broadcast_in_dim3A_94 = vector.broadcast %jit3A_93 : i32 to vector<1024x128xi32>
    %select_n3A_95 = arith.select %lt3A_75, %broadcast_in_dim3A_56, %broadcast_in_dim3A_94 : vector<1024x128xi1>, vector<1024x128xi32>
    %select_n3A_96 = arith.select %lt3A_76, %select_n3A_95, %broadcast_in_dim3A_58 : vector<1024x128xi1>, vector<1024x128xi32>
    %select_n3A_97 = arith.select %lt3A, %broadcast_in_dim3A_44, %select_n3A : vector<1024x128xi1>, vector<1024x128xf32>
    %select_n3A_98 = arith.select %lt3A_75, %select_n3A_97, %broadcast_in_dim3A_46 : vector<1024x128xi1>, vector<1024x128xf32>
    %jit3A_99 = arith.constant 0 : i32
    %broadcast_in_dim3A_100 = vector.broadcast %jit3A_99 : i32 to vector<1024x128xi32>
    %select_n3A_101 = arith.select %lt3A, %broadcast_in_dim3A_54, %broadcast_in_dim3A_100 : vector<1024x128xi1>, vector<1024x128xi32>
    %select_n3A_102 = arith.select %lt3A_75, %select_n3A_101, %broadcast_in_dim3A_56 : vector<1024x128xi1>, vector<1024x128xi32>
    %select_n3A_103 = arith.select %lt3A, %select_n3A, %broadcast_in_dim3A_44 : vector<1024x128xi1>, vector<1024x128xf32>
    %jit3A_104 = arith.constant 0 : i32
    %broadcast_in_dim3A_105 = vector.broadcast %jit3A_104 : i32 to vector<1024x128xi32>
    %select_n3A_106 = arith.select %lt3A, %broadcast_in_dim3A_105, %broadcast_in_dim3A_54 : vector<1024x128xi1>, vector<1024x128xi32>
    %slice3A_107 = vector.extract_strided_slice %get3A_43 {offsets = [0, 128], sizes = [1, 128], strides = [1, 1]} : vector<1x2048xf32> to vector<1x128xf32>
    %add3A_108 = vector.broadcast %get3A_38 : vector<1024x1xf32> to vector<1024x128xf32>
    %add3A_109 = vector.broadcast %slice3A_107 : vector<1x128xf32> to vector<1024x128xf32>
    %add3A_110 = arith.addf %add3A_108, %add3A_109 : vector<1024x128xf32>
    %slice3A_111 = vector.extract_strided_slice %dot_general3A_30 {offsets = [0, 128], sizes = [1024, 128], strides = [1, 1]} : vector<1024x2048xf32> to vector<1024x128xf32>
    %mul3A_112 = arith.constant 2.000000e+00 : f32
    %mul3A_113 = vector.broadcast %mul3A_112 : f32 to vector<1024x128xf32>
    %mul3A_114 = arith.mulf %mul3A_113, %slice3A_111 : vector<1024x128xf32>
    %sub3A_115 = arith.subf %add3A_110, %mul3A_114 : vector<1024x128xf32>
    %add3A_116 = arith.constant 128 : i32
    %add3A_117 = vector.broadcast %add3A_116 : i32 to vector<1024x128xi32>
    %add3A_118 = arith.addi %iota3A, %add3A_117 : vector<1024x128xi32>
    %eq3A_119 = vector.broadcast %add3A_33 : vector<1024x1xi32> to vector<1024x128xi32>
    %eq3A_120 = arith.cmpi eq, %add3A_118, %eq3A_119 : vector<1024x128xi32>
    %jit3A_121 = arith.constant 0x7F800000 : f32
    %broadcast_in_dim3A_122 = vector.broadcast %jit3A_121 : f32 to vector<1024x128xf32>
    %select_n3A_123 = arith.select %eq3A_120, %broadcast_in_dim3A_122, %sub3A_115 : vector<1024x128xi1>, vector<1024x128xf32>
    %lt3A_124 = arith.cmpf olt, %select_n3A_123, %select_n3A_103 : vector<1024x128xf32>
    %lt3A_125 = arith.cmpf olt, %select_n3A_123, %select_n3A_98 : vector<1024x128xf32>
    %lt3A_126 = arith.cmpf olt, %select_n3A_123, %select_n3A_92 : vector<1024x128xf32>
    %lt3A_127 = arith.cmpf olt, %select_n3A_123, %select_n3A_86 : vector<1024x128xf32>
    %lt3A_128 = arith.cmpf olt, %select_n3A_123, %select_n3A_80 : vector<1024x128xf32>
    %select_n3A_129 = arith.select %lt3A_127, %select_n3A_86, %select_n3A_123 : vector<1024x128xi1>, vector<1024x128xf32>
    %select_n3A_130 = arith.select %lt3A_128, %select_n3A_129, %select_n3A_80 : vector<1024x128xi1>, vector<1024x128xf32>
    %jit3A_131 = arith.constant 1 : i32
    %broadcast_in_dim3A_132 = vector.broadcast %jit3A_131 : i32 to vector<1024x128xi32>
    %select_n3A_133 = arith.select %lt3A_127, %select_n3A_90, %broadcast_in_dim3A_132 : vector<1024x128xi1>, vector<1024x128xi32>
    %select_n3A_134 = arith.select %lt3A_128, %select_n3A_133, %select_n3A_84 : vector<1024x128xi1>, vector<1024x128xi32>
    %select_n3A_135 = arith.select %lt3A_126, %select_n3A_92, %select_n3A_123 : vector<1024x128xi1>, vector<1024x128xf32>
    %select_n3A_136 = arith.select %lt3A_127, %select_n3A_135, %select_n3A_86 : vector<1024x128xi1>, vector<1024x128xf32>
    %jit3A_137 = arith.constant 1 : i32
    %broadcast_in_dim3A_138 = vector.broadcast %jit3A_137 : i32 to vector<1024x128xi32>
    %select_n3A_139 = arith.select %lt3A_126, %select_n3A_96, %broadcast_in_dim3A_138 : vector<1024x128xi1>, vector<1024x128xi32>
    %select_n3A_140 = arith.select %lt3A_127, %select_n3A_139, %select_n3A_90 : vector<1024x128xi1>, vector<1024x128xi32>
    %select_n3A_141 = arith.select %lt3A_125, %select_n3A_98, %select_n3A_123 : vector<1024x128xi1>, vector<1024x128xf32>
    %select_n3A_142 = arith.select %lt3A_126, %select_n3A_141, %select_n3A_92 : vector<1024x128xi1>, vector<1024x128xf32>
    %jit3A_143 = arith.constant 1 : i32
    %broadcast_in_dim3A_144 = vector.broadcast %jit3A_143 : i32 to vector<1024x128xi32>
    %select_n3A_145 = arith.select %lt3A_125, %select_n3A_102, %broadcast_in_dim3A_144 : vector<1024x128xi1>, vector<1024x128xi32>
    %select_n3A_146 = arith.select %lt3A_126, %select_n3A_145, %select_n3A_96 : vector<1024x128xi1>, vector<1024x128xi32>
    %select_n3A_147 = arith.select %lt3A_124, %select_n3A_103, %select_n3A_123 : vector<1024x128xi1>, vector<1024x128xf32>
    %select_n3A_148 = arith.select %lt3A_125, %select_n3A_147, %select_n3A_98 : vector<1024x128xi1>, vector<1024x128xf32>
    %jit3A_149 = arith.constant 1 : i32
    %broadcast_in_dim3A_150 = vector.broadcast %jit3A_149 : i32 to vector<1024x128xi32>
    %select_n3A_151 = arith.select %lt3A_124, %select_n3A_106, %broadcast_in_dim3A_150 : vector<1024x128xi1>, vector<1024x128xi32>
    %select_n3A_152 = arith.select %lt3A_125, %select_n3A_151, %select_n3A_102 : vector<1024x128xi1>, vector<1024x128xi32>
    %select_n3A_153 = arith.select %lt3A_124, %select_n3A_123, %select_n3A_103 : vector<1024x128xi1>, vector<1024x128xf32>
    %jit3A_154 = arith.constant 1 : i32
    %broadcast_in_dim3A_155 = vector.broadcast %jit3A_154 : i32 to vector<1024x128xi32>
    %select_n3A_156 = arith.select %lt3A_124, %broadcast_in_dim3A_155, %select_n3A_106 : vector<1024x128xi1>, vector<1024x128xi32>
    %slice3A_157 = vector.extract_strided_slice %get3A_43 {offsets = [0, 256], sizes = [1, 128], strides = [1, 1]} : vector<1x2048xf32> to vector<1x128xf32>
    %add3A_158 = vector.broadcast %get3A_38 : vector<1024x1xf32> to vector<1024x128xf32>
    %add3A_159 = vector.broadcast %slice3A_157 : vector<1x128xf32> to vector<1024x128xf32>
    %add3A_160 = arith.addf %add3A_158, %add3A_159 : vector<1024x128xf32>
    %slice3A_161 = vector.extract_strided_slice %dot_general3A_30 {offsets = [0, 256], sizes = [1024, 128], strides = [1, 1]} : vector<1024x2048xf32> to vector<1024x128xf32>
    %mul3A_162 = arith.constant 2.000000e+00 : f32
    %mul3A_163 = vector.broadcast %mul3A_162 : f32 to vector<1024x128xf32>
    %mul3A_164 = arith.mulf %mul3A_163, %slice3A_161 : vector<1024x128xf32>
    %sub3A_165 = arith.subf %add3A_160, %mul3A_164 : vector<1024x128xf32>
    %add3A_166 = arith.constant 256 : i32
    %add3A_167 = vector.broadcast %add3A_166 : i32 to vector<1024x128xi32>
    %add3A_168 = arith.addi %iota3A, %add3A_167 : vector<1024x128xi32>
    %eq3A_169 = vector.broadcast %add3A_33 : vector<1024x1xi32> to vector<1024x128xi32>
    %eq3A_170 = arith.cmpi eq, %add3A_168, %eq3A_169 : vector<1024x128xi32>
    %jit3A_171 = arith.constant 0x7F800000 : f32
    %broadcast_in_dim3A_172 = vector.broadcast %jit3A_171 : f32 to vector<1024x128xf32>
    %select_n3A_173 = arith.select %eq3A_170, %broadcast_in_dim3A_172, %sub3A_165 : vector<1024x128xi1>, vector<1024x128xf32>
    %lt3A_174 = arith.cmpf olt, %select_n3A_173, %select_n3A_153 : vector<1024x128xf32>
    %lt3A_175 = arith.cmpf olt, %select_n3A_173, %select_n3A_148 : vector<1024x128xf32>
    %lt3A_176 = arith.cmpf olt, %select_n3A_173, %select_n3A_142 : vector<1024x128xf32>
    %lt3A_177 = arith.cmpf olt, %select_n3A_173, %select_n3A_136 : vector<1024x128xf32>
    %lt3A_178 = arith.cmpf olt, %select_n3A_173, %select_n3A_130 : vector<1024x128xf32>
    %select_n3A_179 = arith.select %lt3A_177, %select_n3A_136, %select_n3A_173 : vector<1024x128xi1>, vector<1024x128xf32>
    %select_n3A_180 = arith.select %lt3A_178, %select_n3A_179, %select_n3A_130 : vector<1024x128xi1>, vector<1024x128xf32>
    %jit3A_181 = arith.constant 2 : i32
    %broadcast_in_dim3A_182 = vector.broadcast %jit3A_181 : i32 to vector<1024x128xi32>
    %select_n3A_183 = arith.select %lt3A_177, %select_n3A_140, %broadcast_in_dim3A_182 : vector<1024x128xi1>, vector<1024x128xi32>
    %select_n3A_184 = arith.select %lt3A_178, %select_n3A_183, %select_n3A_134 : vector<1024x128xi1>, vector<1024x128xi32>
    %select_n3A_185 = arith.select %lt3A_176, %select_n3A_142, %select_n3A_173 : vector<1024x128xi1>, vector<1024x128xf32>
    %select_n3A_186 = arith.select %lt3A_177, %select_n3A_185, %select_n3A_136 : vector<1024x128xi1>, vector<1024x128xf32>
    %jit3A_187 = arith.constant 2 : i32
    %broadcast_in_dim3A_188 = vector.broadcast %jit3A_187 : i32 to vector<1024x128xi32>
    %select_n3A_189 = arith.select %lt3A_176, %select_n3A_146, %broadcast_in_dim3A_188 : vector<1024x128xi1>, vector<1024x128xi32>
    %select_n3A_190 = arith.select %lt3A_177, %select_n3A_189, %select_n3A_140 : vector<1024x128xi1>, vector<1024x128xi32>
    %select_n3A_191 = arith.select %lt3A_175, %select_n3A_148, %select_n3A_173 : vector<1024x128xi1>, vector<1024x128xf32>
    %select_n3A_192 = arith.select %lt3A_176, %select_n3A_191, %select_n3A_142 : vector<1024x128xi1>, vector<1024x128xf32>
    %jit3A_193 = arith.constant 2 : i32
    %broadcast_in_dim3A_194 = vector.broadcast %jit3A_193 : i32 to vector<1024x128xi32>
    %select_n3A_195 = arith.select %lt3A_175, %select_n3A_152, %broadcast_in_dim3A_194 : vector<1024x128xi1>, vector<1024x128xi32>
    %select_n3A_196 = arith.select %lt3A_176, %select_n3A_195, %select_n3A_146 : vector<1024x128xi1>, vector<1024x128xi32>
    %select_n3A_197 = arith.select %lt3A_174, %select_n3A_153, %select_n3A_173 : vector<1024x128xi1>, vector<1024x128xf32>
    %select_n3A_198 = arith.select %lt3A_175, %select_n3A_197, %select_n3A_148 : vector<1024x128xi1>, vector<1024x128xf32>
    %jit3A_199 = arith.constant 2 : i32
    %broadcast_in_dim3A_200 = vector.broadcast %jit3A_199 : i32 to vector<1024x128xi32>
    %select_n3A_201 = arith.select %lt3A_174, %select_n3A_156, %broadcast_in_dim3A_200 : vector<1024x128xi1>, vector<1024x128xi32>
    %select_n3A_202 = arith.select %lt3A_175, %select_n3A_201, %select_n3A_152 : vector<1024x128xi1>, vector<1024x128xi32>
    %select_n3A_203 = arith.select %lt3A_174, %select_n3A_173, %select_n3A_153 : vector<1024x128xi1>, vector<1024x128xf32>
    %jit3A_204 = arith.constant 2 : i32
    %broadcast_in_dim3A_205 = vector.broadcast %jit3A_204 : i32 to vector<1024x128xi32>
    %select_n3A_206 = arith.select %lt3A_174, %broadcast_in_dim3A_205, %select_n3A_156 : vector<1024x128xi1>, vector<1024x128xi32>
    %slice3A_207 = vector.extract_strided_slice %get3A_43 {offsets = [0, 384], sizes = [1, 128], strides = [1, 1]} : vector<1x2048xf32> to vector<1x128xf32>
    %add3A_208 = vector.broadcast %get3A_38 : vector<1024x1xf32> to vector<1024x128xf32>
    %add3A_209 = vector.broadcast %slice3A_207 : vector<1x128xf32> to vector<1024x128xf32>
    %add3A_210 = arith.addf %add3A_208, %add3A_209 : vector<1024x128xf32>
    %slice3A_211 = vector.extract_strided_slice %dot_general3A_30 {offsets = [0, 384], sizes = [1024, 128], strides = [1, 1]} : vector<1024x2048xf32> to vector<1024x128xf32>
    %mul3A_212 = arith.constant 2.000000e+00 : f32
    %mul3A_213 = vector.broadcast %mul3A_212 : f32 to vector<1024x128xf32>
    %mul3A_214 = arith.mulf %mul3A_213, %slice3A_211 : vector<1024x128xf32>
    %sub3A_215 = arith.subf %add3A_210, %mul3A_214 : vector<1024x128xf32>
    %add3A_216 = arith.constant 384 : i32
    %add3A_217 = vector.broadcast %add3A_216 : i32 to vector<1024x128xi32>
    %add3A_218 = arith.addi %iota3A, %add3A_217 : vector<1024x128xi32>
    %eq3A_219 = vector.broadcast %add3A_33 : vector<1024x1xi32> to vector<1024x128xi32>
    %eq3A_220 = arith.cmpi eq, %add3A_218, %eq3A_219 : vector<1024x128xi32>
    %jit3A_221 = arith.constant 0x7F800000 : f32
    %broadcast_in_dim3A_222 = vector.broadcast %jit3A_221 : f32 to vector<1024x128xf32>
    %select_n3A_223 = arith.select %eq3A_220, %broadcast_in_dim3A_222, %sub3A_215 : vector<1024x128xi1>, vector<1024x128xf32>
    %lt3A_224 = arith.cmpf olt, %select_n3A_223, %select_n3A_203 : vector<1024x128xf32>
    %lt3A_225 = arith.cmpf olt, %select_n3A_223, %select_n3A_198 : vector<1024x128xf32>
    %lt3A_226 = arith.cmpf olt, %select_n3A_223, %select_n3A_192 : vector<1024x128xf32>
    %lt3A_227 = arith.cmpf olt, %select_n3A_223, %select_n3A_186 : vector<1024x128xf32>
    %lt3A_228 = arith.cmpf olt, %select_n3A_223, %select_n3A_180 : vector<1024x128xf32>
    %select_n3A_229 = arith.select %lt3A_227, %select_n3A_186, %select_n3A_223 : vector<1024x128xi1>, vector<1024x128xf32>
    %select_n3A_230 = arith.select %lt3A_228, %select_n3A_229, %select_n3A_180 : vector<1024x128xi1>, vector<1024x128xf32>
    %jit3A_231 = arith.constant 3 : i32
    %broadcast_in_dim3A_232 = vector.broadcast %jit3A_231 : i32 to vector<1024x128xi32>
    %select_n3A_233 = arith.select %lt3A_227, %select_n3A_190, %broadcast_in_dim3A_232 : vector<1024x128xi1>, vector<1024x128xi32>
    %select_n3A_234 = arith.select %lt3A_228, %select_n3A_233, %select_n3A_184 : vector<1024x128xi1>, vector<1024x128xi32>
    %select_n3A_235 = arith.select %lt3A_226, %select_n3A_192, %select_n3A_223 : vector<1024x128xi1>, vector<1024x128xf32>
    %select_n3A_236 = arith.select %lt3A_227, %select_n3A_235, %select_n3A_186 : vector<1024x128xi1>, vector<1024x128xf32>
    %jit3A_237 = arith.constant 3 : i32
    %broadcast_in_dim3A_238 = vector.broadcast %jit3A_237 : i32 to vector<1024x128xi32>
    %select_n3A_239 = arith.select %lt3A_226, %select_n3A_196, %broadcast_in_dim3A_238 : vector<1024x128xi1>, vector<1024x128xi32>
    %select_n3A_240 = arith.select %lt3A_227, %select_n3A_239, %select_n3A_190 : vector<1024x128xi1>, vector<1024x128xi32>
    %select_n3A_241 = arith.select %lt3A_225, %select_n3A_198, %select_n3A_223 : vector<1024x128xi1>, vector<1024x128xf32>
    %select_n3A_242 = arith.select %lt3A_226, %select_n3A_241, %select_n3A_192 : vector<1024x128xi1>, vector<1024x128xf32>
    %jit3A_243 = arith.constant 3 : i32
    %broadcast_in_dim3A_244 = vector.broadcast %jit3A_243 : i32 to vector<1024x128xi32>
    %select_n3A_245 = arith.select %lt3A_225, %select_n3A_202, %broadcast_in_dim3A_244 : vector<1024x128xi1>, vector<1024x128xi32>
    %select_n3A_246 = arith.select %lt3A_226, %select_n3A_245, %select_n3A_196 : vector<1024x128xi1>, vector<1024x128xi32>
    %select_n3A_247 = arith.select %lt3A_224, %select_n3A_203, %select_n3A_223 : vector<1024x128xi1>, vector<1024x128xf32>
    %select_n3A_248 = arith.select %lt3A_225, %select_n3A_247, %select_n3A_198 : vector<1024x128xi1>, vector<1024x128xf32>
    %jit3A_249 = arith.constant 3 : i32
    %broadcast_in_dim3A_250 = vector.broadcast %jit3A_249 : i32 to vector<1024x128xi32>
    %select_n3A_251 = arith.select %lt3A_224, %select_n3A_206, %broadcast_in_dim3A_250 : vector<1024x128xi1>, vector<1024x128xi32>
    %select_n3A_252 = arith.select %lt3A_225, %select_n3A_251, %select_n3A_202 : vector<1024x128xi1>, vector<1024x128xi32>
    %select_n3A_253 = arith.select %lt3A_224, %select_n3A_223, %select_n3A_203 : vector<1024x128xi1>, vector<1024x128xf32>
    %jit3A_254 = arith.constant 3 : i32
    %broadcast_in_dim3A_255 = vector.broadcast %jit3A_254 : i32 to vector<1024x128xi32>
    %select_n3A_256 = arith.select %lt3A_224, %broadcast_in_dim3A_255, %select_n3A_206 : vector<1024x128xi1>, vector<1024x128xi32>
    %slice3A_257 = vector.extract_strided_slice %get3A_43 {offsets = [0, 512], sizes = [1, 128], strides = [1, 1]} : vector<1x2048xf32> to vector<1x128xf32>
    %add3A_258 = vector.broadcast %get3A_38 : vector<1024x1xf32> to vector<1024x128xf32>
    %add3A_259 = vector.broadcast %slice3A_257 : vector<1x128xf32> to vector<1024x128xf32>
    %add3A_260 = arith.addf %add3A_258, %add3A_259 : vector<1024x128xf32>
    %slice3A_261 = vector.extract_strided_slice %dot_general3A_30 {offsets = [0, 512], sizes = [1024, 128], strides = [1, 1]} : vector<1024x2048xf32> to vector<1024x128xf32>
    %mul3A_262 = arith.constant 2.000000e+00 : f32
    %mul3A_263 = vector.broadcast %mul3A_262 : f32 to vector<1024x128xf32>
    %mul3A_264 = arith.mulf %mul3A_263, %slice3A_261 : vector<1024x128xf32>
    %sub3A_265 = arith.subf %add3A_260, %mul3A_264 : vector<1024x128xf32>
    %add3A_266 = arith.constant 512 : i32
    %add3A_267 = vector.broadcast %add3A_266 : i32 to vector<1024x128xi32>
    %add3A_268 = arith.addi %iota3A, %add3A_267 : vector<1024x128xi32>
    %eq3A_269 = vector.broadcast %add3A_33 : vector<1024x1xi32> to vector<1024x128xi32>
    %eq3A_270 = arith.cmpi eq, %add3A_268, %eq3A_269 : vector<1024x128xi32>
    %jit3A_271 = arith.constant 0x7F800000 : f32
    %broadcast_in_dim3A_272 = vector.broadcast %jit3A_271 : f32 to vector<1024x128xf32>
    %select_n3A_273 = arith.select %eq3A_270, %broadcast_in_dim3A_272, %sub3A_265 : vector<1024x128xi1>, vector<1024x128xf32>
    %lt3A_274 = arith.cmpf olt, %select_n3A_273, %select_n3A_253 : vector<1024x128xf32>
    %lt3A_275 = arith.cmpf olt, %select_n3A_273, %select_n3A_248 : vector<1024x128xf32>
    %lt3A_276 = arith.cmpf olt, %select_n3A_273, %select_n3A_242 : vector<1024x128xf32>
    %lt3A_277 = arith.cmpf olt, %select_n3A_273, %select_n3A_236 : vector<1024x128xf32>
    %lt3A_278 = arith.cmpf olt, %select_n3A_273, %select_n3A_230 : vector<1024x128xf32>
    %select_n3A_279 = arith.select %lt3A_277, %select_n3A_236, %select_n3A_273 : vector<1024x128xi1>, vector<1024x128xf32>
    %select_n3A_280 = arith.select %lt3A_278, %select_n3A_279, %select_n3A_230 : vector<1024x128xi1>, vector<1024x128xf32>
    %jit3A_281 = arith.constant 4 : i32
    %broadcast_in_dim3A_282 = vector.broadcast %jit3A_281 : i32 to vector<1024x128xi32>
    %select_n3A_283 = arith.select %lt3A_277, %select_n3A_240, %broadcast_in_dim3A_282 : vector<1024x128xi1>, vector<1024x128xi32>
    %select_n3A_284 = arith.select %lt3A_278, %select_n3A_283, %select_n3A_234 : vector<1024x128xi1>, vector<1024x128xi32>
    %select_n3A_285 = arith.select %lt3A_276, %select_n3A_242, %select_n3A_273 : vector<1024x128xi1>, vector<1024x128xf32>
    %select_n3A_286 = arith.select %lt3A_277, %select_n3A_285, %select_n3A_236 : vector<1024x128xi1>, vector<1024x128xf32>
    %jit3A_287 = arith.constant 4 : i32
    %broadcast_in_dim3A_288 = vector.broadcast %jit3A_287 : i32 to vector<1024x128xi32>
    %select_n3A_289 = arith.select %lt3A_276, %select_n3A_246, %broadcast_in_dim3A_288 : vector<1024x128xi1>, vector<1024x128xi32>
    %select_n3A_290 = arith.select %lt3A_277, %select_n3A_289, %select_n3A_240 : vector<1024x128xi1>, vector<1024x128xi32>
    %select_n3A_291 = arith.select %lt3A_275, %select_n3A_248, %select_n3A_273 : vector<1024x128xi1>, vector<1024x128xf32>
    %select_n3A_292 = arith.select %lt3A_276, %select_n3A_291, %select_n3A_242 : vector<1024x128xi1>, vector<1024x128xf32>
    %jit3A_293 = arith.constant 4 : i32
    %broadcast_in_dim3A_294 = vector.broadcast %jit3A_293 : i32 to vector<1024x128xi32>
    %select_n3A_295 = arith.select %lt3A_275, %select_n3A_252, %broadcast_in_dim3A_294 : vector<1024x128xi1>, vector<1024x128xi32>
    %select_n3A_296 = arith.select %lt3A_276, %select_n3A_295, %select_n3A_246 : vector<1024x128xi1>, vector<1024x128xi32>
    %select_n3A_297 = arith.select %lt3A_274, %select_n3A_253, %select_n3A_273 : vector<1024x128xi1>, vector<1024x128xf32>
    %select_n3A_298 = arith.select %lt3A_275, %select_n3A_297, %select_n3A_248 : vector<1024x128xi1>, vector<1024x128xf32>
    %jit3A_299 = arith.constant 4 : i32
    %broadcast_in_dim3A_300 = vector.broadcast %jit3A_299 : i32 to vector<1024x128xi32>
    %select_n3A_301 = arith.select %lt3A_274, %select_n3A_256, %broadcast_in_dim3A_300 : vector<1024x128xi1>, vector<1024x128xi32>
    %select_n3A_302 = arith.select %lt3A_275, %select_n3A_301, %select_n3A_252 : vector<1024x128xi1>, vector<1024x128xi32>
    %select_n3A_303 = arith.select %lt3A_274, %select_n3A_273, %select_n3A_253 : vector<1024x128xi1>, vector<1024x128xf32>
    %jit3A_304 = arith.constant 4 : i32
    %broadcast_in_dim3A_305 = vector.broadcast %jit3A_304 : i32 to vector<1024x128xi32>
    %select_n3A_306 = arith.select %lt3A_274, %broadcast_in_dim3A_305, %select_n3A_256 : vector<1024x128xi1>, vector<1024x128xi32>
    %slice3A_307 = vector.extract_strided_slice %get3A_43 {offsets = [0, 640], sizes = [1, 128], strides = [1, 1]} : vector<1x2048xf32> to vector<1x128xf32>
    %add3A_308 = vector.broadcast %get3A_38 : vector<1024x1xf32> to vector<1024x128xf32>
    %add3A_309 = vector.broadcast %slice3A_307 : vector<1x128xf32> to vector<1024x128xf32>
    %add3A_310 = arith.addf %add3A_308, %add3A_309 : vector<1024x128xf32>
    %slice3A_311 = vector.extract_strided_slice %dot_general3A_30 {offsets = [0, 640], sizes = [1024, 128], strides = [1, 1]} : vector<1024x2048xf32> to vector<1024x128xf32>
    %mul3A_312 = arith.constant 2.000000e+00 : f32
    %mul3A_313 = vector.broadcast %mul3A_312 : f32 to vector<1024x128xf32>
    %mul3A_314 = arith.mulf %mul3A_313, %slice3A_311 : vector<1024x128xf32>
    %sub3A_315 = arith.subf %add3A_310, %mul3A_314 : vector<1024x128xf32>
    %add3A_316 = arith.constant 640 : i32
    %add3A_317 = vector.broadcast %add3A_316 : i32 to vector<1024x128xi32>
    %add3A_318 = arith.addi %iota3A, %add3A_317 : vector<1024x128xi32>
    %eq3A_319 = vector.broadcast %add3A_33 : vector<1024x1xi32> to vector<1024x128xi32>
    %eq3A_320 = arith.cmpi eq, %add3A_318, %eq3A_319 : vector<1024x128xi32>
    %jit3A_321 = arith.constant 0x7F800000 : f32
    %broadcast_in_dim3A_322 = vector.broadcast %jit3A_321 : f32 to vector<1024x128xf32>
    %select_n3A_323 = arith.select %eq3A_320, %broadcast_in_dim3A_322, %sub3A_315 : vector<1024x128xi1>, vector<1024x128xf32>
    %lt3A_324 = arith.cmpf olt, %select_n3A_323, %select_n3A_303 : vector<1024x128xf32>
    %lt3A_325 = arith.cmpf olt, %select_n3A_323, %select_n3A_298 : vector<1024x128xf32>
    %lt3A_326 = arith.cmpf olt, %select_n3A_323, %select_n3A_292 : vector<1024x128xf32>
    %lt3A_327 = arith.cmpf olt, %select_n3A_323, %select_n3A_286 : vector<1024x128xf32>
    %lt3A_328 = arith.cmpf olt, %select_n3A_323, %select_n3A_280 : vector<1024x128xf32>
    %select_n3A_329 = arith.select %lt3A_327, %select_n3A_286, %select_n3A_323 : vector<1024x128xi1>, vector<1024x128xf32>
    %select_n3A_330 = arith.select %lt3A_328, %select_n3A_329, %select_n3A_280 : vector<1024x128xi1>, vector<1024x128xf32>
    %jit3A_331 = arith.constant 5 : i32
    %broadcast_in_dim3A_332 = vector.broadcast %jit3A_331 : i32 to vector<1024x128xi32>
    %select_n3A_333 = arith.select %lt3A_327, %select_n3A_290, %broadcast_in_dim3A_332 : vector<1024x128xi1>, vector<1024x128xi32>
    %select_n3A_334 = arith.select %lt3A_328, %select_n3A_333, %select_n3A_284 : vector<1024x128xi1>, vector<1024x128xi32>
    %select_n3A_335 = arith.select %lt3A_326, %select_n3A_292, %select_n3A_323 : vector<1024x128xi1>, vector<1024x128xf32>
    %select_n3A_336 = arith.select %lt3A_327, %select_n3A_335, %select_n3A_286 : vector<1024x128xi1>, vector<1024x128xf32>
    %jit3A_337 = arith.constant 5 : i32
    %broadcast_in_dim3A_338 = vector.broadcast %jit3A_337 : i32 to vector<1024x128xi32>
    %select_n3A_339 = arith.select %lt3A_326, %select_n3A_296, %broadcast_in_dim3A_338 : vector<1024x128xi1>, vector<1024x128xi32>
    %select_n3A_340 = arith.select %lt3A_327, %select_n3A_339, %select_n3A_290 : vector<1024x128xi1>, vector<1024x128xi32>
    %select_n3A_341 = arith.select %lt3A_325, %select_n3A_298, %select_n3A_323 : vector<1024x128xi1>, vector<1024x128xf32>
    %select_n3A_342 = arith.select %lt3A_326, %select_n3A_341, %select_n3A_292 : vector<1024x128xi1>, vector<1024x128xf32>
    %jit3A_343 = arith.constant 5 : i32
    %broadcast_in_dim3A_344 = vector.broadcast %jit3A_343 : i32 to vector<1024x128xi32>
    %select_n3A_345 = arith.select %lt3A_325, %select_n3A_302, %broadcast_in_dim3A_344 : vector<1024x128xi1>, vector<1024x128xi32>
    %select_n3A_346 = arith.select %lt3A_326, %select_n3A_345, %select_n3A_296 : vector<1024x128xi1>, vector<1024x128xi32>
    %select_n3A_347 = arith.select %lt3A_324, %select_n3A_303, %select_n3A_323 : vector<1024x128xi1>, vector<1024x128xf32>
    %select_n3A_348 = arith.select %lt3A_325, %select_n3A_347, %select_n3A_298 : vector<1024x128xi1>, vector<1024x128xf32>
    %jit3A_349 = arith.constant 5 : i32
    %broadcast_in_dim3A_350 = vector.broadcast %jit3A_349 : i32 to vector<1024x128xi32>
    %select_n3A_351 = arith.select %lt3A_324, %select_n3A_306, %broadcast_in_dim3A_350 : vector<1024x128xi1>, vector<1024x128xi32>
    %select_n3A_352 = arith.select %lt3A_325, %select_n3A_351, %select_n3A_302 : vector<1024x128xi1>, vector<1024x128xi32>
    %select_n3A_353 = arith.select %lt3A_324, %select_n3A_323, %select_n3A_303 : vector<1024x128xi1>, vector<1024x128xf32>
    %jit3A_354 = arith.constant 5 : i32
    %broadcast_in_dim3A_355 = vector.broadcast %jit3A_354 : i32 to vector<1024x128xi32>
    %select_n3A_356 = arith.select %lt3A_324, %broadcast_in_dim3A_355, %select_n3A_306 : vector<1024x128xi1>, vector<1024x128xi32>
    %slice3A_357 = vector.extract_strided_slice %get3A_43 {offsets = [0, 768], sizes = [1, 128], strides = [1, 1]} : vector<1x2048xf32> to vector<1x128xf32>
    %add3A_358 = vector.broadcast %get3A_38 : vector<1024x1xf32> to vector<1024x128xf32>
    %add3A_359 = vector.broadcast %slice3A_357 : vector<1x128xf32> to vector<1024x128xf32>
    %add3A_360 = arith.addf %add3A_358, %add3A_359 : vector<1024x128xf32>
    %slice3A_361 = vector.extract_strided_slice %dot_general3A_30 {offsets = [0, 768], sizes = [1024, 128], strides = [1, 1]} : vector<1024x2048xf32> to vector<1024x128xf32>
    %mul3A_362 = arith.constant 2.000000e+00 : f32
    %mul3A_363 = vector.broadcast %mul3A_362 : f32 to vector<1024x128xf32>
    %mul3A_364 = arith.mulf %mul3A_363, %slice3A_361 : vector<1024x128xf32>
    %sub3A_365 = arith.subf %add3A_360, %mul3A_364 : vector<1024x128xf32>
    %add3A_366 = arith.constant 768 : i32
    %add3A_367 = vector.broadcast %add3A_366 : i32 to vector<1024x128xi32>
    %add3A_368 = arith.addi %iota3A, %add3A_367 : vector<1024x128xi32>
    %eq3A_369 = vector.broadcast %add3A_33 : vector<1024x1xi32> to vector<1024x128xi32>
    %eq3A_370 = arith.cmpi eq, %add3A_368, %eq3A_369 : vector<1024x128xi32>
    %jit3A_371 = arith.constant 0x7F800000 : f32
    %broadcast_in_dim3A_372 = vector.broadcast %jit3A_371 : f32 to vector<1024x128xf32>
    %select_n3A_373 = arith.select %eq3A_370, %broadcast_in_dim3A_372, %sub3A_365 : vector<1024x128xi1>, vector<1024x128xf32>
    %lt3A_374 = arith.cmpf olt, %select_n3A_373, %select_n3A_353 : vector<1024x128xf32>
    %lt3A_375 = arith.cmpf olt, %select_n3A_373, %select_n3A_348 : vector<1024x128xf32>
    %lt3A_376 = arith.cmpf olt, %select_n3A_373, %select_n3A_342 : vector<1024x128xf32>
    %lt3A_377 = arith.cmpf olt, %select_n3A_373, %select_n3A_336 : vector<1024x128xf32>
    %lt3A_378 = arith.cmpf olt, %select_n3A_373, %select_n3A_330 : vector<1024x128xf32>
    %select_n3A_379 = arith.select %lt3A_377, %select_n3A_336, %select_n3A_373 : vector<1024x128xi1>, vector<1024x128xf32>
    %select_n3A_380 = arith.select %lt3A_378, %select_n3A_379, %select_n3A_330 : vector<1024x128xi1>, vector<1024x128xf32>
    %jit3A_381 = arith.constant 6 : i32
    %broadcast_in_dim3A_382 = vector.broadcast %jit3A_381 : i32 to vector<1024x128xi32>
    %select_n3A_383 = arith.select %lt3A_377, %select_n3A_340, %broadcast_in_dim3A_382 : vector<1024x128xi1>, vector<1024x128xi32>
    %select_n3A_384 = arith.select %lt3A_378, %select_n3A_383, %select_n3A_334 : vector<1024x128xi1>, vector<1024x128xi32>
    %select_n3A_385 = arith.select %lt3A_376, %select_n3A_342, %select_n3A_373 : vector<1024x128xi1>, vector<1024x128xf32>
    %select_n3A_386 = arith.select %lt3A_377, %select_n3A_385, %select_n3A_336 : vector<1024x128xi1>, vector<1024x128xf32>
    %jit3A_387 = arith.constant 6 : i32
    %broadcast_in_dim3A_388 = vector.broadcast %jit3A_387 : i32 to vector<1024x128xi32>
    %select_n3A_389 = arith.select %lt3A_376, %select_n3A_346, %broadcast_in_dim3A_388 : vector<1024x128xi1>, vector<1024x128xi32>
    %select_n3A_390 = arith.select %lt3A_377, %select_n3A_389, %select_n3A_340 : vector<1024x128xi1>, vector<1024x128xi32>
    %select_n3A_391 = arith.select %lt3A_375, %select_n3A_348, %select_n3A_373 : vector<1024x128xi1>, vector<1024x128xf32>
    %select_n3A_392 = arith.select %lt3A_376, %select_n3A_391, %select_n3A_342 : vector<1024x128xi1>, vector<1024x128xf32>
    %jit3A_393 = arith.constant 6 : i32
    %broadcast_in_dim3A_394 = vector.broadcast %jit3A_393 : i32 to vector<1024x128xi32>
    %select_n3A_395 = arith.select %lt3A_375, %select_n3A_352, %broadcast_in_dim3A_394 : vector<1024x128xi1>, vector<1024x128xi32>
    %select_n3A_396 = arith.select %lt3A_376, %select_n3A_395, %select_n3A_346 : vector<1024x128xi1>, vector<1024x128xi32>
    %select_n3A_397 = arith.select %lt3A_374, %select_n3A_353, %select_n3A_373 : vector<1024x128xi1>, vector<1024x128xf32>
    %select_n3A_398 = arith.select %lt3A_375, %select_n3A_397, %select_n3A_348 : vector<1024x128xi1>, vector<1024x128xf32>
    %jit3A_399 = arith.constant 6 : i32
    %broadcast_in_dim3A_400 = vector.broadcast %jit3A_399 : i32 to vector<1024x128xi32>
    %select_n3A_401 = arith.select %lt3A_374, %select_n3A_356, %broadcast_in_dim3A_400 : vector<1024x128xi1>, vector<1024x128xi32>
    %select_n3A_402 = arith.select %lt3A_375, %select_n3A_401, %select_n3A_352 : vector<1024x128xi1>, vector<1024x128xi32>
    %select_n3A_403 = arith.select %lt3A_374, %select_n3A_373, %select_n3A_353 : vector<1024x128xi1>, vector<1024x128xf32>
    %jit3A_404 = arith.constant 6 : i32
    %broadcast_in_dim3A_405 = vector.broadcast %jit3A_404 : i32 to vector<1024x128xi32>
    %select_n3A_406 = arith.select %lt3A_374, %broadcast_in_dim3A_405, %select_n3A_356 : vector<1024x128xi1>, vector<1024x128xi32>
    %slice3A_407 = vector.extract_strided_slice %get3A_43 {offsets = [0, 896], sizes = [1, 128], strides = [1, 1]} : vector<1x2048xf32> to vector<1x128xf32>
    %add3A_408 = vector.broadcast %get3A_38 : vector<1024x1xf32> to vector<1024x128xf32>
    %add3A_409 = vector.broadcast %slice3A_407 : vector<1x128xf32> to vector<1024x128xf32>
    %add3A_410 = arith.addf %add3A_408, %add3A_409 : vector<1024x128xf32>
    %slice3A_411 = vector.extract_strided_slice %dot_general3A_30 {offsets = [0, 896], sizes = [1024, 128], strides = [1, 1]} : vector<1024x2048xf32> to vector<1024x128xf32>
    %mul3A_412 = arith.constant 2.000000e+00 : f32
    %mul3A_413 = vector.broadcast %mul3A_412 : f32 to vector<1024x128xf32>
    %mul3A_414 = arith.mulf %mul3A_413, %slice3A_411 : vector<1024x128xf32>
    %sub3A_415 = arith.subf %add3A_410, %mul3A_414 : vector<1024x128xf32>
    %add3A_416 = arith.constant 896 : i32
    %add3A_417 = vector.broadcast %add3A_416 : i32 to vector<1024x128xi32>
    %add3A_418 = arith.addi %iota3A, %add3A_417 : vector<1024x128xi32>
    %eq3A_419 = vector.broadcast %add3A_33 : vector<1024x1xi32> to vector<1024x128xi32>
    %eq3A_420 = arith.cmpi eq, %add3A_418, %eq3A_419 : vector<1024x128xi32>
    %jit3A_421 = arith.constant 0x7F800000 : f32
    %broadcast_in_dim3A_422 = vector.broadcast %jit3A_421 : f32 to vector<1024x128xf32>
    %select_n3A_423 = arith.select %eq3A_420, %broadcast_in_dim3A_422, %sub3A_415 : vector<1024x128xi1>, vector<1024x128xf32>
    %lt3A_424 = arith.cmpf olt, %select_n3A_423, %select_n3A_403 : vector<1024x128xf32>
    %lt3A_425 = arith.cmpf olt, %select_n3A_423, %select_n3A_398 : vector<1024x128xf32>
    %lt3A_426 = arith.cmpf olt, %select_n3A_423, %select_n3A_392 : vector<1024x128xf32>
    %lt3A_427 = arith.cmpf olt, %select_n3A_423, %select_n3A_386 : vector<1024x128xf32>
    %lt3A_428 = arith.cmpf olt, %select_n3A_423, %select_n3A_380 : vector<1024x128xf32>
    %select_n3A_429 = arith.select %lt3A_427, %select_n3A_386, %select_n3A_423 : vector<1024x128xi1>, vector<1024x128xf32>
    %select_n3A_430 = arith.select %lt3A_428, %select_n3A_429, %select_n3A_380 : vector<1024x128xi1>, vector<1024x128xf32>
    %jit3A_431 = arith.constant 7 : i32
    %broadcast_in_dim3A_432 = vector.broadcast %jit3A_431 : i32 to vector<1024x128xi32>
    %select_n3A_433 = arith.select %lt3A_427, %select_n3A_390, %broadcast_in_dim3A_432 : vector<1024x128xi1>, vector<1024x128xi32>
    %select_n3A_434 = arith.select %lt3A_428, %select_n3A_433, %select_n3A_384 : vector<1024x128xi1>, vector<1024x128xi32>
    %select_n3A_435 = arith.select %lt3A_426, %select_n3A_392, %select_n3A_423 : vector<1024x128xi1>, vector<1024x128xf32>
    %select_n3A_436 = arith.select %lt3A_427, %select_n3A_435, %select_n3A_386 : vector<1024x128xi1>, vector<1024x128xf32>
    %jit3A_437 = arith.constant 7 : i32
    %broadcast_in_dim3A_438 = vector.broadcast %jit3A_437 : i32 to vector<1024x128xi32>
    %select_n3A_439 = arith.select %lt3A_426, %select_n3A_396, %broadcast_in_dim3A_438 : vector<1024x128xi1>, vector<1024x128xi32>
    %select_n3A_440 = arith.select %lt3A_427, %select_n3A_439, %select_n3A_390 : vector<1024x128xi1>, vector<1024x128xi32>
    %select_n3A_441 = arith.select %lt3A_425, %select_n3A_398, %select_n3A_423 : vector<1024x128xi1>, vector<1024x128xf32>
    %select_n3A_442 = arith.select %lt3A_426, %select_n3A_441, %select_n3A_392 : vector<1024x128xi1>, vector<1024x128xf32>
    %jit3A_443 = arith.constant 7 : i32
    %broadcast_in_dim3A_444 = vector.broadcast %jit3A_443 : i32 to vector<1024x128xi32>
    %select_n3A_445 = arith.select %lt3A_425, %select_n3A_402, %broadcast_in_dim3A_444 : vector<1024x128xi1>, vector<1024x128xi32>
    %select_n3A_446 = arith.select %lt3A_426, %select_n3A_445, %select_n3A_396 : vector<1024x128xi1>, vector<1024x128xi32>
    %select_n3A_447 = arith.select %lt3A_424, %select_n3A_403, %select_n3A_423 : vector<1024x128xi1>, vector<1024x128xf32>
    %select_n3A_448 = arith.select %lt3A_425, %select_n3A_447, %select_n3A_398 : vector<1024x128xi1>, vector<1024x128xf32>
    %jit3A_449 = arith.constant 7 : i32
    %broadcast_in_dim3A_450 = vector.broadcast %jit3A_449 : i32 to vector<1024x128xi32>
    %select_n3A_451 = arith.select %lt3A_424, %select_n3A_406, %broadcast_in_dim3A_450 : vector<1024x128xi1>, vector<1024x128xi32>
    %select_n3A_452 = arith.select %lt3A_425, %select_n3A_451, %select_n3A_402 : vector<1024x128xi1>, vector<1024x128xi32>
    %select_n3A_453 = arith.select %lt3A_424, %select_n3A_423, %select_n3A_403 : vector<1024x128xi1>, vector<1024x128xf32>
    %jit3A_454 = arith.constant 7 : i32
    %broadcast_in_dim3A_455 = vector.broadcast %jit3A_454 : i32 to vector<1024x128xi32>
    %select_n3A_456 = arith.select %lt3A_424, %broadcast_in_dim3A_455, %select_n3A_406 : vector<1024x128xi1>, vector<1024x128xi32>
    %slice3A_457 = vector.extract_strided_slice %get3A_43 {offsets = [0, 1024], sizes = [1, 128], strides = [1, 1]} : vector<1x2048xf32> to vector<1x128xf32>
    %add3A_458 = vector.broadcast %get3A_38 : vector<1024x1xf32> to vector<1024x128xf32>
    %add3A_459 = vector.broadcast %slice3A_457 : vector<1x128xf32> to vector<1024x128xf32>
    %add3A_460 = arith.addf %add3A_458, %add3A_459 : vector<1024x128xf32>
    %slice3A_461 = vector.extract_strided_slice %dot_general3A_30 {offsets = [0, 1024], sizes = [1024, 128], strides = [1, 1]} : vector<1024x2048xf32> to vector<1024x128xf32>
    %mul3A_462 = arith.constant 2.000000e+00 : f32
    %mul3A_463 = vector.broadcast %mul3A_462 : f32 to vector<1024x128xf32>
    %mul3A_464 = arith.mulf %mul3A_463, %slice3A_461 : vector<1024x128xf32>
    %sub3A_465 = arith.subf %add3A_460, %mul3A_464 : vector<1024x128xf32>
    %add3A_466 = arith.constant 1024 : i32
    %add3A_467 = vector.broadcast %add3A_466 : i32 to vector<1024x128xi32>
    %add3A_468 = arith.addi %iota3A, %add3A_467 : vector<1024x128xi32>
    %eq3A_469 = vector.broadcast %add3A_33 : vector<1024x1xi32> to vector<1024x128xi32>
    %eq3A_470 = arith.cmpi eq, %add3A_468, %eq3A_469 : vector<1024x128xi32>
    %jit3A_471 = arith.constant 0x7F800000 : f32
    %broadcast_in_dim3A_472 = vector.broadcast %jit3A_471 : f32 to vector<1024x128xf32>
    %select_n3A_473 = arith.select %eq3A_470, %broadcast_in_dim3A_472, %sub3A_465 : vector<1024x128xi1>, vector<1024x128xf32>
    %lt3A_474 = arith.cmpf olt, %select_n3A_473, %select_n3A_453 : vector<1024x128xf32>
    %lt3A_475 = arith.cmpf olt, %select_n3A_473, %select_n3A_448 : vector<1024x128xf32>
    %lt3A_476 = arith.cmpf olt, %select_n3A_473, %select_n3A_442 : vector<1024x128xf32>
    %lt3A_477 = arith.cmpf olt, %select_n3A_473, %select_n3A_436 : vector<1024x128xf32>
    %lt3A_478 = arith.cmpf olt, %select_n3A_473, %select_n3A_430 : vector<1024x128xf32>
    %select_n3A_479 = arith.select %lt3A_477, %select_n3A_436, %select_n3A_473 : vector<1024x128xi1>, vector<1024x128xf32>
    %select_n3A_480 = arith.select %lt3A_478, %select_n3A_479, %select_n3A_430 : vector<1024x128xi1>, vector<1024x128xf32>
    %jit3A_481 = arith.constant 8 : i32
    %broadcast_in_dim3A_482 = vector.broadcast %jit3A_481 : i32 to vector<1024x128xi32>
    %select_n3A_483 = arith.select %lt3A_477, %select_n3A_440, %broadcast_in_dim3A_482 : vector<1024x128xi1>, vector<1024x128xi32>
    %select_n3A_484 = arith.select %lt3A_478, %select_n3A_483, %select_n3A_434 : vector<1024x128xi1>, vector<1024x128xi32>
    %select_n3A_485 = arith.select %lt3A_476, %select_n3A_442, %select_n3A_473 : vector<1024x128xi1>, vector<1024x128xf32>
    %select_n3A_486 = arith.select %lt3A_477, %select_n3A_485, %select_n3A_436 : vector<1024x128xi1>, vector<1024x128xf32>
    %jit3A_487 = arith.constant 8 : i32
    %broadcast_in_dim3A_488 = vector.broadcast %jit3A_487 : i32 to vector<1024x128xi32>
    %select_n3A_489 = arith.select %lt3A_476, %select_n3A_446, %broadcast_in_dim3A_488 : vector<1024x128xi1>, vector<1024x128xi32>
    %select_n3A_490 = arith.select %lt3A_477, %select_n3A_489, %select_n3A_440 : vector<1024x128xi1>, vector<1024x128xi32>
    %select_n3A_491 = arith.select %lt3A_475, %select_n3A_448, %select_n3A_473 : vector<1024x128xi1>, vector<1024x128xf32>
    %select_n3A_492 = arith.select %lt3A_476, %select_n3A_491, %select_n3A_442 : vector<1024x128xi1>, vector<1024x128xf32>
    %jit3A_493 = arith.constant 8 : i32
    %broadcast_in_dim3A_494 = vector.broadcast %jit3A_493 : i32 to vector<1024x128xi32>
    %select_n3A_495 = arith.select %lt3A_475, %select_n3A_452, %broadcast_in_dim3A_494 : vector<1024x128xi1>, vector<1024x128xi32>
    %select_n3A_496 = arith.select %lt3A_476, %select_n3A_495, %select_n3A_446 : vector<1024x128xi1>, vector<1024x128xi32>
    %select_n3A_497 = arith.select %lt3A_474, %select_n3A_453, %select_n3A_473 : vector<1024x128xi1>, vector<1024x128xf32>
    %select_n3A_498 = arith.select %lt3A_475, %select_n3A_497, %select_n3A_448 : vector<1024x128xi1>, vector<1024x128xf32>
    %jit3A_499 = arith.constant 8 : i32
    %broadcast_in_dim3A_500 = vector.broadcast %jit3A_499 : i32 to vector<1024x128xi32>
    %select_n3A_501 = arith.select %lt3A_474, %select_n3A_456, %broadcast_in_dim3A_500 : vector<1024x128xi1>, vector<1024x128xi32>
    %select_n3A_502 = arith.select %lt3A_475, %select_n3A_501, %select_n3A_452 : vector<1024x128xi1>, vector<1024x128xi32>
    %select_n3A_503 = arith.select %lt3A_474, %select_n3A_473, %select_n3A_453 : vector<1024x128xi1>, vector<1024x128xf32>
    %jit3A_504 = arith.constant 8 : i32
    %broadcast_in_dim3A_505 = vector.broadcast %jit3A_504 : i32 to vector<1024x128xi32>
    %select_n3A_506 = arith.select %lt3A_474, %broadcast_in_dim3A_505, %select_n3A_456 : vector<1024x128xi1>, vector<1024x128xi32>
    %slice3A_507 = vector.extract_strided_slice %get3A_43 {offsets = [0, 1152], sizes = [1, 128], strides = [1, 1]} : vector<1x2048xf32> to vector<1x128xf32>
    %add3A_508 = vector.broadcast %get3A_38 : vector<1024x1xf32> to vector<1024x128xf32>
    %add3A_509 = vector.broadcast %slice3A_507 : vector<1x128xf32> to vector<1024x128xf32>
    %add3A_510 = arith.addf %add3A_508, %add3A_509 : vector<1024x128xf32>
    %slice3A_511 = vector.extract_strided_slice %dot_general3A_30 {offsets = [0, 1152], sizes = [1024, 128], strides = [1, 1]} : vector<1024x2048xf32> to vector<1024x128xf32>
    %mul3A_512 = arith.constant 2.000000e+00 : f32
    %mul3A_513 = vector.broadcast %mul3A_512 : f32 to vector<1024x128xf32>
    %mul3A_514 = arith.mulf %mul3A_513, %slice3A_511 : vector<1024x128xf32>
    %sub3A_515 = arith.subf %add3A_510, %mul3A_514 : vector<1024x128xf32>
    %add3A_516 = arith.constant 1152 : i32
    %add3A_517 = vector.broadcast %add3A_516 : i32 to vector<1024x128xi32>
    %add3A_518 = arith.addi %iota3A, %add3A_517 : vector<1024x128xi32>
    %eq3A_519 = vector.broadcast %add3A_33 : vector<1024x1xi32> to vector<1024x128xi32>
    %eq3A_520 = arith.cmpi eq, %add3A_518, %eq3A_519 : vector<1024x128xi32>
    %jit3A_521 = arith.constant 0x7F800000 : f32
    %broadcast_in_dim3A_522 = vector.broadcast %jit3A_521 : f32 to vector<1024x128xf32>
    %select_n3A_523 = arith.select %eq3A_520, %broadcast_in_dim3A_522, %sub3A_515 : vector<1024x128xi1>, vector<1024x128xf32>
    %lt3A_524 = arith.cmpf olt, %select_n3A_523, %select_n3A_503 : vector<1024x128xf32>
    %lt3A_525 = arith.cmpf olt, %select_n3A_523, %select_n3A_498 : vector<1024x128xf32>
    %lt3A_526 = arith.cmpf olt, %select_n3A_523, %select_n3A_492 : vector<1024x128xf32>
    %lt3A_527 = arith.cmpf olt, %select_n3A_523, %select_n3A_486 : vector<1024x128xf32>
    %lt3A_528 = arith.cmpf olt, %select_n3A_523, %select_n3A_480 : vector<1024x128xf32>
    %select_n3A_529 = arith.select %lt3A_527, %select_n3A_486, %select_n3A_523 : vector<1024x128xi1>, vector<1024x128xf32>
    %select_n3A_530 = arith.select %lt3A_528, %select_n3A_529, %select_n3A_480 : vector<1024x128xi1>, vector<1024x128xf32>
    %jit3A_531 = arith.constant 9 : i32
    %broadcast_in_dim3A_532 = vector.broadcast %jit3A_531 : i32 to vector<1024x128xi32>
    %select_n3A_533 = arith.select %lt3A_527, %select_n3A_490, %broadcast_in_dim3A_532 : vector<1024x128xi1>, vector<1024x128xi32>
    %select_n3A_534 = arith.select %lt3A_528, %select_n3A_533, %select_n3A_484 : vector<1024x128xi1>, vector<1024x128xi32>
    %select_n3A_535 = arith.select %lt3A_526, %select_n3A_492, %select_n3A_523 : vector<1024x128xi1>, vector<1024x128xf32>
    %select_n3A_536 = arith.select %lt3A_527, %select_n3A_535, %select_n3A_486 : vector<1024x128xi1>, vector<1024x128xf32>
    %jit3A_537 = arith.constant 9 : i32
    %broadcast_in_dim3A_538 = vector.broadcast %jit3A_537 : i32 to vector<1024x128xi32>
    %select_n3A_539 = arith.select %lt3A_526, %select_n3A_496, %broadcast_in_dim3A_538 : vector<1024x128xi1>, vector<1024x128xi32>
    %select_n3A_540 = arith.select %lt3A_527, %select_n3A_539, %select_n3A_490 : vector<1024x128xi1>, vector<1024x128xi32>
    %select_n3A_541 = arith.select %lt3A_525, %select_n3A_498, %select_n3A_523 : vector<1024x128xi1>, vector<1024x128xf32>
    %select_n3A_542 = arith.select %lt3A_526, %select_n3A_541, %select_n3A_492 : vector<1024x128xi1>, vector<1024x128xf32>
    %jit3A_543 = arith.constant 9 : i32
    %broadcast_in_dim3A_544 = vector.broadcast %jit3A_543 : i32 to vector<1024x128xi32>
    %select_n3A_545 = arith.select %lt3A_525, %select_n3A_502, %broadcast_in_dim3A_544 : vector<1024x128xi1>, vector<1024x128xi32>
    %select_n3A_546 = arith.select %lt3A_526, %select_n3A_545, %select_n3A_496 : vector<1024x128xi1>, vector<1024x128xi32>
    %select_n3A_547 = arith.select %lt3A_524, %select_n3A_503, %select_n3A_523 : vector<1024x128xi1>, vector<1024x128xf32>
    %select_n3A_548 = arith.select %lt3A_525, %select_n3A_547, %select_n3A_498 : vector<1024x128xi1>, vector<1024x128xf32>
    %jit3A_549 = arith.constant 9 : i32
    %broadcast_in_dim3A_550 = vector.broadcast %jit3A_549 : i32 to vector<1024x128xi32>
    %select_n3A_551 = arith.select %lt3A_524, %select_n3A_506, %broadcast_in_dim3A_550 : vector<1024x128xi1>, vector<1024x128xi32>
    %select_n3A_552 = arith.select %lt3A_525, %select_n3A_551, %select_n3A_502 : vector<1024x128xi1>, vector<1024x128xi32>
    %select_n3A_553 = arith.select %lt3A_524, %select_n3A_523, %select_n3A_503 : vector<1024x128xi1>, vector<1024x128xf32>
    %jit3A_554 = arith.constant 9 : i32
    %broadcast_in_dim3A_555 = vector.broadcast %jit3A_554 : i32 to vector<1024x128xi32>
    %select_n3A_556 = arith.select %lt3A_524, %broadcast_in_dim3A_555, %select_n3A_506 : vector<1024x128xi1>, vector<1024x128xi32>
    %slice3A_557 = vector.extract_strided_slice %get3A_43 {offsets = [0, 1280], sizes = [1, 128], strides = [1, 1]} : vector<1x2048xf32> to vector<1x128xf32>
    %add3A_558 = vector.broadcast %get3A_38 : vector<1024x1xf32> to vector<1024x128xf32>
    %add3A_559 = vector.broadcast %slice3A_557 : vector<1x128xf32> to vector<1024x128xf32>
    %add3A_560 = arith.addf %add3A_558, %add3A_559 : vector<1024x128xf32>
    %slice3A_561 = vector.extract_strided_slice %dot_general3A_30 {offsets = [0, 1280], sizes = [1024, 128], strides = [1, 1]} : vector<1024x2048xf32> to vector<1024x128xf32>
    %mul3A_562 = arith.constant 2.000000e+00 : f32
    %mul3A_563 = vector.broadcast %mul3A_562 : f32 to vector<1024x128xf32>
    %mul3A_564 = arith.mulf %mul3A_563, %slice3A_561 : vector<1024x128xf32>
    %sub3A_565 = arith.subf %add3A_560, %mul3A_564 : vector<1024x128xf32>
    %add3A_566 = arith.constant 1280 : i32
    %add3A_567 = vector.broadcast %add3A_566 : i32 to vector<1024x128xi32>
    %add3A_568 = arith.addi %iota3A, %add3A_567 : vector<1024x128xi32>
    %eq3A_569 = vector.broadcast %add3A_33 : vector<1024x1xi32> to vector<1024x128xi32>
    %eq3A_570 = arith.cmpi eq, %add3A_568, %eq3A_569 : vector<1024x128xi32>
    %jit3A_571 = arith.constant 0x7F800000 : f32
    %broadcast_in_dim3A_572 = vector.broadcast %jit3A_571 : f32 to vector<1024x128xf32>
    %select_n3A_573 = arith.select %eq3A_570, %broadcast_in_dim3A_572, %sub3A_565 : vector<1024x128xi1>, vector<1024x128xf32>
    %lt3A_574 = arith.cmpf olt, %select_n3A_573, %select_n3A_553 : vector<1024x128xf32>
    %lt3A_575 = arith.cmpf olt, %select_n3A_573, %select_n3A_548 : vector<1024x128xf32>
    %lt3A_576 = arith.cmpf olt, %select_n3A_573, %select_n3A_542 : vector<1024x128xf32>
    %lt3A_577 = arith.cmpf olt, %select_n3A_573, %select_n3A_536 : vector<1024x128xf32>
    %lt3A_578 = arith.cmpf olt, %select_n3A_573, %select_n3A_530 : vector<1024x128xf32>
    %select_n3A_579 = arith.select %lt3A_577, %select_n3A_536, %select_n3A_573 : vector<1024x128xi1>, vector<1024x128xf32>
    %select_n3A_580 = arith.select %lt3A_578, %select_n3A_579, %select_n3A_530 : vector<1024x128xi1>, vector<1024x128xf32>
    %jit3A_581 = arith.constant 10 : i32
    %broadcast_in_dim3A_582 = vector.broadcast %jit3A_581 : i32 to vector<1024x128xi32>
    %select_n3A_583 = arith.select %lt3A_577, %select_n3A_540, %broadcast_in_dim3A_582 : vector<1024x128xi1>, vector<1024x128xi32>
    %select_n3A_584 = arith.select %lt3A_578, %select_n3A_583, %select_n3A_534 : vector<1024x128xi1>, vector<1024x128xi32>
    %select_n3A_585 = arith.select %lt3A_576, %select_n3A_542, %select_n3A_573 : vector<1024x128xi1>, vector<1024x128xf32>
    %select_n3A_586 = arith.select %lt3A_577, %select_n3A_585, %select_n3A_536 : vector<1024x128xi1>, vector<1024x128xf32>
    %jit3A_587 = arith.constant 10 : i32
    %broadcast_in_dim3A_588 = vector.broadcast %jit3A_587 : i32 to vector<1024x128xi32>
    %select_n3A_589 = arith.select %lt3A_576, %select_n3A_546, %broadcast_in_dim3A_588 : vector<1024x128xi1>, vector<1024x128xi32>
    %select_n3A_590 = arith.select %lt3A_577, %select_n3A_589, %select_n3A_540 : vector<1024x128xi1>, vector<1024x128xi32>
    %select_n3A_591 = arith.select %lt3A_575, %select_n3A_548, %select_n3A_573 : vector<1024x128xi1>, vector<1024x128xf32>
    %select_n3A_592 = arith.select %lt3A_576, %select_n3A_591, %select_n3A_542 : vector<1024x128xi1>, vector<1024x128xf32>
    %jit3A_593 = arith.constant 10 : i32
    %broadcast_in_dim3A_594 = vector.broadcast %jit3A_593 : i32 to vector<1024x128xi32>
    %select_n3A_595 = arith.select %lt3A_575, %select_n3A_552, %broadcast_in_dim3A_594 : vector<1024x128xi1>, vector<1024x128xi32>
    %select_n3A_596 = arith.select %lt3A_576, %select_n3A_595, %select_n3A_546 : vector<1024x128xi1>, vector<1024x128xi32>
    %select_n3A_597 = arith.select %lt3A_574, %select_n3A_553, %select_n3A_573 : vector<1024x128xi1>, vector<1024x128xf32>
    %select_n3A_598 = arith.select %lt3A_575, %select_n3A_597, %select_n3A_548 : vector<1024x128xi1>, vector<1024x128xf32>
    %jit3A_599 = arith.constant 10 : i32
    %broadcast_in_dim3A_600 = vector.broadcast %jit3A_599 : i32 to vector<1024x128xi32>
    %select_n3A_601 = arith.select %lt3A_574, %select_n3A_556, %broadcast_in_dim3A_600 : vector<1024x128xi1>, vector<1024x128xi32>
    %select_n3A_602 = arith.select %lt3A_575, %select_n3A_601, %select_n3A_552 : vector<1024x128xi1>, vector<1024x128xi32>
    %select_n3A_603 = arith.select %lt3A_574, %select_n3A_573, %select_n3A_553 : vector<1024x128xi1>, vector<1024x128xf32>
    %jit3A_604 = arith.constant 10 : i32
    %broadcast_in_dim3A_605 = vector.broadcast %jit3A_604 : i32 to vector<1024x128xi32>
    %select_n3A_606 = arith.select %lt3A_574, %broadcast_in_dim3A_605, %select_n3A_556 : vector<1024x128xi1>, vector<1024x128xi32>
    %slice3A_607 = vector.extract_strided_slice %get3A_43 {offsets = [0, 1408], sizes = [1, 128], strides = [1, 1]} : vector<1x2048xf32> to vector<1x128xf32>
    %add3A_608 = vector.broadcast %get3A_38 : vector<1024x1xf32> to vector<1024x128xf32>
    %add3A_609 = vector.broadcast %slice3A_607 : vector<1x128xf32> to vector<1024x128xf32>
    %add3A_610 = arith.addf %add3A_608, %add3A_609 : vector<1024x128xf32>
    %slice3A_611 = vector.extract_strided_slice %dot_general3A_30 {offsets = [0, 1408], sizes = [1024, 128], strides = [1, 1]} : vector<1024x2048xf32> to vector<1024x128xf32>
    %mul3A_612 = arith.constant 2.000000e+00 : f32
    %mul3A_613 = vector.broadcast %mul3A_612 : f32 to vector<1024x128xf32>
    %mul3A_614 = arith.mulf %mul3A_613, %slice3A_611 : vector<1024x128xf32>
    %sub3A_615 = arith.subf %add3A_610, %mul3A_614 : vector<1024x128xf32>
    %add3A_616 = arith.constant 1408 : i32
    %add3A_617 = vector.broadcast %add3A_616 : i32 to vector<1024x128xi32>
    %add3A_618 = arith.addi %iota3A, %add3A_617 : vector<1024x128xi32>
    %eq3A_619 = vector.broadcast %add3A_33 : vector<1024x1xi32> to vector<1024x128xi32>
    %eq3A_620 = arith.cmpi eq, %add3A_618, %eq3A_619 : vector<1024x128xi32>
    %jit3A_621 = arith.constant 0x7F800000 : f32
    %broadcast_in_dim3A_622 = vector.broadcast %jit3A_621 : f32 to vector<1024x128xf32>
    %select_n3A_623 = arith.select %eq3A_620, %broadcast_in_dim3A_622, %sub3A_615 : vector<1024x128xi1>, vector<1024x128xf32>
    %lt3A_624 = arith.cmpf olt, %select_n3A_623, %select_n3A_603 : vector<1024x128xf32>
    %lt3A_625 = arith.cmpf olt, %select_n3A_623, %select_n3A_598 : vector<1024x128xf32>
    %lt3A_626 = arith.cmpf olt, %select_n3A_623, %select_n3A_592 : vector<1024x128xf32>
    %lt3A_627 = arith.cmpf olt, %select_n3A_623, %select_n3A_586 : vector<1024x128xf32>
    %lt3A_628 = arith.cmpf olt, %select_n3A_623, %select_n3A_580 : vector<1024x128xf32>
    %select_n3A_629 = arith.select %lt3A_627, %select_n3A_586, %select_n3A_623 : vector<1024x128xi1>, vector<1024x128xf32>
    %select_n3A_630 = arith.select %lt3A_628, %select_n3A_629, %select_n3A_580 : vector<1024x128xi1>, vector<1024x128xf32>
    %jit3A_631 = arith.constant 11 : i32
    %broadcast_in_dim3A_632 = vector.broadcast %jit3A_631 : i32 to vector<1024x128xi32>
    %select_n3A_633 = arith.select %lt3A_627, %select_n3A_590, %broadcast_in_dim3A_632 : vector<1024x128xi1>, vector<1024x128xi32>
    %select_n3A_634 = arith.select %lt3A_628, %select_n3A_633, %select_n3A_584 : vector<1024x128xi1>, vector<1024x128xi32>
    %select_n3A_635 = arith.select %lt3A_626, %select_n3A_592, %select_n3A_623 : vector<1024x128xi1>, vector<1024x128xf32>
    %select_n3A_636 = arith.select %lt3A_627, %select_n3A_635, %select_n3A_586 : vector<1024x128xi1>, vector<1024x128xf32>
    %jit3A_637 = arith.constant 11 : i32
    %broadcast_in_dim3A_638 = vector.broadcast %jit3A_637 : i32 to vector<1024x128xi32>
    %select_n3A_639 = arith.select %lt3A_626, %select_n3A_596, %broadcast_in_dim3A_638 : vector<1024x128xi1>, vector<1024x128xi32>
    %select_n3A_640 = arith.select %lt3A_627, %select_n3A_639, %select_n3A_590 : vector<1024x128xi1>, vector<1024x128xi32>
    %select_n3A_641 = arith.select %lt3A_625, %select_n3A_598, %select_n3A_623 : vector<1024x128xi1>, vector<1024x128xf32>
    %select_n3A_642 = arith.select %lt3A_626, %select_n3A_641, %select_n3A_592 : vector<1024x128xi1>, vector<1024x128xf32>
    %jit3A_643 = arith.constant 11 : i32
    %broadcast_in_dim3A_644 = vector.broadcast %jit3A_643 : i32 to vector<1024x128xi32>
    %select_n3A_645 = arith.select %lt3A_625, %select_n3A_602, %broadcast_in_dim3A_644 : vector<1024x128xi1>, vector<1024x128xi32>
    %select_n3A_646 = arith.select %lt3A_626, %select_n3A_645, %select_n3A_596 : vector<1024x128xi1>, vector<1024x128xi32>
    %select_n3A_647 = arith.select %lt3A_624, %select_n3A_603, %select_n3A_623 : vector<1024x128xi1>, vector<1024x128xf32>
    %select_n3A_648 = arith.select %lt3A_625, %select_n3A_647, %select_n3A_598 : vector<1024x128xi1>, vector<1024x128xf32>
    %jit3A_649 = arith.constant 11 : i32
    %broadcast_in_dim3A_650 = vector.broadcast %jit3A_649 : i32 to vector<1024x128xi32>
    %select_n3A_651 = arith.select %lt3A_624, %select_n3A_606, %broadcast_in_dim3A_650 : vector<1024x128xi1>, vector<1024x128xi32>
    %select_n3A_652 = arith.select %lt3A_625, %select_n3A_651, %select_n3A_602 : vector<1024x128xi1>, vector<1024x128xi32>
    %select_n3A_653 = arith.select %lt3A_624, %select_n3A_623, %select_n3A_603 : vector<1024x128xi1>, vector<1024x128xf32>
    %jit3A_654 = arith.constant 11 : i32
    %broadcast_in_dim3A_655 = vector.broadcast %jit3A_654 : i32 to vector<1024x128xi32>
    %select_n3A_656 = arith.select %lt3A_624, %broadcast_in_dim3A_655, %select_n3A_606 : vector<1024x128xi1>, vector<1024x128xi32>
    %slice3A_657 = vector.extract_strided_slice %get3A_43 {offsets = [0, 1536], sizes = [1, 128], strides = [1, 1]} : vector<1x2048xf32> to vector<1x128xf32>
    %add3A_658 = vector.broadcast %get3A_38 : vector<1024x1xf32> to vector<1024x128xf32>
    %add3A_659 = vector.broadcast %slice3A_657 : vector<1x128xf32> to vector<1024x128xf32>
    %add3A_660 = arith.addf %add3A_658, %add3A_659 : vector<1024x128xf32>
    %slice3A_661 = vector.extract_strided_slice %dot_general3A_30 {offsets = [0, 1536], sizes = [1024, 128], strides = [1, 1]} : vector<1024x2048xf32> to vector<1024x128xf32>
    %mul3A_662 = arith.constant 2.000000e+00 : f32
    %mul3A_663 = vector.broadcast %mul3A_662 : f32 to vector<1024x128xf32>
    %mul3A_664 = arith.mulf %mul3A_663, %slice3A_661 : vector<1024x128xf32>
    %sub3A_665 = arith.subf %add3A_660, %mul3A_664 : vector<1024x128xf32>
    %add3A_666 = arith.constant 1536 : i32
    %add3A_667 = vector.broadcast %add3A_666 : i32 to vector<1024x128xi32>
    %add3A_668 = arith.addi %iota3A, %add3A_667 : vector<1024x128xi32>
    %eq3A_669 = vector.broadcast %add3A_33 : vector<1024x1xi32> to vector<1024x128xi32>
    %eq3A_670 = arith.cmpi eq, %add3A_668, %eq3A_669 : vector<1024x128xi32>
    %jit3A_671 = arith.constant 0x7F800000 : f32
    %broadcast_in_dim3A_672 = vector.broadcast %jit3A_671 : f32 to vector<1024x128xf32>
    %select_n3A_673 = arith.select %eq3A_670, %broadcast_in_dim3A_672, %sub3A_665 : vector<1024x128xi1>, vector<1024x128xf32>
    %lt3A_674 = arith.cmpf olt, %select_n3A_673, %select_n3A_653 : vector<1024x128xf32>
    %lt3A_675 = arith.cmpf olt, %select_n3A_673, %select_n3A_648 : vector<1024x128xf32>
    %lt3A_676 = arith.cmpf olt, %select_n3A_673, %select_n3A_642 : vector<1024x128xf32>
    %lt3A_677 = arith.cmpf olt, %select_n3A_673, %select_n3A_636 : vector<1024x128xf32>
    %lt3A_678 = arith.cmpf olt, %select_n3A_673, %select_n3A_630 : vector<1024x128xf32>
    %select_n3A_679 = arith.select %lt3A_677, %select_n3A_636, %select_n3A_673 : vector<1024x128xi1>, vector<1024x128xf32>
    %select_n3A_680 = arith.select %lt3A_678, %select_n3A_679, %select_n3A_630 : vector<1024x128xi1>, vector<1024x128xf32>
    %jit3A_681 = arith.constant 12 : i32
    %broadcast_in_dim3A_682 = vector.broadcast %jit3A_681 : i32 to vector<1024x128xi32>
    %select_n3A_683 = arith.select %lt3A_677, %select_n3A_640, %broadcast_in_dim3A_682 : vector<1024x128xi1>, vector<1024x128xi32>
    %select_n3A_684 = arith.select %lt3A_678, %select_n3A_683, %select_n3A_634 : vector<1024x128xi1>, vector<1024x128xi32>
    %select_n3A_685 = arith.select %lt3A_676, %select_n3A_642, %select_n3A_673 : vector<1024x128xi1>, vector<1024x128xf32>
    %select_n3A_686 = arith.select %lt3A_677, %select_n3A_685, %select_n3A_636 : vector<1024x128xi1>, vector<1024x128xf32>
    %jit3A_687 = arith.constant 12 : i32
    %broadcast_in_dim3A_688 = vector.broadcast %jit3A_687 : i32 to vector<1024x128xi32>
    %select_n3A_689 = arith.select %lt3A_676, %select_n3A_646, %broadcast_in_dim3A_688 : vector<1024x128xi1>, vector<1024x128xi32>
    %select_n3A_690 = arith.select %lt3A_677, %select_n3A_689, %select_n3A_640 : vector<1024x128xi1>, vector<1024x128xi32>
    %select_n3A_691 = arith.select %lt3A_675, %select_n3A_648, %select_n3A_673 : vector<1024x128xi1>, vector<1024x128xf32>
    %select_n3A_692 = arith.select %lt3A_676, %select_n3A_691, %select_n3A_642 : vector<1024x128xi1>, vector<1024x128xf32>
    %jit3A_693 = arith.constant 12 : i32
    %broadcast_in_dim3A_694 = vector.broadcast %jit3A_693 : i32 to vector<1024x128xi32>
    %select_n3A_695 = arith.select %lt3A_675, %select_n3A_652, %broadcast_in_dim3A_694 : vector<1024x128xi1>, vector<1024x128xi32>
    %select_n3A_696 = arith.select %lt3A_676, %select_n3A_695, %select_n3A_646 : vector<1024x128xi1>, vector<1024x128xi32>
    %select_n3A_697 = arith.select %lt3A_674, %select_n3A_653, %select_n3A_673 : vector<1024x128xi1>, vector<1024x128xf32>
    %select_n3A_698 = arith.select %lt3A_675, %select_n3A_697, %select_n3A_648 : vector<1024x128xi1>, vector<1024x128xf32>
    %jit3A_699 = arith.constant 12 : i32
    %broadcast_in_dim3A_700 = vector.broadcast %jit3A_699 : i32 to vector<1024x128xi32>
    %select_n3A_701 = arith.select %lt3A_674, %select_n3A_656, %broadcast_in_dim3A_700 : vector<1024x128xi1>, vector<1024x128xi32>
    %select_n3A_702 = arith.select %lt3A_675, %select_n3A_701, %select_n3A_652 : vector<1024x128xi1>, vector<1024x128xi32>
    %select_n3A_703 = arith.select %lt3A_674, %select_n3A_673, %select_n3A_653 : vector<1024x128xi1>, vector<1024x128xf32>
    %jit3A_704 = arith.constant 12 : i32
    %broadcast_in_dim3A_705 = vector.broadcast %jit3A_704 : i32 to vector<1024x128xi32>
    %select_n3A_706 = arith.select %lt3A_674, %broadcast_in_dim3A_705, %select_n3A_656 : vector<1024x128xi1>, vector<1024x128xi32>
    %slice3A_707 = vector.extract_strided_slice %get3A_43 {offsets = [0, 1664], sizes = [1, 128], strides = [1, 1]} : vector<1x2048xf32> to vector<1x128xf32>
    %add3A_708 = vector.broadcast %get3A_38 : vector<1024x1xf32> to vector<1024x128xf32>
    %add3A_709 = vector.broadcast %slice3A_707 : vector<1x128xf32> to vector<1024x128xf32>
    %add3A_710 = arith.addf %add3A_708, %add3A_709 : vector<1024x128xf32>
    %slice3A_711 = vector.extract_strided_slice %dot_general3A_30 {offsets = [0, 1664], sizes = [1024, 128], strides = [1, 1]} : vector<1024x2048xf32> to vector<1024x128xf32>
    %mul3A_712 = arith.constant 2.000000e+00 : f32
    %mul3A_713 = vector.broadcast %mul3A_712 : f32 to vector<1024x128xf32>
    %mul3A_714 = arith.mulf %mul3A_713, %slice3A_711 : vector<1024x128xf32>
    %sub3A_715 = arith.subf %add3A_710, %mul3A_714 : vector<1024x128xf32>
    %add3A_716 = arith.constant 1664 : i32
    %add3A_717 = vector.broadcast %add3A_716 : i32 to vector<1024x128xi32>
    %add3A_718 = arith.addi %iota3A, %add3A_717 : vector<1024x128xi32>
    %eq3A_719 = vector.broadcast %add3A_33 : vector<1024x1xi32> to vector<1024x128xi32>
    %eq3A_720 = arith.cmpi eq, %add3A_718, %eq3A_719 : vector<1024x128xi32>
    %jit3A_721 = arith.constant 0x7F800000 : f32
    %broadcast_in_dim3A_722 = vector.broadcast %jit3A_721 : f32 to vector<1024x128xf32>
    %select_n3A_723 = arith.select %eq3A_720, %broadcast_in_dim3A_722, %sub3A_715 : vector<1024x128xi1>, vector<1024x128xf32>
    %lt3A_724 = arith.cmpf olt, %select_n3A_723, %select_n3A_703 : vector<1024x128xf32>
    %lt3A_725 = arith.cmpf olt, %select_n3A_723, %select_n3A_698 : vector<1024x128xf32>
    %lt3A_726 = arith.cmpf olt, %select_n3A_723, %select_n3A_692 : vector<1024x128xf32>
    %lt3A_727 = arith.cmpf olt, %select_n3A_723, %select_n3A_686 : vector<1024x128xf32>
    %lt3A_728 = arith.cmpf olt, %select_n3A_723, %select_n3A_680 : vector<1024x128xf32>
    %select_n3A_729 = arith.select %lt3A_727, %select_n3A_686, %select_n3A_723 : vector<1024x128xi1>, vector<1024x128xf32>
    %select_n3A_730 = arith.select %lt3A_728, %select_n3A_729, %select_n3A_680 : vector<1024x128xi1>, vector<1024x128xf32>
    %jit3A_731 = arith.constant 13 : i32
    %broadcast_in_dim3A_732 = vector.broadcast %jit3A_731 : i32 to vector<1024x128xi32>
    %select_n3A_733 = arith.select %lt3A_727, %select_n3A_690, %broadcast_in_dim3A_732 : vector<1024x128xi1>, vector<1024x128xi32>
    %select_n3A_734 = arith.select %lt3A_728, %select_n3A_733, %select_n3A_684 : vector<1024x128xi1>, vector<1024x128xi32>
    %select_n3A_735 = arith.select %lt3A_726, %select_n3A_692, %select_n3A_723 : vector<1024x128xi1>, vector<1024x128xf32>
    %select_n3A_736 = arith.select %lt3A_727, %select_n3A_735, %select_n3A_686 : vector<1024x128xi1>, vector<1024x128xf32>
    %jit3A_737 = arith.constant 13 : i32
    %broadcast_in_dim3A_738 = vector.broadcast %jit3A_737 : i32 to vector<1024x128xi32>
    %select_n3A_739 = arith.select %lt3A_726, %select_n3A_696, %broadcast_in_dim3A_738 : vector<1024x128xi1>, vector<1024x128xi32>
    %select_n3A_740 = arith.select %lt3A_727, %select_n3A_739, %select_n3A_690 : vector<1024x128xi1>, vector<1024x128xi32>
    %select_n3A_741 = arith.select %lt3A_725, %select_n3A_698, %select_n3A_723 : vector<1024x128xi1>, vector<1024x128xf32>
    %select_n3A_742 = arith.select %lt3A_726, %select_n3A_741, %select_n3A_692 : vector<1024x128xi1>, vector<1024x128xf32>
    %jit3A_743 = arith.constant 13 : i32
    %broadcast_in_dim3A_744 = vector.broadcast %jit3A_743 : i32 to vector<1024x128xi32>
    %select_n3A_745 = arith.select %lt3A_725, %select_n3A_702, %broadcast_in_dim3A_744 : vector<1024x128xi1>, vector<1024x128xi32>
    %select_n3A_746 = arith.select %lt3A_726, %select_n3A_745, %select_n3A_696 : vector<1024x128xi1>, vector<1024x128xi32>
    %select_n3A_747 = arith.select %lt3A_724, %select_n3A_703, %select_n3A_723 : vector<1024x128xi1>, vector<1024x128xf32>
    %select_n3A_748 = arith.select %lt3A_725, %select_n3A_747, %select_n3A_698 : vector<1024x128xi1>, vector<1024x128xf32>
    %jit3A_749 = arith.constant 13 : i32
    %broadcast_in_dim3A_750 = vector.broadcast %jit3A_749 : i32 to vector<1024x128xi32>
    %select_n3A_751 = arith.select %lt3A_724, %select_n3A_706, %broadcast_in_dim3A_750 : vector<1024x128xi1>, vector<1024x128xi32>
    %select_n3A_752 = arith.select %lt3A_725, %select_n3A_751, %select_n3A_702 : vector<1024x128xi1>, vector<1024x128xi32>
    %select_n3A_753 = arith.select %lt3A_724, %select_n3A_723, %select_n3A_703 : vector<1024x128xi1>, vector<1024x128xf32>
    %jit3A_754 = arith.constant 13 : i32
    %broadcast_in_dim3A_755 = vector.broadcast %jit3A_754 : i32 to vector<1024x128xi32>
    %select_n3A_756 = arith.select %lt3A_724, %broadcast_in_dim3A_755, %select_n3A_706 : vector<1024x128xi1>, vector<1024x128xi32>
    %slice3A_757 = vector.extract_strided_slice %get3A_43 {offsets = [0, 1792], sizes = [1, 128], strides = [1, 1]} : vector<1x2048xf32> to vector<1x128xf32>
    %add3A_758 = vector.broadcast %get3A_38 : vector<1024x1xf32> to vector<1024x128xf32>
    %add3A_759 = vector.broadcast %slice3A_757 : vector<1x128xf32> to vector<1024x128xf32>
    %add3A_760 = arith.addf %add3A_758, %add3A_759 : vector<1024x128xf32>
    %slice3A_761 = vector.extract_strided_slice %dot_general3A_30 {offsets = [0, 1792], sizes = [1024, 128], strides = [1, 1]} : vector<1024x2048xf32> to vector<1024x128xf32>
    %mul3A_762 = arith.constant 2.000000e+00 : f32
    %mul3A_763 = vector.broadcast %mul3A_762 : f32 to vector<1024x128xf32>
    %mul3A_764 = arith.mulf %mul3A_763, %slice3A_761 : vector<1024x128xf32>
    %sub3A_765 = arith.subf %add3A_760, %mul3A_764 : vector<1024x128xf32>
    %add3A_766 = arith.constant 1792 : i32
    %add3A_767 = vector.broadcast %add3A_766 : i32 to vector<1024x128xi32>
    %add3A_768 = arith.addi %iota3A, %add3A_767 : vector<1024x128xi32>
    %eq3A_769 = vector.broadcast %add3A_33 : vector<1024x1xi32> to vector<1024x128xi32>
    %eq3A_770 = arith.cmpi eq, %add3A_768, %eq3A_769 : vector<1024x128xi32>
    %jit3A_771 = arith.constant 0x7F800000 : f32
    %broadcast_in_dim3A_772 = vector.broadcast %jit3A_771 : f32 to vector<1024x128xf32>
    %select_n3A_773 = arith.select %eq3A_770, %broadcast_in_dim3A_772, %sub3A_765 : vector<1024x128xi1>, vector<1024x128xf32>
    %lt3A_774 = arith.cmpf olt, %select_n3A_773, %select_n3A_753 : vector<1024x128xf32>
    %lt3A_775 = arith.cmpf olt, %select_n3A_773, %select_n3A_748 : vector<1024x128xf32>
    %lt3A_776 = arith.cmpf olt, %select_n3A_773, %select_n3A_742 : vector<1024x128xf32>
    %lt3A_777 = arith.cmpf olt, %select_n3A_773, %select_n3A_736 : vector<1024x128xf32>
    %lt3A_778 = arith.cmpf olt, %select_n3A_773, %select_n3A_730 : vector<1024x128xf32>
    %select_n3A_779 = arith.select %lt3A_777, %select_n3A_736, %select_n3A_773 : vector<1024x128xi1>, vector<1024x128xf32>
    %select_n3A_780 = arith.select %lt3A_778, %select_n3A_779, %select_n3A_730 : vector<1024x128xi1>, vector<1024x128xf32>
    %jit3A_781 = arith.constant 14 : i32
    %broadcast_in_dim3A_782 = vector.broadcast %jit3A_781 : i32 to vector<1024x128xi32>
    %select_n3A_783 = arith.select %lt3A_777, %select_n3A_740, %broadcast_in_dim3A_782 : vector<1024x128xi1>, vector<1024x128xi32>
    %select_n3A_784 = arith.select %lt3A_778, %select_n3A_783, %select_n3A_734 : vector<1024x128xi1>, vector<1024x128xi32>
    %select_n3A_785 = arith.select %lt3A_776, %select_n3A_742, %select_n3A_773 : vector<1024x128xi1>, vector<1024x128xf32>
    %select_n3A_786 = arith.select %lt3A_777, %select_n3A_785, %select_n3A_736 : vector<1024x128xi1>, vector<1024x128xf32>
    %jit3A_787 = arith.constant 14 : i32
    %broadcast_in_dim3A_788 = vector.broadcast %jit3A_787 : i32 to vector<1024x128xi32>
    %select_n3A_789 = arith.select %lt3A_776, %select_n3A_746, %broadcast_in_dim3A_788 : vector<1024x128xi1>, vector<1024x128xi32>
    %select_n3A_790 = arith.select %lt3A_777, %select_n3A_789, %select_n3A_740 : vector<1024x128xi1>, vector<1024x128xi32>
    %select_n3A_791 = arith.select %lt3A_775, %select_n3A_748, %select_n3A_773 : vector<1024x128xi1>, vector<1024x128xf32>
    %select_n3A_792 = arith.select %lt3A_776, %select_n3A_791, %select_n3A_742 : vector<1024x128xi1>, vector<1024x128xf32>
    %jit3A_793 = arith.constant 14 : i32
    %broadcast_in_dim3A_794 = vector.broadcast %jit3A_793 : i32 to vector<1024x128xi32>
    %select_n3A_795 = arith.select %lt3A_775, %select_n3A_752, %broadcast_in_dim3A_794 : vector<1024x128xi1>, vector<1024x128xi32>
    %select_n3A_796 = arith.select %lt3A_776, %select_n3A_795, %select_n3A_746 : vector<1024x128xi1>, vector<1024x128xi32>
    %select_n3A_797 = arith.select %lt3A_774, %select_n3A_753, %select_n3A_773 : vector<1024x128xi1>, vector<1024x128xf32>
    %select_n3A_798 = arith.select %lt3A_775, %select_n3A_797, %select_n3A_748 : vector<1024x128xi1>, vector<1024x128xf32>
    %jit3A_799 = arith.constant 14 : i32
    %broadcast_in_dim3A_800 = vector.broadcast %jit3A_799 : i32 to vector<1024x128xi32>
    %select_n3A_801 = arith.select %lt3A_774, %select_n3A_756, %broadcast_in_dim3A_800 : vector<1024x128xi1>, vector<1024x128xi32>
    %select_n3A_802 = arith.select %lt3A_775, %select_n3A_801, %select_n3A_752 : vector<1024x128xi1>, vector<1024x128xi32>
    %select_n3A_803 = arith.select %lt3A_774, %select_n3A_773, %select_n3A_753 : vector<1024x128xi1>, vector<1024x128xf32>
    %jit3A_804 = arith.constant 14 : i32
    %broadcast_in_dim3A_805 = vector.broadcast %jit3A_804 : i32 to vector<1024x128xi32>
    %select_n3A_806 = arith.select %lt3A_774, %broadcast_in_dim3A_805, %select_n3A_756 : vector<1024x128xi1>, vector<1024x128xi32>
    %slice3A_807 = vector.extract_strided_slice %get3A_43 {offsets = [0, 1920], sizes = [1, 128], strides = [1, 1]} : vector<1x2048xf32> to vector<1x128xf32>
    %add3A_808 = vector.broadcast %get3A_38 : vector<1024x1xf32> to vector<1024x128xf32>
    %add3A_809 = vector.broadcast %slice3A_807 : vector<1x128xf32> to vector<1024x128xf32>
    %add3A_810 = arith.addf %add3A_808, %add3A_809 : vector<1024x128xf32>
    %slice3A_811 = vector.extract_strided_slice %dot_general3A_30 {offsets = [0, 1920], sizes = [1024, 128], strides = [1, 1]} : vector<1024x2048xf32> to vector<1024x128xf32>
    %mul3A_812 = arith.constant 2.000000e+00 : f32
    %mul3A_813 = vector.broadcast %mul3A_812 : f32 to vector<1024x128xf32>
    %mul3A_814 = arith.mulf %mul3A_813, %slice3A_811 : vector<1024x128xf32>
    %sub3A_815 = arith.subf %add3A_810, %mul3A_814 : vector<1024x128xf32>
    %add3A_816 = arith.constant 1920 : i32
    %add3A_817 = vector.broadcast %add3A_816 : i32 to vector<1024x128xi32>
    %add3A_818 = arith.addi %iota3A, %add3A_817 : vector<1024x128xi32>
    %eq3A_819 = vector.broadcast %add3A_33 : vector<1024x1xi32> to vector<1024x128xi32>
    %eq3A_820 = arith.cmpi eq, %add3A_818, %eq3A_819 : vector<1024x128xi32>
    %jit3A_821 = arith.constant 0x7F800000 : f32
    %broadcast_in_dim3A_822 = vector.broadcast %jit3A_821 : f32 to vector<1024x128xf32>
    %select_n3A_823 = arith.select %eq3A_820, %broadcast_in_dim3A_822, %sub3A_815 : vector<1024x128xi1>, vector<1024x128xf32>
    %lt3A_824 = arith.cmpf olt, %select_n3A_823, %select_n3A_803 : vector<1024x128xf32>
    %lt3A_825 = arith.cmpf olt, %select_n3A_823, %select_n3A_798 : vector<1024x128xf32>
    %lt3A_826 = arith.cmpf olt, %select_n3A_823, %select_n3A_792 : vector<1024x128xf32>
    %lt3A_827 = arith.cmpf olt, %select_n3A_823, %select_n3A_786 : vector<1024x128xf32>
    %lt3A_828 = arith.cmpf olt, %select_n3A_823, %select_n3A_780 : vector<1024x128xf32>
    %select_n3A_829 = arith.select %lt3A_827, %select_n3A_786, %select_n3A_823 : vector<1024x128xi1>, vector<1024x128xf32>
    %select_n3A_830 = arith.select %lt3A_828, %select_n3A_829, %select_n3A_780 : vector<1024x128xi1>, vector<1024x128xf32>
    %jit3A_831 = arith.constant 15 : i32
    %broadcast_in_dim3A_832 = vector.broadcast %jit3A_831 : i32 to vector<1024x128xi32>
    %select_n3A_833 = arith.select %lt3A_827, %select_n3A_790, %broadcast_in_dim3A_832 : vector<1024x128xi1>, vector<1024x128xi32>
    %select_n3A_834 = arith.select %lt3A_828, %select_n3A_833, %select_n3A_784 : vector<1024x128xi1>, vector<1024x128xi32>
    %select_n3A_835 = arith.select %lt3A_826, %select_n3A_792, %select_n3A_823 : vector<1024x128xi1>, vector<1024x128xf32>
    %select_n3A_836 = arith.select %lt3A_827, %select_n3A_835, %select_n3A_786 : vector<1024x128xi1>, vector<1024x128xf32>
    %jit3A_837 = arith.constant 15 : i32
    %broadcast_in_dim3A_838 = vector.broadcast %jit3A_837 : i32 to vector<1024x128xi32>
    %select_n3A_839 = arith.select %lt3A_826, %select_n3A_796, %broadcast_in_dim3A_838 : vector<1024x128xi1>, vector<1024x128xi32>
    %select_n3A_840 = arith.select %lt3A_827, %select_n3A_839, %select_n3A_790 : vector<1024x128xi1>, vector<1024x128xi32>
    %select_n3A_841 = arith.select %lt3A_825, %select_n3A_798, %select_n3A_823 : vector<1024x128xi1>, vector<1024x128xf32>
    %select_n3A_842 = arith.select %lt3A_826, %select_n3A_841, %select_n3A_792 : vector<1024x128xi1>, vector<1024x128xf32>
    %jit3A_843 = arith.constant 15 : i32
    %broadcast_in_dim3A_844 = vector.broadcast %jit3A_843 : i32 to vector<1024x128xi32>
    %select_n3A_845 = arith.select %lt3A_825, %select_n3A_802, %broadcast_in_dim3A_844 : vector<1024x128xi1>, vector<1024x128xi32>
    %select_n3A_846 = arith.select %lt3A_826, %select_n3A_845, %select_n3A_796 : vector<1024x128xi1>, vector<1024x128xi32>
    %select_n3A_847 = arith.select %lt3A_824, %select_n3A_803, %select_n3A_823 : vector<1024x128xi1>, vector<1024x128xf32>
    %select_n3A_848 = arith.select %lt3A_825, %select_n3A_847, %select_n3A_798 : vector<1024x128xi1>, vector<1024x128xf32>
    %jit3A_849 = arith.constant 15 : i32
    %broadcast_in_dim3A_850 = vector.broadcast %jit3A_849 : i32 to vector<1024x128xi32>
    %select_n3A_851 = arith.select %lt3A_824, %select_n3A_806, %broadcast_in_dim3A_850 : vector<1024x128xi1>, vector<1024x128xi32>
    %select_n3A_852 = arith.select %lt3A_825, %select_n3A_851, %select_n3A_802 : vector<1024x128xi1>, vector<1024x128xi32>
    %select_n3A_853 = arith.select %lt3A_824, %select_n3A_823, %select_n3A_803 : vector<1024x128xi1>, vector<1024x128xf32>
    %jit3A_854 = arith.constant 15 : i32
    %broadcast_in_dim3A_855 = vector.broadcast %jit3A_854 : i32 to vector<1024x128xi32>
    %select_n3A_856 = arith.select %lt3A_824, %broadcast_in_dim3A_855, %select_n3A_806 : vector<1024x128xi1>, vector<1024x128xi32>
    %reduce_min3A = arith.constant dense<0x7F800000> : vector<1024xf32>
    %reduce_min3A_857 = vector.multi_reduction <minimumf>, %select_n3A_853, %reduce_min3A [1] : vector<1024x128xf32> to vector<1024xf32>
    %broadcast_in_dim3A_858 = vector.shape_cast %reduce_min3A_857 : vector<1024xf32> to vector<1024x1xf32>
    %mul3A_859 = arith.constant 128 : i32
    %mul3A_860 = vector.broadcast %mul3A_859 : i32 to vector<1024x128xi32>
    %mul3A_861 = arith.muli %select_n3A_856, %mul3A_860 : vector<1024x128xi32>
    %add3A_862 = arith.addi %mul3A_861, %iota3A : vector<1024x128xi32>
    %eq3A_863 = vector.broadcast %broadcast_in_dim3A_858 : vector<1024x1xf32> to vector<1024x128xf32>
    %eq3A_864 = arith.cmpf oeq, %select_n3A_853, %eq3A_863 : vector<1024x128xf32>
    %jit3A_865 = arith.constant 1073741824 : i32
    %broadcast_in_dim3A_866 = vector.broadcast %jit3A_865 : i32 to vector<1024x128xi32>
    %select_n3A_867 = arith.select %eq3A_864, %add3A_862, %broadcast_in_dim3A_866 : vector<1024x128xi1>, vector<1024x128xi32>
    %reduce_min3A_868 = arith.constant dense<2147483647> : vector<1024xi32>
    %reduce_min3A_869 = vector.multi_reduction <minsi>, %select_n3A_867, %reduce_min3A_868 [1] : vector<1024x128xi32> to vector<1024xi32>
    %broadcast_in_dim3A_870 = vector.shape_cast %reduce_min3A_869 : vector<1024xi32> to vector<1024x1xi32>
    %broadcast_in_dim3A_871 = vector.shape_cast %reduce_min3A_869 : vector<1024xi32> to vector<1024x1xi32>
    %eq3A_872 = vector.broadcast %broadcast_in_dim3A_871 : vector<1024x1xi32> to vector<1024x128xi32>
    %eq3A_873 = arith.cmpi eq, %add3A_862, %eq3A_872 : vector<1024x128xi32>
    %select_n3A_874 = arith.select %eq3A_873, %select_n3A_848, %select_n3A_853 : vector<1024x128xi1>, vector<1024x128xf32>
    %select_n3A_875 = arith.select %eq3A_873, %select_n3A_852, %select_n3A_856 : vector<1024x128xi1>, vector<1024x128xi32>
    %select_n3A_876 = arith.select %eq3A_873, %select_n3A_842, %select_n3A_848 : vector<1024x128xi1>, vector<1024x128xf32>
    %select_n3A_877 = arith.select %eq3A_873, %select_n3A_846, %select_n3A_852 : vector<1024x128xi1>, vector<1024x128xi32>
    %select_n3A_878 = arith.select %eq3A_873, %select_n3A_836, %select_n3A_842 : vector<1024x128xi1>, vector<1024x128xf32>
    %select_n3A_879 = arith.select %eq3A_873, %select_n3A_840, %select_n3A_846 : vector<1024x128xi1>, vector<1024x128xi32>
    %select_n3A_880 = arith.select %eq3A_873, %select_n3A_830, %select_n3A_836 : vector<1024x128xi1>, vector<1024x128xf32>
    %select_n3A_881 = arith.select %eq3A_873, %select_n3A_834, %select_n3A_840 : vector<1024x128xi1>, vector<1024x128xi32>
    %reduce_min3A_882 = arith.constant dense<0x7F800000> : vector<1024xf32>
    %reduce_min3A_883 = vector.multi_reduction <minimumf>, %select_n3A_874, %reduce_min3A_882 [1] : vector<1024x128xf32> to vector<1024xf32>
    %broadcast_in_dim3A_884 = vector.shape_cast %reduce_min3A_883 : vector<1024xf32> to vector<1024x1xf32>
    %mul3A_885 = arith.constant 128 : i32
    %mul3A_886 = vector.broadcast %mul3A_885 : i32 to vector<1024x128xi32>
    %mul3A_887 = arith.muli %select_n3A_875, %mul3A_886 : vector<1024x128xi32>
    %add3A_888 = arith.addi %mul3A_887, %iota3A : vector<1024x128xi32>
    %eq3A_889 = vector.broadcast %broadcast_in_dim3A_884 : vector<1024x1xf32> to vector<1024x128xf32>
    %eq3A_890 = arith.cmpf oeq, %select_n3A_874, %eq3A_889 : vector<1024x128xf32>
    %jit3A_891 = arith.constant 1073741824 : i32
    %broadcast_in_dim3A_892 = vector.broadcast %jit3A_891 : i32 to vector<1024x128xi32>
    %select_n3A_893 = arith.select %eq3A_890, %add3A_888, %broadcast_in_dim3A_892 : vector<1024x128xi1>, vector<1024x128xi32>
    %reduce_min3A_894 = arith.constant dense<2147483647> : vector<1024xi32>
    %reduce_min3A_895 = vector.multi_reduction <minsi>, %select_n3A_893, %reduce_min3A_894 [1] : vector<1024x128xi32> to vector<1024xi32>
    %broadcast_in_dim3A_896 = vector.shape_cast %reduce_min3A_895 : vector<1024xi32> to vector<1024x1xi32>
    %broadcast_in_dim3A_897 = vector.shape_cast %reduce_min3A_895 : vector<1024xi32> to vector<1024x1xi32>
    %eq3A_898 = vector.broadcast %broadcast_in_dim3A_897 : vector<1024x1xi32> to vector<1024x128xi32>
    %eq3A_899 = arith.cmpi eq, %add3A_888, %eq3A_898 : vector<1024x128xi32>
    %select_n3A_900 = arith.select %eq3A_899, %select_n3A_876, %select_n3A_874 : vector<1024x128xi1>, vector<1024x128xf32>
    %select_n3A_901 = arith.select %eq3A_899, %select_n3A_877, %select_n3A_875 : vector<1024x128xi1>, vector<1024x128xi32>
    %select_n3A_902 = arith.select %eq3A_899, %select_n3A_878, %select_n3A_876 : vector<1024x128xi1>, vector<1024x128xf32>
    %select_n3A_903 = arith.select %eq3A_899, %select_n3A_879, %select_n3A_877 : vector<1024x128xi1>, vector<1024x128xi32>
    %select_n3A_904 = arith.select %eq3A_899, %select_n3A_880, %select_n3A_878 : vector<1024x128xi1>, vector<1024x128xf32>
    %select_n3A_905 = arith.select %eq3A_899, %select_n3A_881, %select_n3A_879 : vector<1024x128xi1>, vector<1024x128xi32>
    %reduce_min3A_906 = arith.constant dense<0x7F800000> : vector<1024xf32>
    %reduce_min3A_907 = vector.multi_reduction <minimumf>, %select_n3A_900, %reduce_min3A_906 [1] : vector<1024x128xf32> to vector<1024xf32>
    %broadcast_in_dim3A_908 = vector.shape_cast %reduce_min3A_907 : vector<1024xf32> to vector<1024x1xf32>
    %mul3A_909 = arith.constant 128 : i32
    %mul3A_910 = vector.broadcast %mul3A_909 : i32 to vector<1024x128xi32>
    %mul3A_911 = arith.muli %select_n3A_901, %mul3A_910 : vector<1024x128xi32>
    %add3A_912 = arith.addi %mul3A_911, %iota3A : vector<1024x128xi32>
    %eq3A_913 = vector.broadcast %broadcast_in_dim3A_908 : vector<1024x1xf32> to vector<1024x128xf32>
    %eq3A_914 = arith.cmpf oeq, %select_n3A_900, %eq3A_913 : vector<1024x128xf32>
    %jit3A_915 = arith.constant 1073741824 : i32
    %broadcast_in_dim3A_916 = vector.broadcast %jit3A_915 : i32 to vector<1024x128xi32>
    %select_n3A_917 = arith.select %eq3A_914, %add3A_912, %broadcast_in_dim3A_916 : vector<1024x128xi1>, vector<1024x128xi32>
    %reduce_min3A_918 = arith.constant dense<2147483647> : vector<1024xi32>
    %reduce_min3A_919 = vector.multi_reduction <minsi>, %select_n3A_917, %reduce_min3A_918 [1] : vector<1024x128xi32> to vector<1024xi32>
    %broadcast_in_dim3A_920 = vector.shape_cast %reduce_min3A_919 : vector<1024xi32> to vector<1024x1xi32>
    %broadcast_in_dim3A_921 = vector.shape_cast %reduce_min3A_919 : vector<1024xi32> to vector<1024x1xi32>
    %eq3A_922 = vector.broadcast %broadcast_in_dim3A_921 : vector<1024x1xi32> to vector<1024x128xi32>
    %eq3A_923 = arith.cmpi eq, %add3A_912, %eq3A_922 : vector<1024x128xi32>
    %select_n3A_924 = arith.select %eq3A_923, %select_n3A_902, %select_n3A_900 : vector<1024x128xi1>, vector<1024x128xf32>
    %select_n3A_925 = arith.select %eq3A_923, %select_n3A_903, %select_n3A_901 : vector<1024x128xi1>, vector<1024x128xi32>
    %select_n3A_926 = arith.select %eq3A_923, %select_n3A_904, %select_n3A_902 : vector<1024x128xi1>, vector<1024x128xf32>
    %select_n3A_927 = arith.select %eq3A_923, %select_n3A_905, %select_n3A_903 : vector<1024x128xi1>, vector<1024x128xi32>
    %reduce_min3A_928 = arith.constant dense<0x7F800000> : vector<1024xf32>
    %reduce_min3A_929 = vector.multi_reduction <minimumf>, %select_n3A_924, %reduce_min3A_928 [1] : vector<1024x128xf32> to vector<1024xf32>
    %broadcast_in_dim3A_930 = vector.shape_cast %reduce_min3A_929 : vector<1024xf32> to vector<1024x1xf32>
    %mul3A_931 = arith.constant 128 : i32
    %mul3A_932 = vector.broadcast %mul3A_931 : i32 to vector<1024x128xi32>
    %mul3A_933 = arith.muli %select_n3A_925, %mul3A_932 : vector<1024x128xi32>
    %add3A_934 = arith.addi %mul3A_933, %iota3A : vector<1024x128xi32>
    %eq3A_935 = vector.broadcast %broadcast_in_dim3A_930 : vector<1024x1xf32> to vector<1024x128xf32>
    %eq3A_936 = arith.cmpf oeq, %select_n3A_924, %eq3A_935 : vector<1024x128xf32>
    %jit3A_937 = arith.constant 1073741824 : i32
    %broadcast_in_dim3A_938 = vector.broadcast %jit3A_937 : i32 to vector<1024x128xi32>
    %select_n3A_939 = arith.select %eq3A_936, %add3A_934, %broadcast_in_dim3A_938 : vector<1024x128xi1>, vector<1024x128xi32>
    %reduce_min3A_940 = arith.constant dense<2147483647> : vector<1024xi32>
    %reduce_min3A_941 = vector.multi_reduction <minsi>, %select_n3A_939, %reduce_min3A_940 [1] : vector<1024x128xi32> to vector<1024xi32>
    %broadcast_in_dim3A_942 = vector.shape_cast %reduce_min3A_941 : vector<1024xi32> to vector<1024x1xi32>
    %broadcast_in_dim3A_943 = vector.shape_cast %reduce_min3A_941 : vector<1024xi32> to vector<1024x1xi32>
    %eq3A_944 = vector.broadcast %broadcast_in_dim3A_943 : vector<1024x1xi32> to vector<1024x128xi32>
    %eq3A_945 = arith.cmpi eq, %add3A_934, %eq3A_944 : vector<1024x128xi32>
    %select_n3A_946 = arith.select %eq3A_945, %select_n3A_926, %select_n3A_924 : vector<1024x128xi1>, vector<1024x128xf32>
    %select_n3A_947 = arith.select %eq3A_945, %select_n3A_927, %select_n3A_925 : vector<1024x128xi1>, vector<1024x128xi32>
    %reduce_min3A_948 = arith.constant dense<0x7F800000> : vector<1024xf32>
    %reduce_min3A_949 = vector.multi_reduction <minimumf>, %select_n3A_946, %reduce_min3A_948 [1] : vector<1024x128xf32> to vector<1024xf32>
    %broadcast_in_dim3A_950 = vector.shape_cast %reduce_min3A_949 : vector<1024xf32> to vector<1024x1xf32>
    %mul3A_951 = arith.constant 128 : i32
    %mul3A_952 = vector.broadcast %mul3A_951 : i32 to vector<1024x128xi32>
    %mul3A_953 = arith.muli %select_n3A_947, %mul3A_952 : vector<1024x128xi32>
    %add3A_954 = arith.addi %mul3A_953, %iota3A : vector<1024x128xi32>
    %eq3A_955 = vector.broadcast %broadcast_in_dim3A_950 : vector<1024x1xf32> to vector<1024x128xf32>
    %eq3A_956 = arith.cmpf oeq, %select_n3A_946, %eq3A_955 : vector<1024x128xf32>
    %jit3A_957 = arith.constant 1073741824 : i32
    %broadcast_in_dim3A_958 = vector.broadcast %jit3A_957 : i32 to vector<1024x128xi32>
    %select_n3A_959 = arith.select %eq3A_956, %add3A_954, %broadcast_in_dim3A_958 : vector<1024x128xi1>, vector<1024x128xi32>
    %reduce_min3A_960 = arith.constant dense<2147483647> : vector<1024xi32>
    %reduce_min3A_961 = vector.multi_reduction <minsi>, %select_n3A_959, %reduce_min3A_960 [1] : vector<1024x128xi32> to vector<1024xi32>
    %broadcast_in_dim3A_962 = vector.shape_cast %reduce_min3A_961 : vector<1024xi32> to vector<1024x1xi32>
    %concatenate3A = tpu.concatenate %broadcast_in_dim3A_870, %broadcast_in_dim3A_896, %broadcast_in_dim3A_920, %broadcast_in_dim3A_942, %broadcast_in_dim3A_962 in 1 : vector<1024x1xi32>, vector<1024x1xi32>, vector<1024x1xi32>, vector<1024x1xi32>, vector<1024x1xi32> -> vector<1024x5xi32>
    %mul3A_963 = arith.constant 2048 : i32
    %mul3A_964 = arith.muli %arg0, %mul3A_963 : i32
    %add3A_965 = vector.broadcast %mul3A_964 : i32 to vector<1024x5xi32>
    %add3A_966 = arith.addi %concatenate3A, %add3A_965 : vector<1024x5xi32>
    %swap3A_967 = arith.constant 0 : index
    %swap3A_968 = arith.constant 0 : index
    %swap3A_969 = arith.constant 0 : index
    %swap3A_970 = vector.load %arg8[%swap3A_967, %swap3A_968, %swap3A_969] : memref<1x1024x5xi32, #tpu.memory_space<vmem>>, vector<1x1024x5xi32>
    %swap3A_971 = vector.shape_cast %swap3A_970 : vector<1x1024x5xi32> to vector<1024x5xi32>
    %swap3A_972 = vector.shape_cast %add3A_966 : vector<1024x5xi32> to vector<1x1024x5xi32>
    tpu.vector_store %arg8[%swap3A_967, %swap3A_968, %swap3A_969], %swap3A_972 {strides = array<i32>} : memref<1x1024x5xi32, #tpu.memory_space<vmem>>, vector<1x1024x5xi32>,
    return
  }
  func.func @transform_0(%arg0: i32, %arg1: i32) -> (i32, i32, i32) {
    %c0_i32 = arith.constant 0 : i32
    %c0_i32_0 = arith.constant 0 : i32
    return %arg0, %arg1, %c0_i32 : i32, i32, i32
  }
  func.func @transform_1(%arg0: i32, %arg1: i32) -> (i32, i32, i32) {
    %c0_i32 = arith.constant 0 : i32
    %c0_i32_0 = arith.constant 0 : i32
    %c0_i32_1 = arith.constant 0 : i32
    return %arg0, %c0_i32, %c0_i32_0 : i32, i32, i32
  }
  func.func @transform_2(%arg0: i32, %arg1: i32) -> (i32, i32, i32) {
    %c0_i32 = arith.constant 0 : i32
    %c0_i32_0 = arith.constant 0 : i32
    return %arg0, %arg1, %c0_i32 : i32, i32, i32
  }
  func.func @transform_3(%arg0: i32, %arg1: i32) -> (i32, i32, i32) {
    %c0_i32 = arith.constant 0 : i32
    %c0_i32_0 = arith.constant 0 : i32
    %c0_i32_1 = arith.constant 0 : i32
    return %arg0, %c0_i32, %c0_i32_0 : i32, i32, i32
  }
  func.func @transform_4(%arg0: i32, %arg1: i32) -> (i32, i32) {
    %c0_i32 = arith.constant 0 : i32
    %c0_i32_0 = arith.constant 0 : i32
    %c0_i32_1 = arith.constant 0 : i32
    return %c0_i32, %c0_i32_0 : i32, i32
  }
  func.func @transform_5(%arg0: i32, %arg1: i32) -> (i32, i32) {
    %c0_i32 = arith.constant 0 : i32
    %c0_i32_0 = arith.constant 0 : i32
    %c0_i32_1 = arith.constant 0 : i32
    return %c0_i32, %c0_i32_0 : i32, i32
  }
  func.func @transform_6(%arg0: i32, %arg1: i32) -> (i32, i32, i32) {
    %c0_i32 = arith.constant 0 : i32
    %c0_i32_0 = arith.constant 0 : i32
    return %arg0, %arg1, %c0_i32 : i32, i32, i32
  }
  func.func @transform_7(%arg0: i32, %arg1: i32) -> (i32, i32, i32) {
    %c0_i32 = arith.constant 0 : i32
    %c0_i32_0 = arith.constant 0 : i32
    return %arg0, %arg1, %c0_i32 : i32, i32, i32
  }
  func.func @transform_8(%arg0: i32, %arg1: i32) -> (i32, i32, i32) {
    %c0_i32 = arith.constant 0 : i32
    %c0_i32_0 = arith.constant 0 : i32
    return %arg0, %arg1, %c0_i32 : i32, i32, i32
  }
}

module attributes {stable_mosaic.version = 14 : i64} {
  func.func @_attn_body(%arg0: i32, %arg1: i32, %arg2: memref<1x512x128xf32, #tpu.memory_space<vmem>>, %arg3: memref<1x512x128xf32, #tpu.memory_space<vmem>>, %arg4: memref<1x512x256xf32, #tpu.memory_space<vmem>>, %arg5: memref<1x512x1280xf32, #tpu.memory_space<vmem>>, %arg6: memref<128x128xf32, #tpu.memory_space<vmem>>, %arg7: memref<128x8xf32, #tpu.memory_space<vmem>>, %arg8: memref<1x512x128xf32, #tpu.memory_space<vmem>>) attributes {dimension_semantics = [#tpu.dimension_semantics<arbitrary>, #tpu.dimension_semantics<arbitrary>], iteration_bounds = array<i64: 4, 4>, scalar_prefetch = 0 : i64, scratch_operands = 0 : i64, tpu.core_type = #tpu.core_type<tc>, window_params = [{transform_indices = @transform_0, window_bounds = array<i64: 1, 512, 128>}, {transform_indices = @transform_1, window_bounds = array<i64: 1, 512, 128>}, {transform_indices = @transform_2, window_bounds = array<i64: 1, 512, 256>}, {transform_indices = @transform_3, window_bounds = array<i64: 1, 512, 1280>}, {pipeline_mode = #tpu.pipeline_mode<synchronous>, transform_indices = @transform_4, window_bounds = array<i64: 128, 128>}, {pipeline_mode = #tpu.pipeline_mode<synchronous>, transform_indices = @transform_5, window_bounds = array<i64: 128, 8>}, {transform_indices = @transform_6, window_bounds = array<i64: 1, 512, 128>}]} {
    %get3A = arith.constant 0 : index
    %get3A_0 = arith.constant 0 : index
    %get3A_1 = arith.constant 0 : index
    %get3A_2 = vector.load %arg2[%get3A, %get3A_0, %get3A_1] : memref<1x512x128xf32, #tpu.memory_space<vmem>>, vector<1x512x128xf32>
    %get3A_3 = vector.shape_cast %get3A_2 : vector<1x512x128xf32> to vector<512x128xf32>
    %get3A_4 = arith.constant 0 : index
    %get3A_5 = arith.constant 0 : index
    %get3A_6 = arith.constant 0 : index
    %get3A_7 = vector.load %arg3[%get3A_4, %get3A_5, %get3A_6] : memref<1x512x128xf32, #tpu.memory_space<vmem>>, vector<1x512x128xf32>
    %get3A_8 = vector.shape_cast %get3A_7 : vector<1x512x128xf32> to vector<512x128xf32>
    %get3A_9 = arith.constant 0 : index
    %get3A_10 = arith.constant 0 : index
    %get3A_11 = arith.constant 0 : index
    %get3A_12 = vector.load %arg5[%get3A_9, %get3A_10, %get3A_11] : memref<1x512x1280xf32, #tpu.memory_space<vmem>>, vector<1x512x1280xf32>
    %get3A_13 = vector.shape_cast %get3A_12 : vector<1x512x1280xf32> to vector<512x1280xf32>
    %get3A_14 = arith.constant 0 : index
    %get3A_15 = arith.constant 0 : index
    %get3A_16 = arith.constant 0 : index
    %get3A_17 = vector.load %arg4[%get3A_14, %get3A_15, %get3A_16] : memref<1x512x256xf32, #tpu.memory_space<vmem>>, vector<1x512x256xf32>
    %get3A_18 = vector.shape_cast %get3A_17 : vector<1x512x256xf32> to vector<512x256xf32>
    %get3A_19 = arith.constant 0 : index
    %get3A_20 = arith.constant 0 : index
    %get3A_21 = vector.load %arg7[%get3A_19, %get3A_20] : memref<128x8xf32, #tpu.memory_space<vmem>>, vector<128x8xf32>
    %slice3A = vector.extract_strided_slice %get3A_18 {offsets = [0, 0], sizes = [512, 128], strides = [1, 1]} : vector<512x256xf32> to vector<512x128xf32>
    %slice3A_22 = vector.extract_strided_slice %get3A_13 {offsets = [0, 0], sizes = [512, 128], strides = [1, 1]} : vector<512x1280xf32> to vector<512x128xf32>
    %slice3A_23 = vector.extract_strided_slice %get3A_13 {offsets = [0, 256], sizes = [512, 128], strides = [1, 1]} : vector<512x1280xf32> to vector<512x128xf32>
    %slice3A_24 = vector.extract_strided_slice %get3A_13 {offsets = [0, 512], sizes = [512, 128], strides = [1, 1]} : vector<512x1280xf32> to vector<512x128xf32>
    %slice3A_25 = vector.extract_strided_slice %get3A_13 {offsets = [0, 768], sizes = [512, 128], strides = [1, 1]} : vector<512x1280xf32> to vector<512x128xf32>
    %slice3A_26 = vector.extract_strided_slice %get3A_13 {offsets = [0, 1024], sizes = [512, 128], strides = [1, 1]} : vector<512x1280xf32> to vector<512x128xf32>
    %slice3A_27 = vector.extract_strided_slice %get3A_18 {offsets = [0, 128], sizes = [512, 128], strides = [1, 1]} : vector<512x256xf32> to vector<512x128xf32>
    %slice3A_28 = vector.extract_strided_slice %get3A_13 {offsets = [0, 128], sizes = [512, 128], strides = [1, 1]} : vector<512x1280xf32> to vector<512x128xf32>
    %slice3A_29 = vector.extract_strided_slice %get3A_13 {offsets = [0, 384], sizes = [512, 128], strides = [1, 1]} : vector<512x1280xf32> to vector<512x128xf32>
    %slice3A_30 = vector.extract_strided_slice %get3A_13 {offsets = [0, 640], sizes = [512, 128], strides = [1, 1]} : vector<512x1280xf32> to vector<512x128xf32>
    %slice3A_31 = vector.extract_strided_slice %get3A_13 {offsets = [0, 896], sizes = [512, 128], strides = [1, 1]} : vector<512x1280xf32> to vector<512x128xf32>
    %slice3A_32 = vector.extract_strided_slice %get3A_13 {offsets = [0, 1152], sizes = [512, 128], strides = [1, 1]} : vector<512x1280xf32> to vector<512x128xf32>
    %mul3A = arith.mulf %get3A_8, %slice3A : vector<512x128xf32>
    %dot_general3A = arith.constant dense<0.000000e+00> : vector<512x8xf32>
    %dot_general3A_33 = tpu.matmul %mul3A, %get3A_21, %dot_general3A {dimension_numbers = #tpu.dot_dimension_numbers<[1], [0], [0], [1], [0, 0, 1, 1], [], []>, transpose_lhs_hint = false} : vector<512x128xf32>, vector<128x8xf32>, vector<512x8xf32> -> vector<512x8xf32>
    %mul3A_34 = arith.mulf %get3A_8, %slice3A_22 : vector<512x128xf32>
    %dot_general3A_35 = arith.constant dense<0.000000e+00> : vector<512x8xf32>
    %dot_general3A_36 = tpu.matmul %mul3A_34, %get3A_21, %dot_general3A_35 {dimension_numbers = #tpu.dot_dimension_numbers<[1], [0], [0], [1], [0, 0, 1, 1], [], []>, transpose_lhs_hint = false} : vector<512x128xf32>, vector<128x8xf32>, vector<512x8xf32> -> vector<512x8xf32>
    %mul3A_37 = arith.mulf %get3A_8, %slice3A_23 : vector<512x128xf32>
    %dot_general3A_38 = arith.constant dense<0.000000e+00> : vector<512x8xf32>
    %dot_general3A_39 = tpu.matmul %mul3A_37, %get3A_21, %dot_general3A_38 {dimension_numbers = #tpu.dot_dimension_numbers<[1], [0], [0], [1], [0, 0, 1, 1], [], []>, transpose_lhs_hint = false} : vector<512x128xf32>, vector<128x8xf32>, vector<512x8xf32> -> vector<512x8xf32>
    %mul3A_40 = arith.mulf %get3A_8, %slice3A_24 : vector<512x128xf32>
    %dot_general3A_41 = arith.constant dense<0.000000e+00> : vector<512x8xf32>
    %dot_general3A_42 = tpu.matmul %mul3A_40, %get3A_21, %dot_general3A_41 {dimension_numbers = #tpu.dot_dimension_numbers<[1], [0], [0], [1], [0, 0, 1, 1], [], []>, transpose_lhs_hint = false} : vector<512x128xf32>, vector<128x8xf32>, vector<512x8xf32> -> vector<512x8xf32>
    %mul3A_43 = arith.mulf %get3A_8, %slice3A_25 : vector<512x128xf32>
    %dot_general3A_44 = arith.constant dense<0.000000e+00> : vector<512x8xf32>
    %dot_general3A_45 = tpu.matmul %mul3A_43, %get3A_21, %dot_general3A_44 {dimension_numbers = #tpu.dot_dimension_numbers<[1], [0], [0], [1], [0, 0, 1, 1], [], []>, transpose_lhs_hint = false} : vector<512x128xf32>, vector<128x8xf32>, vector<512x8xf32> -> vector<512x8xf32>
    %mul3A_46 = arith.mulf %get3A_8, %slice3A_26 : vector<512x128xf32>
    %dot_general3A_47 = arith.constant dense<0.000000e+00> : vector<512x8xf32>
    %dot_general3A_48 = tpu.matmul %mul3A_46, %get3A_21, %dot_general3A_47 {dimension_numbers = #tpu.dot_dimension_numbers<[1], [0], [0], [1], [0, 0, 1, 1], [], []>, transpose_lhs_hint = false} : vector<512x128xf32>, vector<128x8xf32>, vector<512x8xf32> -> vector<512x8xf32>
    %max3A = arith.maximumf %dot_general3A_33, %dot_general3A_36 : vector<512x8xf32>
    %max3A_49 = arith.maximumf %max3A, %dot_general3A_39 : vector<512x8xf32>
    %max3A_50 = arith.maximumf %max3A_49, %dot_general3A_42 : vector<512x8xf32>
    %max3A_51 = arith.maximumf %max3A_50, %dot_general3A_45 : vector<512x8xf32>
    %max3A_52 = arith.maximumf %max3A_51, %dot_general3A_48 : vector<512x8xf32>
    %sub3A = arith.subf %dot_general3A_33, %max3A_52 : vector<512x8xf32>
    %exp3A = math.exp %sub3A : vector<512x8xf32>
    %sub3A_53 = arith.subf %dot_general3A_36, %max3A_52 : vector<512x8xf32>
    %exp3A_54 = math.exp %sub3A_53 : vector<512x8xf32>
    %sub3A_55 = arith.subf %dot_general3A_39, %max3A_52 : vector<512x8xf32>
    %exp3A_56 = math.exp %sub3A_55 : vector<512x8xf32>
    %sub3A_57 = arith.subf %dot_general3A_42, %max3A_52 : vector<512x8xf32>
    %exp3A_58 = math.exp %sub3A_57 : vector<512x8xf32>
    %sub3A_59 = arith.subf %dot_general3A_45, %max3A_52 : vector<512x8xf32>
    %exp3A_60 = math.exp %sub3A_59 : vector<512x8xf32>
    %sub3A_61 = arith.subf %dot_general3A_48, %max3A_52 : vector<512x8xf32>
    %exp3A_62 = math.exp %sub3A_61 : vector<512x8xf32>
    %add3A = arith.addf %exp3A, %exp3A_54 : vector<512x8xf32>
    %add3A_63 = arith.addf %add3A, %exp3A_56 : vector<512x8xf32>
    %add3A_64 = arith.addf %add3A_63, %exp3A_58 : vector<512x8xf32>
    %add3A_65 = arith.addf %add3A_64, %exp3A_60 : vector<512x8xf32>
    %add3A_66 = arith.addf %add3A_65, %exp3A_62 : vector<512x8xf32>
    %div3A = arith.constant 1.000000e+00 : f32
    %div3A_67 = vector.broadcast %div3A : f32 to vector<512x8xf32>
    %div3A_68 = arith.divf %div3A_67, %add3A_66 : vector<512x8xf32>
    %slice3A_69 = vector.extract_strided_slice %get3A_18 {offsets = [0, 128], sizes = [512, 128], strides = [1, 1]} : vector<512x256xf32> to vector<512x128xf32>
    %neg3A = arith.constant 0.000000e+00 : f32
    %neg3A_70 = vector.broadcast %neg3A : f32 to vector<512x128xf32>
    %neg3A_71 = arith.subf %neg3A_70, %slice3A_69 : vector<512x128xf32>
    %mul3A_72 = arith.mulf %exp3A, %div3A_68 : vector<512x8xf32>
    %dot_general3A_73 = arith.constant dense<0.000000e+00> : vector<512x128xf32>
    %dot_general3A_74 = tpu.matmul %mul3A_72, %get3A_21, %dot_general3A_73 {dimension_numbers = #tpu.dot_dimension_numbers<[1], [1], [0], [0], [0, 0, 1, 0], [], []>, transpose_lhs_hint = false} : vector<512x8xf32>, vector<128x8xf32>, vector<512x128xf32> -> vector<512x128xf32>
    %mul3A_75 = arith.mulf %dot_general3A_74, %slice3A_27 : vector<512x128xf32>
    %add3A_76 = arith.addf %neg3A_71, %mul3A_75 : vector<512x128xf32>
    %mul3A_77 = arith.mulf %exp3A_54, %div3A_68 : vector<512x8xf32>
    %dot_general3A_78 = arith.constant dense<0.000000e+00> : vector<512x128xf32>
    %dot_general3A_79 = tpu.matmul %mul3A_77, %get3A_21, %dot_general3A_78 {dimension_numbers = #tpu.dot_dimension_numbers<[1], [1], [0], [0], [0, 0, 1, 0], [], []>, transpose_lhs_hint = false} : vector<512x8xf32>, vector<128x8xf32>, vector<512x128xf32> -> vector<512x128xf32>
    %mul3A_80 = arith.mulf %dot_general3A_79, %slice3A_28 : vector<512x128xf32>
    %add3A_81 = arith.addf %add3A_76, %mul3A_80 : vector<512x128xf32>
    %mul3A_82 = arith.mulf %exp3A_56, %div3A_68 : vector<512x8xf32>
    %dot_general3A_83 = arith.constant dense<0.000000e+00> : vector<512x128xf32>
    %dot_general3A_84 = tpu.matmul %mul3A_82, %get3A_21, %dot_general3A_83 {dimension_numbers = #tpu.dot_dimension_numbers<[1], [1], [0], [0], [0, 0, 1, 0], [], []>, transpose_lhs_hint = false} : vector<512x8xf32>, vector<128x8xf32>, vector<512x128xf32> -> vector<512x128xf32>
    %mul3A_85 = arith.mulf %dot_general3A_84, %slice3A_29 : vector<512x128xf32>
    %add3A_86 = arith.addf %add3A_81, %mul3A_85 : vector<512x128xf32>
    %mul3A_87 = arith.mulf %exp3A_58, %div3A_68 : vector<512x8xf32>
    %dot_general3A_88 = arith.constant dense<0.000000e+00> : vector<512x128xf32>
    %dot_general3A_89 = tpu.matmul %mul3A_87, %get3A_21, %dot_general3A_88 {dimension_numbers = #tpu.dot_dimension_numbers<[1], [1], [0], [0], [0, 0, 1, 0], [], []>, transpose_lhs_hint = false} : vector<512x8xf32>, vector<128x8xf32>, vector<512x128xf32> -> vector<512x128xf32>
    %mul3A_90 = arith.mulf %dot_general3A_89, %slice3A_30 : vector<512x128xf32>
    %add3A_91 = arith.addf %add3A_86, %mul3A_90 : vector<512x128xf32>
    %mul3A_92 = arith.mulf %exp3A_60, %div3A_68 : vector<512x8xf32>
    %dot_general3A_93 = arith.constant dense<0.000000e+00> : vector<512x128xf32>
    %dot_general3A_94 = tpu.matmul %mul3A_92, %get3A_21, %dot_general3A_93 {dimension_numbers = #tpu.dot_dimension_numbers<[1], [1], [0], [0], [0, 0, 1, 0], [], []>, transpose_lhs_hint = false} : vector<512x8xf32>, vector<128x8xf32>, vector<512x128xf32> -> vector<512x128xf32>
    %mul3A_95 = arith.mulf %dot_general3A_94, %slice3A_31 : vector<512x128xf32>
    %add3A_96 = arith.addf %add3A_91, %mul3A_95 : vector<512x128xf32>
    %mul3A_97 = arith.mulf %exp3A_62, %div3A_68 : vector<512x8xf32>
    %dot_general3A_98 = arith.constant dense<0.000000e+00> : vector<512x128xf32>
    %dot_general3A_99 = tpu.matmul %mul3A_97, %get3A_21, %dot_general3A_98 {dimension_numbers = #tpu.dot_dimension_numbers<[1], [1], [0], [0], [0, 0, 1, 0], [], []>, transpose_lhs_hint = false} : vector<512x8xf32>, vector<128x8xf32>, vector<512x128xf32> -> vector<512x128xf32>
    %mul3A_100 = arith.mulf %dot_general3A_99, %slice3A_32 : vector<512x128xf32>
    %add3A_101 = arith.addf %add3A_96, %mul3A_100 : vector<512x128xf32>
    %get3A_102 = arith.constant 0 : index
    %get3A_103 = arith.constant 0 : index
    %get3A_104 = vector.load %arg6[%get3A_102, %get3A_103] : memref<128x128xf32, #tpu.memory_space<vmem>>, vector<128x128xf32>
    %dot_general3A_105 = arith.constant dense<0.000000e+00> : vector<512x128xf32>
    %dot_general3A_106 = tpu.matmul %add3A_101, %get3A_104, %dot_general3A_105 {dimension_numbers = #tpu.dot_dimension_numbers<[1], [0], [0], [1], [0, 0, 1, 1], [], []>, transpose_lhs_hint = false} : vector<512x128xf32>, vector<128x128xf32>, vector<512x128xf32> -> vector<512x128xf32>
    %add3A_107 = arith.addf %get3A_3, %dot_general3A_106 : vector<512x128xf32>
    %swap3A = arith.constant 0 : index
    %swap3A_108 = arith.constant 0 : index
    %swap3A_109 = arith.constant 0 : index
    %swap3A_110 = vector.load %arg8[%swap3A, %swap3A_108, %swap3A_109] : memref<1x512x128xf32, #tpu.memory_space<vmem>>, vector<1x512x128xf32>
    %swap3A_111 = vector.shape_cast %swap3A_110 : vector<1x512x128xf32> to vector<512x128xf32>
    %swap3A_112 = vector.shape_cast %add3A_107 : vector<512x128xf32> to vector<1x512x128xf32>
    tpu.vector_store %arg8[%swap3A, %swap3A_108, %swap3A_109], %swap3A_112 {strides = array<i32>} : memref<1x512x128xf32, #tpu.memory_space<vmem>>, vector<1x512x128xf32>,
    return
  }
  func.func @transform_0(%arg0: i32, %arg1: i32) -> (i32, i32, i32) {
    %c0_i32 = arith.constant 0 : i32
    %c0_i32_0 = arith.constant 0 : i32
    return %arg0, %arg1, %c0_i32 : i32, i32, i32
  }
  func.func @transform_1(%arg0: i32, %arg1: i32) -> (i32, i32, i32) {
    %c0_i32 = arith.constant 0 : i32
    %c0_i32_0 = arith.constant 0 : i32
    return %arg0, %arg1, %c0_i32 : i32, i32, i32
  }
  func.func @transform_2(%arg0: i32, %arg1: i32) -> (i32, i32, i32) {
    %c0_i32 = arith.constant 0 : i32
    %c0_i32_0 = arith.constant 0 : i32
    return %arg0, %arg1, %c0_i32 : i32, i32, i32
  }
  func.func @transform_3(%arg0: i32, %arg1: i32) -> (i32, i32, i32) {
    %c0_i32 = arith.constant 0 : i32
    %c0_i32_0 = arith.constant 0 : i32
    return %arg0, %arg1, %c0_i32 : i32, i32, i32
  }
  func.func @transform_4(%arg0: i32, %arg1: i32) -> (i32, i32) {
    %c0_i32 = arith.constant 0 : i32
    %c0_i32_0 = arith.constant 0 : i32
    %c0_i32_1 = arith.constant 0 : i32
    return %c0_i32, %c0_i32_0 : i32, i32
  }
  func.func @transform_5(%arg0: i32, %arg1: i32) -> (i32, i32) {
    %c0_i32 = arith.constant 0 : i32
    %c0_i32_0 = arith.constant 0 : i32
    %c0_i32_1 = arith.constant 0 : i32
    return %c0_i32, %c0_i32_0 : i32, i32
  }
  func.func @transform_6(%arg0: i32, %arg1: i32) -> (i32, i32, i32) {
    %c0_i32 = arith.constant 0 : i32
    %c0_i32_0 = arith.constant 0 : i32
    return %arg0, %arg1, %c0_i32 : i32, i32, i32
  }
}

</mosaic_0001>

<sc_bundles>
// kernel: kernel.5.cloned.1.call-start
scs
__scs_entry_jumppad:
0x0: {  	(pc) =	sbr.rel $0x88, $3  }
0x1: {  	(tag) =	ssettag $0x0;
	lr =	simm.s32 $0x1  }
0x2: {  	[smem:$0x3F9E] =	sst lr;
	_ =	strace $0xD0000000  }
0x3: {  	_ = 	snop  }
0x4: {  	_ = 	snop  }
0x5: {  	_ = 	snop  }
0x6: {  	_ = 	snop  }
0x7: {  	_ = 	snop  }
__scs_overlays_trampoline_lowered:
0x8: {  	[smem:$0x3FAD] =	sst s0  }
0x9: {  	[smem:$0x3FAE] =	sst s1  }
0xa: {  	[smem:$0x3FAF] =	sst s2  }
0xb: {  	[smem:$0x3FB0] =	sst s3  }
0xc: {  	[smem:$0x3FB1] =	sst s4  }
0xd: {  	[smem:$0x3FB2] =	sst s5  }
0xe: {  	[smem:$0x3FB3] =	sst s6  }
0xf: {  	[smem:$0x3FB4] =	sst s7  }
0x10: {  	[smem:$0x3FB5] =	sst s8  }
0x11: {  	[smem:$0x3FB6] =	sst s9;
	s0 =	simm.s32 @!p0 $0x0  }
0x12: {  	s1 =	sld [smem:$0x3F9C];
	s0 =	simm.s32 @p0 $0x1  }
0x13: {  	[smem:$0x3FB7] =	sst s0;
	s0 =	simm.s32 @!p1 $0x0  }
0x14: {  	s2 =	sld [smem:$0x3F9B];
	s0 =	simm.s32 @p1 $0x1  }
0x15: {  	[smem:$0x3FB8] =	sst s0;
	s0 =	simm.s32 @!p2 $0x0  }
0x16: {  	s3 =	sld [smem:$0x3FDB];
	s0 =	simm.s32 @p2 $0x1  }
0x17: {  	s4 =	simm.s32 $0x1BF5;
	[smem:$0x3FBA] =	sst s0  }
0x18: {  	s0 =	sld [smem:$0x3F9D];
	_ =	swait.ge [sflag:s4], $0x0  }
0x19: {  	s7 =	sld [smem:$0x3F9E]  }
0x1a: {  	s8 =	sadd.s32 $0xFFFFE003, lr  }
0x1b: {  	s9 =	sadd.s32 $0xFFFFFEF7, lr;
	s5 =	simm.s32 $0xFFFFFFFF;
	p2 =	slt.u32 s8, $0xFFFFF086  }
0x1c: {  	p1 =	slt.u32 s9, $0xF7A;
	s5 =	simm.s32 @!p2 $0x0  }
0x1d: {  	s5 =	simm.s32 @p1 $0x1;
	p0 =	seq.s32 s7, s2  }
0x1e: {  	s7 =	smul.u32 @!p0 $0xF7A, s2;
	p2 =	seq.s32 @!p0 s5, $0x0  }
0x1f: {  	s9 =	smul.u32 $0xF7A, s1;
	s8 =	simm.s32 @!p0 $0x1BF5;
	p2 =	por !p2, p0  }
0x20: {  	[sflag:s8] =	ssyncset.s32 @!p0 $0xFFFFF086;
	s6 =	sadd.s32 @!p0 s3, s7;
	s7 =	simm.s32 @!p0 $0x108  }
0x21: {  	s3 =	sadd.s32 s3, s9;
	s6 =	sadd.s32 @!p0 $0x88, s6;
	s7 =	simm.s32 @p2 $0x1082  }
0x22: {  	[simem:s7], [sflag:s8] =	dma.local @!p0 [hbm:s6], $0xF7A  }
0x23: {  	s9 =	sor.u32 $0xD0000000, s2;
	s6 =	simm.s32 $0x108;
	_ =	swait.ge @!p0 [sflag:s8], $0x0  }
0x24: {  	s3 =	sadd.s32 $0x88, s3;
	s6 =	simm.s32 @!p1 $0x1082;
	[sflag:s4] =	ssyncset.s32 $0xFFFFF086  }
0x25: {  	[simem:s6], [sflag:s4] =	dma.local [hbm:s3], $0xF7A  }
0x26: {  	[smem:$0x3F9E] =	sst s1;
	(tag) =	ssettag s2;
	_ =	strace s9  }
0x27: {  	s1 =	sld [smem:$0x3FAE]  }
0x28: {  	s2 =	sld [smem:$0x3FAF]  }
0x29: {  	s4 =	sld [smem:$0x3FB1]  }
0x2a: {  	p0 =	seq.s32 s5, $0x0;
	s5 =	sld [smem:$0x3FB2]  }
0x2b: {  	s6 =	sld [smem:$0x3FB3]  }
0x2c: {  	s7 =	sld [smem:$0x3FB4]  }
0x2d: {  	s3 =	simm.s32 $0x108;
	s8 =	sld [smem:$0x3FB5]  }
0x2e: {  	s3 =	simm.s32 @!p0 $0x1082;
	s9 =	sld [smem:$0x3FB6]  }
0x2f: {  	lr =	sadd.s32 s0, s3;
	s0 =	sld [smem:$0x3FAD]  }
0x30: {  	s3 =	sld [smem:$0x3FB0]  }
0x31: {  	[smem:$0x3FB9] =	sst s10  }
0x32: {  	s10 =	sld [smem:$0x3FB7];
	_ =	sdelay $0x3  }
0x33: {  	p0 =	seq.s32 s10, $0x1;
	s10 =	sld [smem:$0x3FB9];
	_ =	sdelay $0x3  }
0x34: {  	[smem:$0x3FB9] =	sst s10  }
0x35: {  	s10 =	sld [smem:$0x3FB8];
	_ =	sdelay $0x3  }
0x36: {  	p1 =	seq.s32 s10, $0x1;
	s10 =	sld [smem:$0x3FB9];
	_ =	sdelay $0x3  }
0x37: {  	[smem:$0x3FB9] =	sst s10  }
0x38: {  	s10 =	sld [smem:$0x3FBA]  }
0x39: {  	_ = 	snop;
	(pc) =	sbr.ind lr, $3  }
0x3a: {  	_ = 	snop  }
0x3b: {  	_ = 	snop  }
0x3c: {  	p2 =	seq.s32 s10, $0x1;
	s10 =	sld [smem:$0x3FB9]  }
0x3d: {  	_ =	shalt  }
0x3e: {  	_ =	shalt  }
0x3f: {  	_ =	shalt  }
0x40: {  	_ =	shalt  }
0x41: {  	_ =	shalt  }
0x42: {  	_ =	shalt  }
0x43: {  	_ =	shalt  }
0x44: {  	_ =	shalt  }
0x45: {  	_ =	shalt  }
0x46: {  	_ =	shalt  }
0x47: {  	_ =	shalt  }
0x48: {  	_ =	shalt  }
0x49: {  	_ =	shalt  }
0x4a: {  	_ =	shalt  }
0x4b: {  	_ =	shalt  }
0x4c: {  	_ =	shalt  }
0x4d: {  	_ =	shalt  }
0x4e: {  	_ =	shalt  }
0x4f: {  	_ =	shalt  }
0x50: {  	_ =	shalt  }
0x51: {  	_ =	shalt  }
0x52: {  	_ =	shalt  }
0x53: {  	_ =	shalt  }
0x54: {  	_ =	shalt  }
0x55: {  	_ =	shalt  }
0x56: {  	_ =	shalt  }
0x57: {  	_ =	shalt  }
0x58: {  	_ =	shalt  }
0x59: {  	_ =	shalt  }
0x5a: {  	_ =	shalt  }
0x5b: {  	_ =	shalt  }
0x5c: {  	_ =	shalt  }
0x5d: {  	_ =	shalt  }
0x5e: {  	_ =	shalt  }
0x5f: {  	_ =	shalt  }
0x60: {  	_ =	shalt  }
0x61: {  	_ =	shalt  }
0x62: {  	_ =	shalt  }
0x63: {  	_ =	shalt  }
0x64: {  	_ =	shalt  }
0x65: {  	_ =	shalt  }
0x66: {  	_ =	shalt  }
0x67: {  	_ =	shalt  }
0x68: {  	_ =	shalt  }
0x69: {  	_ =	shalt  }
0x6a: {  	_ =	shalt  }
0x6b: {  	_ =	shalt  }
0x6c: {  	_ =	shalt  }
0x6d: {  	_ =	shalt  }
0x6e: {  	_ =	shalt  }
0x6f: {  	_ =	shalt  }
0x70: {  	_ =	shalt  }
0x71: {  	_ =	shalt  }
0x72: {  	_ =	shalt  }
0x73: {  	_ =	shalt  }
0x74: {  	_ =	shalt  }
0x75: {  	_ =	shalt  }
0x76: {  	_ =	shalt  }
0x77: {  	_ =	shalt  }
0x78: {  	_ =	shalt  }
0x79: {  	_ =	shalt  }
0x7a: {  	_ =	shalt  }
0x7b: {  	_ =	shalt  }
0x7c: {  	_ =	shalt  }
0x7d: {  	_ =	shalt  }
0x7e: {  	_ =	shalt  }
0x7f: {  	_ =	shalt  }
0x80: {  	_ =	shalt  }
0x81: {  	_ =	shalt  }
0x82: {  	_ =	shalt  }
0x83: {  	_ =	shalt  }
0x84: {  	_ =	shalt  }
0x85: {  	_ =	shalt  }
0x86: {  	_ =	shalt  }
0x87: {  	_ =	shalt  }
.Lfunc_end0:
.L_simem_size_0:
called_computation_lowered:
.L_overlay_start_0:
0x88: {  	s2 =	sld [smem:$0x3FD9]  }
0x89: {  	s3 =	sld [smem:$0x3FFE];
	_ =	sdelay $0x1  }
0x8a: {  	s1 =	srdreg.scid  }
0x8b: {  	s0 =	sand.u32 $0x1, s1  }
0x8c: {  	s17 =	sshll.u32 s0, $0xA;
	s2 =	sadd.s32 s3, s2  }
0x8d: {  	s2 =	sadd.s32 s2, s17  }
0x8e: {  	[smem:$0x3FC5] =	sst s2  }
0x8f: {  	_ = 	snop  }
0x90: {  	s2 =	sld [smem:$0x3FD0];
	(tm) =	ssettm $0x1  }
0x91: {  	s18 =	sld [smem:$0x3FFB];
	_ =	sdelay $0x3  }
0x92: {  	_ =	strace s18  }
0x93: {  	s3 =	sld [smem:$0x3FFC];
	_ =	sdelay $0x3  }
0x94: {  	_ =	strace s3  }
0x95: {  	s3 =	sld [smem:$0x3FFD];
	_ =	sdelay $0x3  }
0x96: {  	_ =	strace s3  }
0x97: {  	_ =	strace $0x8FFFFFFF  }
0x98: {  	s19 =	sld [smem:$0x3FDB];
	_ =	sdelay $0x1  }
0x99: {  	s4 =	simm.s32 $_scs_section_size  }
0x9a: {  	s5 =	simm.s32 $_size__tile_overlayer_lowered;
	s6 =	simm.s32 $_tile_overlayer_lowered  }
0x9b: {  	s22 =	simm.s32 $0x1BFF;
	s21 =	sshll.u32 s6, $0x1;
	s3 =	sadd.s32 s4, s19  }
0x9c: {  	s7 =	simm.s32 $0x0;
	s20 =	sshll.u32 s5, $0x1;
	s5 =	sadd.s32 s21, s3  }
0x9d: {  	[timem:s7], [sflag:s22] =	dma.local [hbm:s5], s20  }
0x9e: {  	_ =	swait.ge [sflag:s22], s20  }
0x9f: {  	s4 =	ssub.s32 $0x0, s20;
	[sflag:s22] =	ssyncset.done $0x0  }
0xa0: {  	[sflag:s22] =	ssyncadd.s32 s4;
	_ =	sdelay $0x1  }
0xa1: {  	s23 =	simm.s32 $0x1B8B  }
0xa2: {  	_ =	swait.ge [sflag:s23], $0x1  }
0xa3: {  	[sflag:s23] =	ssyncset.done $0x0  }
0xa4: {  	s25 =	simm.s32 $0x1B8E;
	s24 =	sld [smem:$0x3FFE];
	[sflag:s23] =	ssyncadd.s32 $0xFFFFFFFF  }
0xa5: {  	s26 =	simm.s32 $execute0_lowered;
	[smem:$0x3FD2] =	sst s25  }
0xa6: {  	s5 =	sshll.u32 s26, $0x1;
	_ =	strace $0x80000046;
	[dreg:$0x1] =	wrdreg $0xFFFFFFFF  }
0xa7: {  	s28 =	simm.s32 $_size_execute0_lowered;
	s3 =	sadd.s32 s3, s5;
	[dreg:$0x0] =	wrdreg $0x0  }
0xa8: {  	s5 =	sshll.u32 s28, $0x1;
	[dreg:$0x2] =	wrdreg s3  }
0xa9: {  	[dreg:$0x3] =	wrdreg s5  }
0xaa: {  	[dreg:$0x4] =	wrdreg $0xC0  }
0xab: {  	_ =	task [dreg:s7], $0x5FFFF  }
0xac: {  	[dreg:$0x1] =	wrdreg $0xFFFFFFFF  }
0xad: {  	[dreg:$0x0] =	wrdreg $0x60  }
0xae: {  	[dreg:$0x2] =	wrdreg s24  }
0xaf: {  	[dreg:$0x3] =	wrdreg s2  }
0xb0: {  	[dreg:$0x4] =	wrdreg $0x9  }
0xb1: {  	_ =	task.clear_ibuf [dreg:s7], $0x5FFFF;
	_ =	strace $0x90000046  }
0xb2: {  	s29 =	simm.s32 $0x9;
	_ =	strace $0x80000048  }
0xb3: {  	_ =	swait.ge [sflag:s29], $0x1  }
0xb4: {  	[sflag:s29] =	ssyncadd.s32 $0xFFFFFFFF  }
0xb5: {  	_ =	strace $0x90000048  }
0xb6: {  	_ =	sfence  }
0xb7: {  	s30 =	sld [smem:$0x0];
	_ =	sdelay $0x2  }
0xb8: {  	s31 =	sshll.u32 s1, $0xD;
	s1 =	sshrl.u32 s1, $0x2  }
0xb9: {  	s3 =	sand.u32 $0x4000, s31;
	s1 =	sadd.s32 s1, s30  }
0xba: {  	s0 =	sor.u32 s3, s0;
	s1 =	sshll.u32 s1, $0x11  }
0xbb: {  	s0 =	sor.u32 s1, s0  }
0xbc: {  	s0 =	sadd.s32 $0x8F2B, s0  }
0xbd: {  	[sflag:s0] =	ssyncadd.remote.s32 $0x1  }
0xbe: {  	_ =	sfence.sel $0xFFFF  }
0xbf: {  	[dreg:$0x0] =	wrdreg $0xFFFFFFFF;
	(pc) =	sbr.abs _section_cstart, $3  }
0xc0: {  	[dreg:$0x1] =	wrdreg $0xFFFFFFFF  }
0xc1: {  	_ =	task.clear_ibuf [dreg:s7], $0x2FFFF;
	_ =	strace $0x9FFFFFFF  }
0xc2: {  	(tm) =	ssettm $0x7FFFFFFF  }
0xc3: {  	_ =	shalt  }
tec
execute0_lowered:
.L_overlay_start_1:
0x0: {  	(tag) =	ssettag $0x1  }
0x1: {  	s0 =	srdreg.scid;
	s2 =	stileid.u32  }
0x2: {  	s1 =	rddreg [dreg:$0x0];
	s0 =	sand.u32 $0x1, s0;
	s2 =	sshll.u32 s2, $0x1  }
0x3: {  	s3 =	rddreg [dreg:$0x1];
	s4 =	sor.u32 s0, s2  }
0x4: {  	s28 =	simm.s32 $0x3;
	s2 =	simm.s32 $0x0;
	s5 =	smul.u32 $0xA000, s4  }
0x5: {  	[smem:$0x7FF] =	sst s2;
	s6 =	smul.u32 $0x50000, s4;
	s4 =	sshll.u32 s4, $0x8  }
0x6: {  	s7 =	sadd.s32 $0x41200, s1;
	_ =	strace $0x80000047;
	s3 =	sadd.s32 s3, s4  }
0x7: {  	s5 =	sadd.s32 s7, s5;
	s16 =	sshrl.u32 s6, $0x3;
	[dreg:$0x3] =	wrdreg s3  }
0x8: {  	[dreg:$0xd] =	wrdreg s5;
	s17 =	sadd.s32 $0x1000, s5;
	s18 =	sadd.s32 s7, s16  }
0x9: {  	s30 =	simm.s32 $0x6;
	[dreg:$0x4] =	wrdreg s17;
	s19 =	sadd.s32 $0x2000, s18  }
0xa: {  	s29 =	simm.s32 $0x8800;
	s20 =	sadd.s32 $0x3000, s18;
	[dreg:$0x5] =	wrdreg s19  }
0xb: {  	s0 =	ssub.s32 $0x2, s0;
	s21 =	sadd.s32 $0x4000, s18;
	[dreg:$0x6] =	wrdreg s20  }
0xc: {  	s25 =	sshrl.u32 s0, $0x1;
	s22 =	sadd.s32 $0x5000, s18;
	[dreg:$0x7] =	wrdreg s21  }
0xd: {  	s4 =	sadd.s32 $0x1200, s1;
	s23 =	sadd.s32 $0x6000, s18;
	[dreg:$0x8] =	wrdreg s22  }
0xe: {  	s0 =	ssub.s32 s0, s25;
	s24 =	sadd.s32 $0x7000, s18;
	[dreg:$0x9] =	wrdreg s23  }
0xf: {  	s25 =	simm.s32 $0x2;
	s26 =	sadd.s32 $0x8000, s18;
	[dreg:$0xa] =	wrdreg s24  }
0x10: {  	v2 =	vlaneseq.u32;
	s6 =	simm.s32 $0x1;
	s31 =	sadd.s32 $0x9000, s18;
	[dreg:$0xb] =	wrdreg s26  }
0x11: {  	vm0 =	vmmov $0xffff;
	v1 =	vshrl.u32 v2, $0x3;
	s5 =	smax.u32 s0, $0x1;
	s17 =	simm.s32 $0x800;
	[dreg:$0xc] =	wrdreg s31  }
0x12: {  	v0 =	vand.u32 $0x7, v2;
	v2 =	vor.u32 $0x8, v2;
	v1 =	vmul.u32 $0x8, v1;
	s24 =	simm.s32 $0x4;
	s26 =	simm.s32 $0x5;
	s19 =	simm.s32 $0x10000  }
.LBB2_1:
0x13: {  	s31 =	rddreg [dreg:$0x3];
	s23 =	simm.s32 $0x7  }
0x14: {  	[tilespmem:s2], [sflag:$0x7] =	stream.linear.gather [hbm4b:s31+s2], $0x500, $0x38;
	[tilespmem:$0x18800] =	vst v63  }
0x15: {  	_ =	swait.ge [sflag:s23], $0x500  }
0x16: {  	[sflag:s23] =	ssyncset.done $0x0  }
0x17: {  	[sflag:s23] =	ssyncadd.s32 $0xFFFFFB00  }
0x18: {  	v3 =	vld [tilespmem:$0x0];
	_ =	sdelay $0x4  }
0x19: {  	v4 =	vshll.u32 v3, $0x1  }
0x1a: {  	v3 =	vand.u32 $0x7, v3;
	v4 =	vand.u32 $0xFFFFFFF0, v4  }
0x1b: {  	v3 =	vor.u32 v3, v4  }
0x1c: {  	v4 =	vperm.xlane v3, v0;
	_ =	sdelay $0x1  }
0x1d: {  	v3 =	vperm.xlane v3, v2;
	v4 =	vadd.s32 v1, v4;
	_ =	sdelay $0x1  }
0x1e: {  	v3 =	vadd.s32 v1, v3;
	_ =	sdelay $0x2  }
0x1f: {  	[tilespmem:s17], [sflag:$0x1] =	stream.indirect_vreg.gather [hbm4b:s4+s2], $0x80, v4, vm0, $0xb8;
	[tilespmem:$0x18800] =	vst v63  }
0x20: {  	s0 =	simm.s32 $0x1000  }
0x21: {  	[tilespmem:s0], [sflag:$0x1] =	stream.indirect_vreg.gather [hbm4b:s4+s2], $0x80, v3, vm0, $0xb8;
	[tilespmem:$0x18800] =	vst v63  }
0x22: {  	v3 =	vld [tilespmem:$0x10];
	_ =	sdelay $0x4  }
0x23: {  	v41 =	vshll.u32 v3, $0x1  }
0x24: {  	v3 =	vand.u32 $0x7, v3;
	v4 =	vand.u32 $0xFFFFFFF0, v41  }
0x25: {  	v3 =	vor.u32 v3, v4  }
0x26: {  	v4 =	vperm.xlane v3, v0;
	_ =	sdelay $0x1  }
0x27: {  	v3 =	vperm.xlane v3, v2;
	v4 =	vadd.s32 v1, v4;
	_ =	sdelay $0x1  }
0x28: {  	v3 =	vadd.s32 v1, v3;
	_ =	sdelay $0x1  }
0x29: {  	s31 =	simm.s32 $0x1800  }
0x2a: {  	[tilespmem:s31], [sflag:$0x1] =	stream.indirect_vreg.gather [hbm4b:s4+s2], $0x80, v4, vm0, $0xb8;
	[tilespmem:$0x18800] =	vst v63  }
0x2b: {  	s3 =	simm.s32 $0x2000  }
0x2c: {  	[tilespmem:s3], [sflag:$0x1] =	stream.indirect_vreg.gather [hbm4b:s4+s2], $0x80, v3, vm0, $0xb8;
	[tilespmem:$0x18800] =	vst v63  }
0x2d: {  	v3 =	vld [tilespmem:$0x20];
	_ =	sdelay $0x4  }
0x2e: {  	v42 =	vshll.u32 v3, $0x1  }
0x2f: {  	v3 =	vand.u32 $0x7, v3;
	v4 =	vand.u32 $0xFFFFFFF0, v42  }
0x30: {  	v3 =	vor.u32 v3, v4  }
0x31: {  	v4 =	vperm.xlane v3, v0;
	_ =	sdelay $0x1  }
0x32: {  	v3 =	vperm.xlane v3, v2;
	v4 =	vadd.s32 v1, v4;
	_ =	sdelay $0x1  }
0x33: {  	v3 =	vadd.s32 v1, v3;
	_ =	sdelay $0x1  }
0x34: {  	s7 =	simm.s32 $0x2800  }
0x35: {  	[tilespmem:s7], [sflag:$0x1] =	stream.indirect_vreg.gather [hbm4b:s4+s2], $0x80, v4, vm0, $0xb8;
	[tilespmem:$0x18800] =	vst v63  }
0x36: {  	s8 =	simm.s32 $0x3000  }
0x37: {  	[tilespmem:s8], [sflag:$0x1] =	stream.indirect_vreg.gather [hbm4b:s4+s2], $0x80, v3, vm0, $0xb8;
	[tilespmem:$0x18800] =	vst v63  }
0x38: {  	v3 =	vld [tilespmem:$0x30];
	_ =	sdelay $0x4  }
0x39: {  	v43 =	vshll.u32 v3, $0x1  }
0x3a: {  	v3 =	vand.u32 $0x7, v3;
	v4 =	vand.u32 $0xFFFFFFF0, v43  }
0x3b: {  	v3 =	vor.u32 v3, v4  }
0x3c: {  	v4 =	vperm.xlane v3, v0;
	_ =	sdelay $0x1  }
0x3d: {  	v3 =	vperm.xlane v3, v2;
	v4 =	vadd.s32 v1, v4;
	_ =	sdelay $0x1  }
0x3e: {  	v3 =	vadd.s32 v1, v3;
	_ =	sdelay $0x1  }
0x3f: {  	s9 =	simm.s32 $0x3800  }
0x40: {  	[tilespmem:s9], [sflag:$0x1] =	stream.indirect_vreg.gather [hbm4b:s4+s2], $0x80, v4, vm0, $0xb8;
	[tilespmem:$0x18800] =	vst v63  }
0x41: {  	s10 =	simm.s32 $0x4000  }
0x42: {  	[tilespmem:s10], [sflag:$0x1] =	stream.indirect_vreg.gather [hbm4b:s4+s2], $0x80, v3, vm0, $0xb8;
	[tilespmem:$0x18800] =	vst v63  }
0x43: {  	v3 =	vld [tilespmem:$0x40];
	_ =	sdelay $0x4  }
0x44: {  	v44 =	vshll.u32 v3, $0x1  }
0x45: {  	v3 =	vand.u32 $0x7, v3;
	v4 =	vand.u32 $0xFFFFFFF0, v44  }
0x46: {  	v3 =	vor.u32 v3, v4  }
0x47: {  	v4 =	vperm.xlane v3, v0;
	_ =	sdelay $0x1  }
0x48: {  	v3 =	vperm.xlane v3, v2;
	v4 =	vadd.s32 v1, v4;
	_ =	sdelay $0x1  }
0x49: {  	v3 =	vadd.s32 v1, v3;
	_ =	sdelay $0x1  }
0x4a: {  	s11 =	simm.s32 $0x4800  }
0x4b: {  	[tilespmem:s11], [sflag:$0x1] =	stream.indirect_vreg.gather [hbm4b:s4+s2], $0x80, v4, vm0, $0xb8;
	[tilespmem:$0x18800] =	vst v63  }
0x4c: {  	s12 =	simm.s32 $0x5000  }
0x4d: {  	[tilespmem:s12], [sflag:$0x1] =	stream.indirect_vreg.gather [hbm4b:s4+s2], $0x80, v3, vm0, $0xb8;
	[tilespmem:$0x18800] =	vst v63  }
0x4e: {  	v3 =	vld [tilespmem:$0x50];
	_ =	sdelay $0x4  }
0x4f: {  	v45 =	vshll.u32 v3, $0x1  }
0x50: {  	v3 =	vand.u32 $0x7, v3;
	v4 =	vand.u32 $0xFFFFFFF0, v45  }
0x51: {  	v3 =	vor.u32 v3, v4  }
0x52: {  	v4 =	vperm.xlane v3, v0;
	_ =	sdelay $0x1  }
0x53: {  	v3 =	vperm.xlane v3, v2;
	v4 =	vadd.s32 v1, v4;
	_ =	sdelay $0x1  }
0x54: {  	v3 =	vadd.s32 v1, v3;
	_ =	sdelay $0x1  }
0x55: {  	s13 =	simm.s32 $0x5800  }
0x56: {  	[tilespmem:s13], [sflag:$0x1] =	stream.indirect_vreg.gather [hbm4b:s4+s2], $0x80, v4, vm0, $0xb8;
	[tilespmem:$0x18800] =	vst v63  }
0x57: {  	s14 =	simm.s32 $0x6000  }
0x58: {  	[tilespmem:s14], [sflag:$0x1] =	stream.indirect_vreg.gather [hbm4b:s4+s2], $0x80, v3, vm0, $0xb8;
	[tilespmem:$0x18800] =	vst v63  }
0x59: {  	v3 =	vld [tilespmem:$0x60];
	_ =	sdelay $0x4  }
0x5a: {  	v46 =	vshll.u32 v3, $0x1  }
0x5b: {  	v3 =	vand.u32 $0x7, v3;
	v4 =	vand.u32 $0xFFFFFFF0, v46  }
0x5c: {  	v3 =	vor.u32 v3, v4  }
0x5d: {  	v4 =	vperm.xlane v3, v0;
	_ =	sdelay $0x1  }
0x5e: {  	v3 =	vperm.xlane v3, v2;
	v4 =	vadd.s32 v1, v4;
	_ =	sdelay $0x1  }
0x5f: {  	v3 =	vadd.s32 v1, v3;
	_ =	sdelay $0x1  }
0x60: {  	s15 =	simm.s32 $0x6800  }
0x61: {  	[tilespmem:s15], [sflag:$0x1] =	stream.indirect_vreg.gather [hbm4b:s4+s2], $0x80, v4, vm0, $0xb8;
	[tilespmem:$0x18800] =	vst v63  }
0x62: {  	s16 =	simm.s32 $0x7000  }
0x63: {  	[tilespmem:s16], [sflag:$0x1] =	stream.indirect_vreg.gather [hbm4b:s4+s2], $0x80, v3, vm0, $0xb8;
	[tilespmem:$0x18800] =	vst v63  }
0x64: {  	v3 =	vld [tilespmem:$0x70];
	_ =	sdelay $0x4  }
0x65: {  	v47 =	vshll.u32 v3, $0x1  }
0x66: {  	v3 =	vand.u32 $0x7, v3;
	v4 =	vand.u32 $0xFFFFFFF0, v47  }
0x67: {  	v3 =	vor.u32 v3, v4  }
0x68: {  	v4 =	vperm.xlane v3, v0;
	_ =	sdelay $0x1  }
0x69: {  	v3 =	vperm.xlane v3, v2;
	v4 =	vadd.s32 v1, v4;
	_ =	sdelay $0x1  }
0x6a: {  	v3 =	vadd.s32 v1, v3;
	_ =	sdelay $0x1  }
0x6b: {  	s18 =	simm.s32 $0x7800  }
0x6c: {  	[tilespmem:s18], [sflag:$0x1] =	stream.indirect_vreg.gather [hbm4b:s4+s2], $0x80, v4, vm0, $0xb8;
	[tilespmem:$0x18800] =	vst v63  }
0x6d: {  	s20 =	simm.s32 $0x8000  }
0x6e: {  	[tilespmem:s20], [sflag:$0x1] =	stream.indirect_vreg.gather [hbm4b:s4+s2], $0x80, v3, vm0, $0xb8;
	[tilespmem:$0x18800] =	vst v63  }
0x6f: {  	v3 =	vld [tilespmem:$0x80];
	_ =	sdelay $0x4  }
0x70: {  	v48 =	vshll.u32 v3, $0x1  }
0x71: {  	v3 =	vand.u32 $0x7, v3;
	v4 =	vand.u32 $0xFFFFFFF0, v48  }
0x72: {  	v3 =	vor.u32 v3, v4  }
0x73: {  	v4 =	vperm.xlane v3, v0;
	_ =	sdelay $0x1  }
0x74: {  	v3 =	vperm.xlane v3, v2;
	v4 =	vadd.s32 v1, v4;
	_ =	sdelay $0x1  }
0x75: {  	v3 =	vadd.s32 v1, v3;
	_ =	sdelay $0x2  }
0x76: {  	[tilespmem:s29], [sflag:$0x2] =	stream.indirect_vreg.gather [hbm4b:s4+s2], $0x80, v4, vm0, $0xb8;
	[tilespmem:$0x18800] =	vst v63  }
0x77: {  	s21 =	simm.s32 $0x9000  }
0x78: {  	[tilespmem:s21], [sflag:$0x2] =	stream.indirect_vreg.gather [hbm4b:s4+s2], $0x80, v3, vm0, $0xb8;
	[tilespmem:$0x18800] =	vst v63  }
0x79: {  	v3 =	vld [tilespmem:$0x90];
	_ =	sdelay $0x4  }
0x7a: {  	v49 =	vshll.u32 v3, $0x1  }
0x7b: {  	v3 =	vand.u32 $0x7, v3;
	v4 =	vand.u32 $0xFFFFFFF0, v49  }
0x7c: {  	v3 =	vor.u32 v3, v4  }
0x7d: {  	v4 =	vperm.xlane v3, v0;
	_ =	sdelay $0x1  }
0x7e: {  	v3 =	vperm.xlane v3, v2;
	v4 =	vadd.s32 v1, v4;
	_ =	sdelay $0x1  }
0x7f: {  	v3 =	vadd.s32 v1, v3;
	_ =	sdelay $0x1  }
0x80: {  	s20 =	simm.s32 $0x9800  }
0x81: {  	[tilespmem:s20], [sflag:$0x2] =	stream.indirect_vreg.gather [hbm4b:s4+s2], $0x80, v4, vm0, $0xb8;
	[tilespmem:$0x18800] =	vst v63  }
0x82: {  	s22 =	simm.s32 $0xA000  }
0x83: {  	[tilespmem:s22], [sflag:$0x2] =	stream.indirect_vreg.gather [hbm4b:s4+s2], $0x80, v3, vm0, $0xb8;
	[tilespmem:$0x18800] =	vst v63  }
0x84: {  	v3 =	vld [tilespmem:$0xA0];
	_ =	sdelay $0x4  }
0x85: {  	v50 =	vshll.u32 v3, $0x1  }
0x86: {  	v3 =	vand.u32 $0x7, v3;
	v4 =	vand.u32 $0xFFFFFFF0, v50  }
0x87: {  	v3 =	vor.u32 v3, v4  }
0x88: {  	v4 =	vperm.xlane v3, v0;
	_ =	sdelay $0x1  }
0x89: {  	v3 =	vperm.xlane v3, v2;
	v4 =	vadd.s32 v1, v4;
	_ =	sdelay $0x1  }
0x8a: {  	v3 =	vadd.s32 v1, v3;
	_ =	sdelay $0x1  }
0x8b: {  	s31 =	simm.s32 $0xA800  }
0x8c: {  	[tilespmem:s31], [sflag:$0x2] =	stream.indirect_vreg.gather [hbm4b:s4+s2], $0x80, v4, vm0, $0xb8;
	[tilespmem:$0x18800] =	vst v63  }
0x8d: {  	s7 =	simm.s32 $0xB000  }
0x8e: {  	[tilespmem:s7], [sflag:$0x2] =	stream.indirect_vreg.gather [hbm4b:s4+s2], $0x80, v3, vm0, $0xb8;
	[tilespmem:$0x18800] =	vst v63  }
0x8f: {  	v3 =	vld [tilespmem:$0xB0];
	_ =	sdelay $0x4  }
0x90: {  	v51 =	vshll.u32 v3, $0x1  }
0x91: {  	v3 =	vand.u32 $0x7, v3;
	v4 =	vand.u32 $0xFFFFFFF0, v51  }
0x92: {  	v3 =	vor.u32 v3, v4  }
0x93: {  	v4 =	vperm.xlane v3, v0;
	_ =	sdelay $0x1  }
0x94: {  	v3 =	vperm.xlane v3, v2;
	v4 =	vadd.s32 v1, v4;
	_ =	sdelay $0x1  }
0x95: {  	v3 =	vadd.s32 v1, v3;
	_ =	sdelay $0x1  }
0x96: {  	s9 =	simm.s32 $0xB800  }
0x97: {  	[tilespmem:s9], [sflag:$0x2] =	stream.indirect_vreg.gather [hbm4b:s4+s2], $0x80, v4, vm0, $0xb8;
	[tilespmem:$0x18800] =	vst v63  }
0x98: {  	s10 =	simm.s32 $0xC000  }
0x99: {  	[tilespmem:s10], [sflag:$0x2] =	stream.indirect_vreg.gather [hbm4b:s4+s2], $0x80, v3, vm0, $0xb8;
	[tilespmem:$0x18800] =	vst v63  }
0x9a: {  	v3 =	vld [tilespmem:$0xC0];
	_ =	sdelay $0x4  }
0x9b: {  	v52 =	vshll.u32 v3, $0x1  }
0x9c: {  	v3 =	vand.u32 $0x7, v3;
	v4 =	vand.u32 $0xFFFFFFF0, v52  }
0x9d: {  	v3 =	vor.u32 v3, v4  }
0x9e: {  	v4 =	vperm.xlane v3, v0;
	_ =	sdelay $0x1  }
0x9f: {  	v3 =	vperm.xlane v3, v2;
	v4 =	vadd.s32 v1, v4;
	_ =	sdelay $0x1  }
0xa0: {  	v3 =	vadd.s32 v1, v3;
	_ =	sdelay $0x1  }
0xa1: {  	s11 =	simm.s32 $0xC800  }
0xa2: {  	[tilespmem:s11], [sflag:$0x2] =	stream.indirect_vreg.gather [hbm4b:s4+s2], $0x80, v4, vm0, $0xb8;
	[tilespmem:$0x18800] =	vst v63  }
0xa3: {  	s18 =	simm.s32 $0xD000  }
0xa4: {  	[tilespmem:s18], [sflag:$0x2] =	stream.indirect_vreg.gather [hbm4b:s4+s2], $0x80, v3, vm0, $0xb8;
	[tilespmem:$0x18800] =	vst v63  }
0xa5: {  	v3 =	vld [tilespmem:$0xD0];
	_ =	sdelay $0x4  }
0xa6: {  	v53 =	vshll.u32 v3, $0x1  }
0xa7: {  	v3 =	vand.u32 $0x7, v3;
	v4 =	vand.u32 $0xFFFFFFF0, v53  }
0xa8: {  	v3 =	vor.u32 v3, v4  }
0xa9: {  	v4 =	vperm.xlane v3, v0;
	_ =	sdelay $0x1  }
0xaa: {  	v3 =	vperm.xlane v3, v2;
	v4 =	vadd.s32 v1, v4;
	_ =	sdelay $0x1  }
0xab: {  	v3 =	vadd.s32 v1, v3;
	_ =	sdelay $0x1  }
0xac: {  	s21 =	simm.s32 $0xD800  }
0xad: {  	[tilespmem:s21], [sflag:$0x2] =	stream.indirect_vreg.gather [hbm4b:s4+s2], $0x80, v4, vm0, $0xb8;
	[tilespmem:$0x18800] =	vst v63  }
0xae: {  	s22 =	simm.s32 $0xE000  }
0xaf: {  	[tilespmem:s22], [sflag:$0x2] =	stream.indirect_vreg.gather [hbm4b:s4+s2], $0x80, v3, vm0, $0xb8;
	[tilespmem:$0x18800] =	vst v63  }
0xb0: {  	v3 =	vld [tilespmem:$0xE0];
	_ =	sdelay $0x4  }
0xb1: {  	v54 =	vshll.u32 v3, $0x1  }
0xb2: {  	v3 =	vand.u32 $0x7, v3;
	v4 =	vand.u32 $0xFFFFFFF0, v54  }
0xb3: {  	v3 =	vor.u32 v3, v4  }
0xb4: {  	v4 =	vperm.xlane v3, v0;
	_ =	sdelay $0x1  }
0xb5: {  	v3 =	vperm.xlane v3, v2;
	v4 =	vadd.s32 v1, v4;
	_ =	sdelay $0x1  }
0xb6: {  	v3 =	vadd.s32 v1, v3;
	_ =	sdelay $0x1  }
0xb7: {  	s31 =	simm.s32 $0xE800  }
0xb8: {  	[tilespmem:s31], [sflag:$0x2] =	stream.indirect_vreg.gather [hbm4b:s4+s2], $0x80, v4, vm0, $0xb8;
	[tilespmem:$0x18800] =	vst v63  }
0xb9: {  	s7 =	simm.s32 $0xF000  }
0xba: {  	[tilespmem:s7], [sflag:$0x2] =	stream.indirect_vreg.gather [hbm4b:s4+s2], $0x80, v3, vm0, $0xb8;
	[tilespmem:$0x18800] =	vst v63  }
0xbb: {  	v3 =	vld [tilespmem:$0xF0];
	_ =	sdelay $0x4  }
0xbc: {  	v55 =	vshll.u32 v3, $0x1  }
0xbd: {  	v3 =	vand.u32 $0x7, v3;
	v4 =	vand.u32 $0xFFFFFFF0, v55  }
0xbe: {  	v3 =	vor.u32 v3, v4  }
0xbf: {  	v4 =	vperm.xlane v3, v0;
	_ =	sdelay $0x1  }
0xc0: {  	v3 =	vperm.xlane v3, v2;
	v4 =	vadd.s32 v1, v4;
	_ =	sdelay $0x1  }
0xc1: {  	v3 =	vadd.s32 v1, v3;
	_ =	sdelay $0x1  }
0xc2: {  	s18 =	simm.s32 $0xF800  }
0xc3: {  	[tilespmem:s18], [sflag:$0x2] =	stream.indirect_vreg.gather [hbm4b:s4+s2], $0x80, v4, vm0, $0xb8;
	[tilespmem:$0x18800] =	vst v63  }
0xc4: {  	_ = 	snop  }
0xc5: {  	[tilespmem:s19], [sflag:$0x2] =	stream.indirect_vreg.gather [hbm4b:s4+s2], $0x80, v3, vm0, $0xb8;
	[tilespmem:$0x18800] =	vst v63  }
0xc6: {  	v3 =	vld [tilespmem:$0x100];
	_ =	sdelay $0x4  }
0xc7: {  	v56 =	vshll.u32 v3, $0x1  }
0xc8: {  	v3 =	vand.u32 $0x7, v3;
	v4 =	vand.u32 $0xFFFFFFF0, v56  }
0xc9: {  	v3 =	vor.u32 v3, v4  }
0xca: {  	v4 =	vperm.xlane v3, v0;
	_ =	sdelay $0x1  }
0xcb: {  	v3 =	vperm.xlane v3, v2;
	v4 =	vadd.s32 v1, v4;
	_ =	sdelay $0x1  }
0xcc: {  	v3 =	vadd.s32 v1, v3;
	_ =	sdelay $0x1  }
0xcd: {  	s0 =	simm.s32 $0x10800  }
0xce: {  	[tilespmem:s0], [sflag:$0x3] =	stream.indirect_vreg.gather [hbm4b:s4+s2], $0x80, v4, vm0, $0xb8;
	[tilespmem:$0x18800] =	vst v63  }
0xcf: {  	s7 =	simm.s32 $0x11000  }
0xd0: {  	[tilespmem:s7], [sflag:$0x3] =	stream.indirect_vreg.gather [hbm4b:s4+s2], $0x80, v3, vm0, $0xb8;
	[tilespmem:$0x18800] =	vst v63  }
0xd1: {  	v3 =	vld [tilespmem:$0x110];
	_ =	sdelay $0x4  }
0xd2: {  	v57 =	vshll.u32 v3, $0x1  }
0xd3: {  	v3 =	vand.u32 $0x7, v3;
	v4 =	vand.u32 $0xFFFFFFF0, v57  }
0xd4: {  	v3 =	vor.u32 v3, v4  }
0xd5: {  	v4 =	vperm.xlane v3, v0;
	_ =	sdelay $0x1  }
0xd6: {  	v3 =	vperm.xlane v3, v2;
	v4 =	vadd.s32 v1, v4;
	_ =	sdelay $0x1  }
0xd7: {  	v3 =	vadd.s32 v1, v3;
	_ =	sdelay $0x1  }
0xd8: {  	s9 =	simm.s32 $0x11800  }
0xd9: {  	[tilespmem:s9], [sflag:$0x3] =	stream.indirect_vreg.gather [hbm4b:s4+s2], $0x80, v4, vm0, $0xb8;
	[tilespmem:$0x18800] =	vst v63  }
0xda: {  	s10 =	simm.s32 $0x12000  }
0xdb: {  	[tilespmem:s10], [sflag:$0x3] =	stream.indirect_vreg.gather [hbm4b:s4+s2], $0x80, v3, vm0, $0xb8;
	[tilespmem:$0x18800] =	vst v63  }
0xdc: {  	v3 =	vld [tilespmem:$0x120];
	_ =	sdelay $0x4  }
0xdd: {  	v58 =	vshll.u32 v3, $0x1  }
0xde: {  	v3 =	vand.u32 $0x7, v3;
	v4 =	vand.u32 $0xFFFFFFF0, v58  }
0xdf: {  	v3 =	vor.u32 v3, v4  }
0xe0: {  	v4 =	vperm.xlane v3, v0;
	_ =	sdelay $0x1  }
0xe1: {  	v3 =	vperm.xlane v3, v2;
	v4 =	vadd.s32 v1, v4;
	_ =	sdelay $0x1  }
0xe2: {  	v3 =	vadd.s32 v1, v3;
	_ =	sdelay $0x1  }
0xe3: {  	s11 =	simm.s32 $0x12800  }
0xe4: {  	[tilespmem:s11], [sflag:$0x3] =	stream.indirect_vreg.gather [hbm4b:s4+s2], $0x80, v4, vm0, $0xb8;
	[tilespmem:$0x18800] =	vst v63  }
0xe5: {  	s21 =	simm.s32 $0x13000  }
0xe6: {  	[tilespmem:s21], [sflag:$0x3] =	stream.indirect_vreg.gather [hbm4b:s4+s2], $0x80, v3, vm0, $0xb8;
	[tilespmem:$0x18800] =	vst v63  }
0xe7: {  	v3 =	vld [tilespmem:$0x130];
	_ =	sdelay $0x4  }
0xe8: {  	v59 =	vshll.u32 v3, $0x1  }
0xe9: {  	v3 =	vand.u32 $0x7, v3;
	v4 =	vand.u32 $0xFFFFFFF0, v59  }
0xea: {  	v3 =	vor.u32 v3, v4  }
0xeb: {  	v4 =	vperm.xlane v3, v0;
	_ =	sdelay $0x1  }
0xec: {  	v3 =	vperm.xlane v3, v2;
	v4 =	vadd.s32 v1, v4;
	_ =	sdelay $0x1  }
0xed: {  	v3 =	vadd.s32 v1, v3;
	_ =	sdelay $0x1  }
0xee: {  	s22 =	simm.s32 $0x13800  }
0xef: {  	[tilespmem:s22], [sflag:$0x3] =	stream.indirect_vreg.gather [hbm4b:s4+s2], $0x80, v4, vm0, $0xb8;
	[tilespmem:$0x18800] =	vst v63  }
0xf0: {  	s31 =	simm.s32 $0x14000  }
0xf1: {  	[tilespmem:s31], [sflag:$0x3] =	stream.indirect_vreg.gather [hbm4b:s4+s2], $0x80, v3, vm0, $0xb8;
	[tilespmem:$0x18800] =	vst v63  }
0xf2: {  	v3 =	vld [tilespmem:$0x140];
	_ =	sdelay $0x4  }
0xf3: {  	v60 =	vshll.u32 v3, $0x1  }
0xf4: {  	v3 =	vand.u32 $0x7, v3;
	v4 =	vand.u32 $0xFFFFFFF0, v60  }
0xf5: {  	v3 =	vor.u32 v3, v4  }
0xf6: {  	v4 =	vperm.xlane v3, v0;
	_ =	sdelay $0x1  }
0xf7: {  	v3 =	vperm.xlane v3, v2;
	v4 =	vadd.s32 v1, v4;
	_ =	sdelay $0x1  }
0xf8: {  	v3 =	vadd.s32 v1, v3;
	_ =	sdelay $0x1  }
0xf9: {  	s9 =	simm.s32 $0x14800  }
0xfa: {  	[tilespmem:s9], [sflag:$0x3] =	stream.indirect_vreg.gather [hbm4b:s4+s2], $0x80, v4, vm0, $0xb8;
	[tilespmem:$0x18800] =	vst v63  }
0xfb: {  	s10 =	simm.s32 $0x15000  }
0xfc: {  	[tilespmem:s10], [sflag:$0x3] =	stream.indirect_vreg.gather [hbm4b:s4+s2], $0x80, v3, vm0, $0xb8;
	[tilespmem:$0x18800] =	vst v63  }
0xfd: {  	v3 =	vld [tilespmem:$0x150];
	_ =	sdelay $0x4  }
0xfe: {  	v61 =	vshll.u32 v3, $0x1  }
0xff: {  	v3 =	vand.u32 $0x7, v3;
	v4 =	vand.u32 $0xFFFFFFF0, v61  }
0x100: {  	v3 =	vor.u32 v3, v4  }
0x101: {  	v4 =	vperm.xlane v3, v0;
	_ =	sdelay $0x1  }
0x102: {  	v3 =	vperm.xlane v3, v2;
	v4 =	vadd.s32 v1, v4;
	_ =	sdelay $0x1  }
0x103: {  	v3 =	vadd.s32 v1, v3;
	_ =	sdelay $0x1  }
0x104: {  	s11 =	simm.s32 $0x15800  }
0x105: {  	[tilespmem:s11], [sflag:$0x3] =	stream.indirect_vreg.gather [hbm4b:s4+s2], $0x80, v4, vm0, $0xb8;
	[tilespmem:$0x18800] =	vst v63  }
0x106: {  	s21 =	simm.s32 $0x16000  }
0x107: {  	[tilespmem:s21], [sflag:$0x3] =	stream.indirect_vreg.gather [hbm4b:s4+s2], $0x80, v3, vm0, $0xb8;
	[tilespmem:$0x18800] =	vst v63  }
0x108: {  	v3 =	vld [tilespmem:$0x160];
	_ =	sdelay $0x4  }
0x109: {  	v62 =	vshll.u32 v3, $0x1  }
0x10a: {  	v3 =	vand.u32 $0x7, v3;
	v4 =	vand.u32 $0xFFFFFFF0, v62  }
0x10b: {  	v3 =	vor.u32 v3, v4  }
0x10c: {  	v4 =	vperm.xlane v3, v0;
	_ =	sdelay $0x1  }
0x10d: {  	v3 =	vperm.xlane v3, v2;
	v4 =	vadd.s32 v1, v4;
	_ =	sdelay $0x1  }
0x10e: {  	v3 =	vadd.s32 v1, v3;
	_ =	sdelay $0x1  }
0x10f: {  	s22 =	simm.s32 $0x16800  }
0x110: {  	[tilespmem:s22], [sflag:$0x3] =	stream.indirect_vreg.gather [hbm4b:s4+s2], $0x80, v4, vm0, $0xb8;
	[tilespmem:$0x18800] =	vst v63  }
0x111: {  	s31 =	simm.s32 $0x17000  }
0x112: {  	[tilespmem:s31], [sflag:$0x3] =	stream.indirect_vreg.gather [hbm4b:s4+s2], $0x80, v3, vm0, $0xb8;
	[tilespmem:$0x18800] =	vst v63  }
0x113: {  	v3 =	vld [tilespmem:$0x170];
	_ =	sdelay $0x4  }
0x114: {  	v63 =	vshll.u32 v3, $0x1  }
0x115: {  	v3 =	vand.u32 $0x7, v3;
	v4 =	vand.u32 $0xFFFFFFF0, v63  }
0x116: {  	v3 =	vor.u32 v3, v4  }
0x117: {  	v4 =	vperm.xlane v3, v0;
	_ =	sdelay $0x1  }
0x118: {  	v3 =	vperm.xlane v3, v2;
	v4 =	vadd.s32 v1, v4;
	_ =	sdelay $0x1  }
0x119: {  	v3 =	vadd.s32 v1, v3;
	_ =	sdelay $0x1  }
0x11a: {  	s9 =	simm.s32 $0x17800  }
0x11b: {  	[tilespmem:s9], [sflag:$0x3] =	stream.indirect_vreg.gather [hbm4b:s4+s2], $0x80, v4, vm0, $0xb8;
	[tilespmem:$0x18800] =	vst v63  }
0x11c: {  	s10 =	simm.s32 $0x18000  }
0x11d: {  	[tilespmem:s10], [sflag:$0x3] =	stream.indirect_vreg.gather [hbm4b:s4+s2], $0x80, v3, vm0, $0xb8;
	[tilespmem:$0x18800] =	vst v63  }
0x11e: {  	_ =	swait.ge [sflag:s6], $0x8000  }
0x11f: {  	[sflag:s6] =	ssyncset.done $0x0  }
0x120: {  	s11 =	rddreg [dreg:$0xd];
	[sflag:s6] =	ssyncadd.s32 $0xFFFF8000  }
0x121: {  	[hbm4b:s11+s2] =	stream.linear.scatter [tilespmem:s17], [sflag:$0x4], $0x8000, $0x38;
	[tilespmem:$0x18800] =	vst v63  }
0x122: {  	_ =	swait.ge [sflag:s24], $0x8000  }
0x123: {  	[sflag:s24] =	ssyncset.done $0x0  }
0x124: {  	[sflag:s24] =	ssyncadd.s32 $0xFFFF8000  }
0x125: {  	v3 =	vld [tilespmem:$0x180];
	_ =	sdelay $0x4  }
0x126: {  	v8 =	vshll.u32 v3, $0x1  }
0x127: {  	v3 =	vand.u32 $0x7, v3;
	v4 =	vand.u32 $0xFFFFFFF0, v8  }
0x128: {  	v3 =	vor.u32 v3, v4  }
0x129: {  	v4 =	vperm.xlane v3, v0;
	_ =	sdelay $0x1  }
0x12a: {  	v3 =	vperm.xlane v3, v2;
	v4 =	vadd.s32 v1, v4;
	_ =	sdelay $0x1  }
0x12b: {  	v3 =	vadd.s32 v1, v3;
	_ =	sdelay $0x2  }
0x12c: {  	[tilespmem:s17], [sflag:$0x1] =	stream.indirect_vreg.gather [hbm4b:s4+s2], $0x80, v4, vm0, $0xb8;
	[tilespmem:$0x18800] =	vst v63  }
0x12d: {  	s1 =	simm.s32 $0x1000  }
0x12e: {  	[tilespmem:s1], [sflag:$0x1] =	stream.indirect_vreg.gather [hbm4b:s4+s2], $0x80, v3, vm0, $0xb8;
	[tilespmem:$0x18800] =	vst v63  }
0x12f: {  	v3 =	vld [tilespmem:$0x190];
	_ =	sdelay $0x4  }
0x130: {  	v9 =	vshll.u32 v3, $0x1  }
0x131: {  	v3 =	vand.u32 $0x7, v3;
	v4 =	vand.u32 $0xFFFFFFF0, v9  }
0x132: {  	v3 =	vor.u32 v3, v4  }
0x133: {  	v4 =	vperm.xlane v3, v0;
	_ =	sdelay $0x1  }
0x134: {  	v3 =	vperm.xlane v3, v2;
	v4 =	vadd.s32 v1, v4;
	_ =	sdelay $0x1  }
0x135: {  	v3 =	vadd.s32 v1, v3;
	_ =	sdelay $0x1  }
0x136: {  	s7 =	simm.s32 $0x1800  }
0x137: {  	[tilespmem:s7], [sflag:$0x1] =	stream.indirect_vreg.gather [hbm4b:s4+s2], $0x80, v4, vm0, $0xb8;
	[tilespmem:$0x18800] =	vst v63  }
0x138: {  	s3 =	simm.s32 $0x2000  }
0x139: {  	[tilespmem:s3], [sflag:$0x1] =	stream.indirect_vreg.gather [hbm4b:s4+s2], $0x80, v3, vm0, $0xb8;
	[tilespmem:$0x18800] =	vst v63  }
0x13a: {  	v3 =	vld [tilespmem:$0x1A0];
	_ =	sdelay $0x4  }
0x13b: {  	v10 =	vshll.u32 v3, $0x1  }
0x13c: {  	v3 =	vand.u32 $0x7, v3;
	v4 =	vand.u32 $0xFFFFFFF0, v10  }
0x13d: {  	v3 =	vor.u32 v3, v4  }
0x13e: {  	v4 =	vperm.xlane v3, v0;
	_ =	sdelay $0x1  }
0x13f: {  	v3 =	vperm.xlane v3, v2;
	v4 =	vadd.s32 v1, v4;
	_ =	sdelay $0x1  }
0x140: {  	v3 =	vadd.s32 v1, v3;
	_ =	sdelay $0x1  }
0x141: {  	s21 =	simm.s32 $0x2800  }
0x142: {  	[tilespmem:s21], [sflag:$0x1] =	stream.indirect_vreg.gather [hbm4b:s4+s2], $0x80, v4, vm0, $0xb8;
	[tilespmem:$0x18800] =	vst v63  }
0x143: {  	s8 =	simm.s32 $0x3000  }
0x144: {  	[tilespmem:s8], [sflag:$0x1] =	stream.indirect_vreg.gather [hbm4b:s4+s2], $0x80, v3, vm0, $0xb8;
	[tilespmem:$0x18800] =	vst v63  }
0x145: {  	v3 =	vld [tilespmem:$0x1B0];
	_ =	sdelay $0x4  }
0x146: {  	v11 =	vshll.u32 v3, $0x1  }
0x147: {  	v3 =	vand.u32 $0x7, v3;
	v4 =	vand.u32 $0xFFFFFFF0, v11  }
0x148: {  	v3 =	vor.u32 v3, v4  }
0x149: {  	v4 =	vperm.xlane v3, v0;
	_ =	sdelay $0x1  }
0x14a: {  	v3 =	vperm.xlane v3, v2;
	v4 =	vadd.s32 v1, v4;
	_ =	sdelay $0x1  }
0x14b: {  	v3 =	vadd.s32 v1, v3;
	_ =	sdelay $0x1  }
0x14c: {  	s22 =	simm.s32 $0x3800  }
0x14d: {  	[tilespmem:s22], [sflag:$0x1] =	stream.indirect_vreg.gather [hbm4b:s4+s2], $0x80, v4, vm0, $0xb8;
	[tilespmem:$0x18800] =	vst v63  }
0x14e: {  	s23 =	simm.s32 $0x4000  }
0x14f: {  	[tilespmem:s23], [sflag:$0x1] =	stream.indirect_vreg.gather [hbm4b:s4+s2], $0x80, v3, vm0, $0xb8;
	[tilespmem:$0x18800] =	vst v63  }
0x150: {  	v3 =	vld [tilespmem:$0x1C0];
	_ =	sdelay $0x4  }
0x151: {  	v12 =	vshll.u32 v3, $0x1  }
0x152: {  	v3 =	vand.u32 $0x7, v3;
	v4 =	vand.u32 $0xFFFFFFF0, v12  }
0x153: {  	v3 =	vor.u32 v3, v4  }
0x154: {  	v4 =	vperm.xlane v3, v0;
	_ =	sdelay $0x1  }
0x155: {  	v3 =	vperm.xlane v3, v2;
	v4 =	vadd.s32 v1, v4;
	_ =	sdelay $0x1  }
0x156: {  	v3 =	vadd.s32 v1, v3;
	_ =	sdelay $0x1  }
0x157: {  	s23 =	simm.s32 $0x4800  }
0x158: {  	[tilespmem:s23], [sflag:$0x1] =	stream.indirect_vreg.gather [hbm4b:s4+s2], $0x80, v4, vm0, $0xb8;
	[tilespmem:$0x18800] =	vst v63  }
0x159: {  	s9 =	simm.s32 $0x5000  }
0x15a: {  	[tilespmem:s9], [sflag:$0x1] =	stream.indirect_vreg.gather [hbm4b:s4+s2], $0x80, v3, vm0, $0xb8;
	[tilespmem:$0x18800] =	vst v63  }
0x15b: {  	v3 =	vld [tilespmem:$0x1D0];
	_ =	sdelay $0x4  }
0x15c: {  	v13 =	vshll.u32 v3, $0x1  }
0x15d: {  	v3 =	vand.u32 $0x7, v3;
	v4 =	vand.u32 $0xFFFFFFF0, v13  }
0x15e: {  	v3 =	vor.u32 v3, v4  }
0x15f: {  	v4 =	vperm.xlane v3, v0;
	_ =	sdelay $0x1  }
0x160: {  	v3 =	vperm.xlane v3, v2;
	v4 =	vadd.s32 v1, v4;
	_ =	sdelay $0x1  }
0x161: {  	v3 =	vadd.s32 v1, v3;
	_ =	sdelay $0x1  }
0x162: {  	s1 =	simm.s32 $0x5800  }
0x163: {  	[tilespmem:s1], [sflag:$0x1] =	stream.indirect_vreg.gather [hbm4b:s4+s2], $0x80, v4, vm0, $0xb8;
	[tilespmem:$0x18800] =	vst v63  }
0x164: {  	s10 =	simm.s32 $0x6000  }
0x165: {  	[tilespmem:s10], [sflag:$0x1] =	stream.indirect_vreg.gather [hbm4b:s4+s2], $0x80, v3, vm0, $0xb8;
	[tilespmem:$0x18800] =	vst v63  }
0x166: {  	v3 =	vld [tilespmem:$0x1E0];
	_ =	sdelay $0x4  }
0x167: {  	v14 =	vshll.u32 v3, $0x1  }
0x168: {  	v3 =	vand.u32 $0x7, v3;
	v4 =	vand.u32 $0xFFFFFFF0, v14  }
0x169: {  	v3 =	vor.u32 v3, v4  }
0x16a: {  	v4 =	vperm.xlane v3, v0;
	_ =	sdelay $0x1  }
0x16b: {  	v3 =	vperm.xlane v3, v2;
	v4 =	vadd.s32 v1, v4;
	_ =	sdelay $0x1  }
0x16c: {  	v3 =	vadd.s32 v1, v3;
	_ =	sdelay $0x1  }
0x16d: {  	s3 =	simm.s32 $0x6800  }
0x16e: {  	[tilespmem:s3], [sflag:$0x1] =	stream.indirect_vreg.gather [hbm4b:s4+s2], $0x80, v4, vm0, $0xb8;
	[tilespmem:$0x18800] =	vst v63  }
0x16f: {  	s11 =	simm.s32 $0x7000  }
0x170: {  	[tilespmem:s11], [sflag:$0x1] =	stream.indirect_vreg.gather [hbm4b:s4+s2], $0x80, v3, vm0, $0xb8;
	[tilespmem:$0x18800] =	vst v63  }
0x171: {  	v3 =	vld [tilespmem:$0x1F0];
	_ =	sdelay $0x4  }
0x172: {  	v15 =	vshll.u32 v3, $0x1  }
0x173: {  	v3 =	vand.u32 $0x7, v3;
	v4 =	vand.u32 $0xFFFFFFF0, v15  }
0x174: {  	v3 =	vor.u32 v3, v4  }
0x175: {  	v4 =	vperm.xlane v3, v0;
	_ =	sdelay $0x1  }
0x176: {  	v3 =	vperm.xlane v3, v2;
	v4 =	vadd.s32 v1, v4;
	_ =	sdelay $0x1  }
0x177: {  	v3 =	vadd.s32 v1, v3;
	_ =	sdelay $0x1  }
0x178: {  	s8 =	simm.s32 $0x7800  }
0x179: {  	[tilespmem:s8], [sflag:$0x1] =	stream.indirect_vreg.gather [hbm4b:s4+s2], $0x80, v4, vm0, $0xb8;
	[tilespmem:$0x18800] =	vst v63  }
0x17a: {  	s13 =	simm.s32 $0x8000  }
0x17b: {  	[tilespmem:s13], [sflag:$0x1] =	stream.indirect_vreg.gather [hbm4b:s4+s2], $0x80, v3, vm0, $0xb8;
	[tilespmem:$0x18800] =	vst v63  }
0x17c: {  	_ =	swait.ge [sflag:s25], $0x8000  }
0x17d: {  	[sflag:s25] =	ssyncset.done $0x0  }
0x17e: {  	s13 =	rddreg [dreg:$0x4];
	[sflag:s25] =	ssyncadd.s32 $0xFFFF8000  }
0x17f: {  	[hbm4b:s13+s2] =	stream.linear.scatter [tilespmem:s29], [sflag:$0x5], $0x8000, $0x38;
	[tilespmem:$0x18800] =	vst v63  }
0x180: {  	_ =	swait.ge [sflag:s26], $0x8000  }
0x181: {  	[sflag:s26] =	ssyncset.done $0x0  }
0x182: {  	[sflag:s26] =	ssyncadd.s32 $0xFFFF8000  }
0x183: {  	v3 =	vld [tilespmem:$0x200];
	_ =	sdelay $0x4  }
0x184: {  	v16 =	vshll.u32 v3, $0x1  }
0x185: {  	v3 =	vand.u32 $0x7, v3;
	v4 =	vand.u32 $0xFFFFFFF0, v16  }
0x186: {  	v3 =	vor.u32 v3, v4  }
0x187: {  	v4 =	vperm.xlane v3, v0;
	_ =	sdelay $0x1  }
0x188: {  	v3 =	vperm.xlane v3, v2;
	v4 =	vadd.s32 v1, v4;
	_ =	sdelay $0x1  }
0x189: {  	v3 =	vadd.s32 v1, v3;
	_ =	sdelay $0x2  }
0x18a: {  	[tilespmem:s29], [sflag:$0x2] =	stream.indirect_vreg.gather [hbm4b:s4+s2], $0x80, v4, vm0, $0xb8;
	[tilespmem:$0x18800] =	vst v63  }
0x18b: {  	s12 =	simm.s32 $0x9000  }
0x18c: {  	[tilespmem:s12], [sflag:$0x2] =	stream.indirect_vreg.gather [hbm4b:s4+s2], $0x80, v3, vm0, $0xb8;
	[tilespmem:$0x18800] =	vst v63  }
0x18d: {  	v3 =	vld [tilespmem:$0x210];
	_ =	sdelay $0x4  }
0x18e: {  	v17 =	vshll.u32 v3, $0x1  }
0x18f: {  	v3 =	vand.u32 $0x7, v3;
	v4 =	vand.u32 $0xFFFFFFF0, v17  }
0x190: {  	v3 =	vor.u32 v3, v4  }
0x191: {  	v4 =	vperm.xlane v3, v0;
	_ =	sdelay $0x1  }
0x192: {  	v3 =	vperm.xlane v3, v2;
	v4 =	vadd.s32 v1, v4;
	_ =	sdelay $0x1  }
0x193: {  	v3 =	vadd.s32 v1, v3;
	_ =	sdelay $0x2  }
0x194: {  	[tilespmem:s20], [sflag:$0x2] =	stream.indirect_vreg.gather [hbm4b:s4+s2], $0x80, v4, vm0, $0xb8;
	[tilespmem:$0x18800] =	vst v63  }
0x195: {  	s14 =	simm.s32 $0xA000  }
0x196: {  	[tilespmem:s14], [sflag:$0x2] =	stream.indirect_vreg.gather [hbm4b:s4+s2], $0x80, v3, vm0, $0xb8;
	[tilespmem:$0x18800] =	vst v63  }
0x197: {  	v3 =	vld [tilespmem:$0x220];
	_ =	sdelay $0x4  }
0x198: {  	v18 =	vshll.u32 v3, $0x1  }
0x199: {  	v3 =	vand.u32 $0x7, v3;
	v4 =	vand.u32 $0xFFFFFFF0, v18  }
0x19a: {  	v3 =	vor.u32 v3, v4  }
0x19b: {  	v4 =	vperm.xlane v3, v0;
	_ =	sdelay $0x1  }
0x19c: {  	v3 =	vperm.xlane v3, v2;
	v4 =	vadd.s32 v1, v4;
	_ =	sdelay $0x1  }
0x19d: {  	v3 =	vadd.s32 v1, v3;
	_ =	sdelay $0x1  }
0x19e: {  	s14 =	simm.s32 $0xA800  }
0x19f: {  	[tilespmem:s14], [sflag:$0x2] =	stream.indirect_vreg.gather [hbm4b:s4+s2], $0x80, v4, vm0, $0xb8;
	[tilespmem:$0x18800] =	vst v63  }
0x1a0: {  	s15 =	simm.s32 $0xB000  }
0x1a1: {  	[tilespmem:s15], [sflag:$0x2] =	stream.indirect_vreg.gather [hbm4b:s4+s2], $0x80, v3, vm0, $0xb8;
	[tilespmem:$0x18800] =	vst v63  }
0x1a2: {  	v3 =	vld [tilespmem:$0x230];
	_ =	sdelay $0x4  }
0x1a3: {  	v19 =	vshll.u32 v3, $0x1  }
0x1a4: {  	v3 =	vand.u32 $0x7, v3;
	v4 =	vand.u32 $0xFFFFFFF0, v19  }
0x1a5: {  	v3 =	vor.u32 v3, v4  }
0x1a6: {  	v4 =	vperm.xlane v3, v0;
	_ =	sdelay $0x1  }
0x1a7: {  	v3 =	vperm.xlane v3, v2;
	v4 =	vadd.s32 v1, v4;
	_ =	sdelay $0x1  }
0x1a8: {  	v3 =	vadd.s32 v1, v3;
	_ =	sdelay $0x1  }
0x1a9: {  	s31 =	simm.s32 $0xB800  }
0x1aa: {  	[tilespmem:s31], [sflag:$0x2] =	stream.indirect_vreg.gather [hbm4b:s4+s2], $0x80, v4, vm0, $0xb8;
	[tilespmem:$0x18800] =	vst v63  }
0x1ab: {  	s16 =	simm.s32 $0xC000  }
0x1ac: {  	[tilespmem:s16], [sflag:$0x2] =	stream.indirect_vreg.gather [hbm4b:s4+s2], $0x80, v3, vm0, $0xb8;
	[tilespmem:$0x18800] =	vst v63  }
0x1ad: {  	v3 =	vld [tilespmem:$0x240];
	_ =	sdelay $0x4  }
0x1ae: {  	v20 =	vshll.u32 v3, $0x1  }
0x1af: {  	v3 =	vand.u32 $0x7, v3;
	v4 =	vand.u32 $0xFFFFFFF0, v20  }
0x1b0: {  	v3 =	vor.u32 v3, v4  }
0x1b1: {  	v4 =	vperm.xlane v3, v0;
	_ =	sdelay $0x1  }
0x1b2: {  	v3 =	vperm.xlane v3, v2;
	v4 =	vadd.s32 v1, v4;
	_ =	sdelay $0x1  }
0x1b3: {  	v3 =	vadd.s32 v1, v3;
	_ =	sdelay $0x1  }
0x1b4: {  	s13 =	simm.s32 $0xC800  }
0x1b5: {  	[tilespmem:s13], [sflag:$0x2] =	stream.indirect_vreg.gather [hbm4b:s4+s2], $0x80, v4, vm0, $0xb8;
	[tilespmem:$0x18800] =	vst v63  }
0x1b6: {  	s14 =	simm.s32 $0xD000  }
0x1b7: {  	[tilespmem:s14], [sflag:$0x2] =	stream.indirect_vreg.gather [hbm4b:s4+s2], $0x80, v3, vm0, $0xb8;
	[tilespmem:$0x18800] =	vst v63  }
0x1b8: {  	v3 =	vld [tilespmem:$0x250];
	_ =	sdelay $0x4  }
0x1b9: {  	v21 =	vshll.u32 v3, $0x1  }
0x1ba: {  	v3 =	vand.u32 $0x7, v3;
	v4 =	vand.u32 $0xFFFFFFF0, v21  }
0x1bb: {  	v3 =	vor.u32 v3, v4  }
0x1bc: {  	v4 =	vperm.xlane v3, v0;
	_ =	sdelay $0x1  }
0x1bd: {  	v3 =	vperm.xlane v3, v2;
	v4 =	vadd.s32 v1, v4;
	_ =	sdelay $0x1  }
0x1be: {  	v3 =	vadd.s32 v1, v3;
	_ =	sdelay $0x1  }
0x1bf: {  	s15 =	simm.s32 $0xD800  }
0x1c0: {  	[tilespmem:s15], [sflag:$0x2] =	stream.indirect_vreg.gather [hbm4b:s4+s2], $0x80, v4, vm0, $0xb8;
	[tilespmem:$0x18800] =	vst v63  }
0x1c1: {  	s16 =	simm.s32 $0xE000  }
0x1c2: {  	[tilespmem:s16], [sflag:$0x2] =	stream.indirect_vreg.gather [hbm4b:s4+s2], $0x80, v3, vm0, $0xb8;
	[tilespmem:$0x18800] =	vst v63  }
0x1c3: {  	v3 =	vld [tilespmem:$0x260];
	_ =	sdelay $0x4  }
0x1c4: {  	v22 =	vshll.u32 v3, $0x1  }
0x1c5: {  	v3 =	vand.u32 $0x7, v3;
	v4 =	vand.u32 $0xFFFFFFF0, v22  }
0x1c6: {  	v3 =	vor.u32 v3, v4  }
0x1c7: {  	v4 =	vperm.xlane v3, v0;
	_ =	sdelay $0x1  }
0x1c8: {  	v3 =	vperm.xlane v3, v2;
	v4 =	vadd.s32 v1, v4;
	_ =	sdelay $0x1  }
0x1c9: {  	v3 =	vadd.s32 v1, v3;
	_ =	sdelay $0x1  }
0x1ca: {  	s31 =	simm.s32 $0xE800  }
0x1cb: {  	[tilespmem:s31], [sflag:$0x2] =	stream.indirect_vreg.gather [hbm4b:s4+s2], $0x80, v4, vm0, $0xb8;
	[tilespmem:$0x18800] =	vst v63  }
0x1cc: {  	s13 =	simm.s32 $0xF000  }
0x1cd: {  	[tilespmem:s13], [sflag:$0x2] =	stream.indirect_vreg.gather [hbm4b:s4+s2], $0x80, v3, vm0, $0xb8;
	[tilespmem:$0x18800] =	vst v63  }
0x1ce: {  	v3 =	vld [tilespmem:$0x270];
	_ =	sdelay $0x4  }
0x1cf: {  	v23 =	vshll.u32 v3, $0x1  }
0x1d0: {  	v3 =	vand.u32 $0x7, v3;
	v4 =	vand.u32 $0xFFFFFFF0, v23  }
0x1d1: {  	v3 =	vor.u32 v3, v4  }
0x1d2: {  	v4 =	vperm.xlane v3, v0;
	_ =	sdelay $0x1  }
0x1d3: {  	v3 =	vperm.xlane v3, v2;
	v4 =	vadd.s32 v1, v4;
	_ =	sdelay $0x1  }
0x1d4: {  	v3 =	vadd.s32 v1, v3;
	_ =	sdelay $0x2  }
0x1d5: {  	[tilespmem:s18], [sflag:$0x2] =	stream.indirect_vreg.gather [hbm4b:s4+s2], $0x80, v4, vm0, $0xb8;
	[tilespmem:$0x18800] =	vst v63  }
0x1d6: {  	_ = 	snop  }
0x1d7: {  	[tilespmem:s19], [sflag:$0x2] =	stream.indirect_vreg.gather [hbm4b:s4+s2], $0x80, v3, vm0, $0xb8;
	[tilespmem:$0x18800] =	vst v63  }
0x1d8: {  	_ =	swait.ge [sflag:s28], $0x8000  }
0x1d9: {  	[sflag:s28] =	ssyncset.done $0x0  }
0x1da: {  	s14 =	rddreg [dreg:$0x5];
	[sflag:s28] =	ssyncadd.s32 $0xFFFF8000  }
0x1db: {  	[hbm4b:s14+s2] =	stream.linear.scatter [tilespmem:s0], [sflag:$0x6], $0x8000, $0x38;
	[tilespmem:$0x18800] =	vst v63  }
0x1dc: {  	_ =	swait.ge [sflag:s30], $0x8000  }
0x1dd: {  	[sflag:s30] =	ssyncset.done $0x0  }
0x1de: {  	[sflag:s30] =	ssyncadd.s32 $0xFFFF8000  }
0x1df: {  	v3 =	vld [tilespmem:$0x280];
	_ =	sdelay $0x4  }
0x1e0: {  	v24 =	vshll.u32 v3, $0x1  }
0x1e1: {  	v3 =	vand.u32 $0x7, v3;
	v4 =	vand.u32 $0xFFFFFFF0, v24  }
0x1e2: {  	v3 =	vor.u32 v3, v4  }
0x1e3: {  	v4 =	vperm.xlane v3, v0;
	_ =	sdelay $0x1  }
0x1e4: {  	v3 =	vperm.xlane v3, v2;
	v4 =	vadd.s32 v1, v4;
	_ =	sdelay $0x1  }
0x1e5: {  	v3 =	vadd.s32 v1, v3;
	_ =	sdelay $0x2  }
0x1e6: {  	[tilespmem:s0], [sflag:$0x3] =	stream.indirect_vreg.gather [hbm4b:s4+s2], $0x80, v4, vm0, $0xb8;
	[tilespmem:$0x18800] =	vst v63  }
0x1e7: {  	s15 =	simm.s32 $0x11000  }
0x1e8: {  	[tilespmem:s15], [sflag:$0x3] =	stream.indirect_vreg.gather [hbm4b:s4+s2], $0x80, v3, vm0, $0xb8;
	[tilespmem:$0x18800] =	vst v63  }
0x1e9: {  	v3 =	vld [tilespmem:$0x290];
	_ =	sdelay $0x4  }
0x1ea: {  	v25 =	vshll.u32 v3, $0x1  }
0x1eb: {  	v3 =	vand.u32 $0x7, v3;
	v4 =	vand.u32 $0xFFFFFFF0, v25  }
0x1ec: {  	v3 =	vor.u32 v3, v4  }
0x1ed: {  	v4 =	vperm.xlane v3, v0;
	_ =	sdelay $0x1  }
0x1ee: {  	v3 =	vperm.xlane v3, v2;
	v4 =	vadd.s32 v1, v4;
	_ =	sdelay $0x1  }
0x1ef: {  	v3 =	vadd.s32 v1, v3;
	_ =	sdelay $0x1  }
0x1f0: {  	s16 =	simm.s32 $0x11800  }
0x1f1: {  	[tilespmem:s16], [sflag:$0x3] =	stream.indirect_vreg.gather [hbm4b:s4+s2], $0x80, v4, vm0, $0xb8;
	[tilespmem:$0x18800] =	vst v63  }
0x1f2: {  	s31 =	simm.s32 $0x12000  }
0x1f3: {  	[tilespmem:s31], [sflag:$0x3] =	stream.indirect_vreg.gather [hbm4b:s4+s2], $0x80, v3, vm0, $0xb8;
	[tilespmem:$0x18800] =	vst v63  }
0x1f4: {  	v3 =	vld [tilespmem:$0x2A0];
	_ =	sdelay $0x4  }
0x1f5: {  	v26 =	vshll.u32 v3, $0x1  }
0x1f6: {  	v3 =	vand.u32 $0x7, v3;
	v4 =	vand.u32 $0xFFFFFFF0, v26  }
0x1f7: {  	v3 =	vor.u32 v3, v4  }
0x1f8: {  	v4 =	vperm.xlane v3, v0;
	_ =	sdelay $0x1  }
0x1f9: {  	v3 =	vperm.xlane v3, v2;
	v4 =	vadd.s32 v1, v4;
	_ =	sdelay $0x1  }
0x1fa: {  	v3 =	vadd.s32 v1, v3;
	_ =	sdelay $0x1  }
0x1fb: {  	s13 =	simm.s32 $0x12800  }
0x1fc: {  	[tilespmem:s13], [sflag:$0x3] =	stream.indirect_vreg.gather [hbm4b:s4+s2], $0x80, v4, vm0, $0xb8;
	[tilespmem:$0x18800] =	vst v63  }
0x1fd: {  	s14 =	simm.s32 $0x13000  }
0x1fe: {  	[tilespmem:s14], [sflag:$0x3] =	stream.indirect_vreg.gather [hbm4b:s4+s2], $0x80, v3, vm0, $0xb8;
	[tilespmem:$0x18800] =	vst v63  }
0x1ff: {  	v3 =	vld [tilespmem:$0x2B0];
	_ =	sdelay $0x4  }
0x200: {  	v27 =	vshll.u32 v3, $0x1  }
0x201: {  	v3 =	vand.u32 $0x7, v3;
	v4 =	vand.u32 $0xFFFFFFF0, v27  }
0x202: {  	v3 =	vor.u32 v3, v4  }
0x203: {  	v4 =	vperm.xlane v3, v0;
	_ =	sdelay $0x1  }
0x204: {  	v3 =	vperm.xlane v3, v2;
	v4 =	vadd.s32 v1, v4;
	_ =	sdelay $0x1  }
0x205: {  	v3 =	vadd.s32 v1, v3;
	_ =	sdelay $0x1  }
0x206: {  	s15 =	simm.s32 $0x13800  }
0x207: {  	[tilespmem:s15], [sflag:$0x3] =	stream.indirect_vreg.gather [hbm4b:s4+s2], $0x80, v4, vm0, $0xb8;
	[tilespmem:$0x18800] =	vst v63  }
0x208: {  	s16 =	simm.s32 $0x14000  }
0x209: {  	[tilespmem:s16], [sflag:$0x3] =	stream.indirect_vreg.gather [hbm4b:s4+s2], $0x80, v3, vm0, $0xb8;
	[tilespmem:$0x18800] =	vst v63  }
0x20a: {  	v3 =	vld [tilespmem:$0x2C0];
	_ =	sdelay $0x4  }
0x20b: {  	v28 =	vshll.u32 v3, $0x1  }
0x20c: {  	v3 =	vand.u32 $0x7, v3;
	v4 =	vand.u32 $0xFFFFFFF0, v28  }
0x20d: {  	v3 =	vor.u32 v3, v4  }
0x20e: {  	v4 =	vperm.xlane v3, v0;
	_ =	sdelay $0x1  }
0x20f: {  	v3 =	vperm.xlane v3, v2;
	v4 =	vadd.s32 v1, v4;
	_ =	sdelay $0x1  }
0x210: {  	v3 =	vadd.s32 v1, v3;
	_ =	sdelay $0x1  }
0x211: {  	s31 =	simm.s32 $0x14800  }
0x212: {  	[tilespmem:s31], [sflag:$0x3] =	stream.indirect_vreg.gather [hbm4b:s4+s2], $0x80, v4, vm0, $0xb8;
	[tilespmem:$0x18800] =	vst v63  }
0x213: {  	s13 =	simm.s32 $0x15000  }
0x214: {  	[tilespmem:s13], [sflag:$0x3] =	stream.indirect_vreg.gather [hbm4b:s4+s2], $0x80, v3, vm0, $0xb8;
	[tilespmem:$0x18800] =	vst v63  }
0x215: {  	v3 =	vld [tilespmem:$0x2D0];
	_ =	sdelay $0x4  }
0x216: {  	v29 =	vshll.u32 v3, $0x1  }
0x217: {  	v3 =	vand.u32 $0x7, v3;
	v4 =	vand.u32 $0xFFFFFFF0, v29  }
0x218: {  	v3 =	vor.u32 v3, v4  }
0x219: {  	v4 =	vperm.xlane v3, v0;
	_ =	sdelay $0x1  }
0x21a: {  	v3 =	vperm.xlane v3, v2;
	v4 =	vadd.s32 v1, v4;
	_ =	sdelay $0x1  }
0x21b: {  	v3 =	vadd.s32 v1, v3;
	_ =	sdelay $0x1  }
0x21c: {  	s14 =	simm.s32 $0x15800  }
0x21d: {  	[tilespmem:s14], [sflag:$0x3] =	stream.indirect_vreg.gather [hbm4b:s4+s2], $0x80, v4, vm0, $0xb8;
	[tilespmem:$0x18800] =	vst v63  }
0x21e: {  	s15 =	simm.s32 $0x16000  }
0x21f: {  	[tilespmem:s15], [sflag:$0x3] =	stream.indirect_vreg.gather [hbm4b:s4+s2], $0x80, v3, vm0, $0xb8;
	[tilespmem:$0x18800] =	vst v63  }
0x220: {  	v3 =	vld [tilespmem:$0x2E0];
	_ =	sdelay $0x4  }
0x221: {  	v30 =	vshll.u32 v3, $0x1  }
0x222: {  	v3 =	vand.u32 $0x7, v3;
	v4 =	vand.u32 $0xFFFFFFF0, v30  }
0x223: {  	v3 =	vor.u32 v3, v4  }
0x224: {  	v4 =	vperm.xlane v3, v0;
	_ =	sdelay $0x1  }
0x225: {  	v3 =	vperm.xlane v3, v2;
	v4 =	vadd.s32 v1, v4;
	_ =	sdelay $0x1  }
0x226: {  	v3 =	vadd.s32 v1, v3;
	_ =	sdelay $0x1  }
0x227: {  	s16 =	simm.s32 $0x16800  }
0x228: {  	[tilespmem:s16], [sflag:$0x3] =	stream.indirect_vreg.gather [hbm4b:s4+s2], $0x80, v4, vm0, $0xb8;
	[tilespmem:$0x18800] =	vst v63  }
0x229: {  	s31 =	simm.s32 $0x17000  }
0x22a: {  	[tilespmem:s31], [sflag:$0x3] =	stream.indirect_vreg.gather [hbm4b:s4+s2], $0x80, v3, vm0, $0xb8;
	[tilespmem:$0x18800] =	vst v63  }
0x22b: {  	v3 =	vld [tilespmem:$0x2F0];
	_ =	sdelay $0x4  }
0x22c: {  	v31 =	vshll.u32 v3, $0x1  }
0x22d: {  	v3 =	vand.u32 $0x7, v3;
	v4 =	vand.u32 $0xFFFFFFF0, v31  }
0x22e: {  	v3 =	vor.u32 v3, v4  }
0x22f: {  	v4 =	vperm.xlane v3, v0;
	_ =	sdelay $0x1  }
0x230: {  	v3 =	vperm.xlane v3, v2;
	v4 =	vadd.s32 v1, v4;
	_ =	sdelay $0x1  }
0x231: {  	v3 =	vadd.s32 v1, v3;
	_ =	sdelay $0x1  }
0x232: {  	s13 =	simm.s32 $0x17800  }
0x233: {  	[tilespmem:s13], [sflag:$0x3] =	stream.indirect_vreg.gather [hbm4b:s4+s2], $0x80, v4, vm0, $0xb8;
	[tilespmem:$0x18800] =	vst v63  }
0x234: {  	s14 =	simm.s32 $0x18000  }
0x235: {  	[tilespmem:s14], [sflag:$0x3] =	stream.indirect_vreg.gather [hbm4b:s4+s2], $0x80, v3, vm0, $0xb8;
	[tilespmem:$0x18800] =	vst v63  }
0x236: {  	_ =	swait.ge [sflag:s6], $0x8000  }
0x237: {  	[sflag:s6] =	ssyncset.done $0x0  }
0x238: {  	s15 =	rddreg [dreg:$0x6];
	[sflag:s6] =	ssyncadd.s32 $0xFFFF8000  }
0x239: {  	[hbm4b:s15+s2] =	stream.linear.scatter [tilespmem:s17], [sflag:$0x4], $0x8000, $0x38;
	[tilespmem:$0x18800] =	vst v63  }
0x23a: {  	_ =	swait.ge [sflag:s24], $0x8000  }
0x23b: {  	[sflag:s24] =	ssyncset.done $0x0  }
0x23c: {  	[sflag:s24] =	ssyncadd.s32 $0xFFFF8000  }
0x23d: {  	v3 =	vld [tilespmem:$0x300];
	_ =	sdelay $0x4  }
0x23e: {  	v32 =	vshll.u32 v3, $0x1  }
0x23f: {  	v3 =	vand.u32 $0x7, v3;
	v4 =	vand.u32 $0xFFFFFFF0, v32  }
0x240: {  	v3 =	vor.u32 v3, v4  }
0x241: {  	v4 =	vperm.xlane v3, v0;
	_ =	sdelay $0x1  }
0x242: {  	v3 =	vperm.xlane v3, v2;
	v4 =	vadd.s32 v1, v4;
	_ =	sdelay $0x1  }
0x243: {  	v3 =	vadd.s32 v1, v3;
	_ =	sdelay $0x2  }
0x244: {  	[tilespmem:s17], [sflag:$0x1] =	stream.indirect_vreg.gather [hbm4b:s4+s2], $0x80, v4, vm0, $0xb8;
	[tilespmem:$0x18800] =	vst v63  }
0x245: {  	s16 =	simm.s32 $0x1000  }
0x246: {  	[tilespmem:s16], [sflag:$0x1] =	stream.indirect_vreg.gather [hbm4b:s4+s2], $0x80, v3, vm0, $0xb8;
	[tilespmem:$0x18800] =	vst v63  }
0x247: {  	v3 =	vld [tilespmem:$0x310];
	_ =	sdelay $0x4  }
0x248: {  	v33 =	vshll.u32 v3, $0x1  }
0x249: {  	v3 =	vand.u32 $0x7, v3;
	v4 =	vand.u32 $0xFFFFFFF0, v33  }
0x24a: {  	v3 =	vor.u32 v3, v4  }
0x24b: {  	v4 =	vperm.xlane v3, v0;
	_ =	sdelay $0x1  }
0x24c: {  	v3 =	vperm.xlane v3, v2;
	v4 =	vadd.s32 v1, v4;
	_ =	sdelay $0x1  }
0x24d: {  	v3 =	vadd.s32 v1, v3;
	_ =	sdelay $0x2  }
0x24e: {  	[tilespmem:s7], [sflag:$0x1] =	stream.indirect_vreg.gather [hbm4b:s4+s2], $0x80, v4, vm0, $0xb8;
	[tilespmem:$0x18800] =	vst v63  }
0x24f: {  	s12 =	simm.s32 $0x2000  }
0x250: {  	[tilespmem:s12], [sflag:$0x1] =	stream.indirect_vreg.gather [hbm4b:s4+s2], $0x80, v3, vm0, $0xb8;
	[tilespmem:$0x18800] =	vst v63  }
0x251: {  	v3 =	vld [tilespmem:$0x320];
	_ =	sdelay $0x4  }
0x252: {  	v34 =	vshll.u32 v3, $0x1  }
0x253: {  	v3 =	vand.u32 $0x7, v3;
	v4 =	vand.u32 $0xFFFFFFF0, v34  }
0x254: {  	v3 =	vor.u32 v3, v4  }
0x255: {  	v4 =	vperm.xlane v3, v0;
	_ =	sdelay $0x1  }
0x256: {  	v3 =	vperm.xlane v3, v2;
	v4 =	vadd.s32 v1, v4;
	_ =	sdelay $0x1  }
0x257: {  	v3 =	vadd.s32 v1, v3;
	_ =	sdelay $0x2  }
0x258: {  	[tilespmem:s21], [sflag:$0x1] =	stream.indirect_vreg.gather [hbm4b:s4+s2], $0x80, v4, vm0, $0xb8;
	[tilespmem:$0x18800] =	vst v63  }
0x259: {  	s14 =	simm.s32 $0x3000  }
0x25a: {  	[tilespmem:s14], [sflag:$0x1] =	stream.indirect_vreg.gather [hbm4b:s4+s2], $0x80, v3, vm0, $0xb8;
	[tilespmem:$0x18800] =	vst v63  }
0x25b: {  	v3 =	vld [tilespmem:$0x330];
	_ =	sdelay $0x4  }
0x25c: {  	v35 =	vshll.u32 v3, $0x1  }
0x25d: {  	v3 =	vand.u32 $0x7, v3;
	v4 =	vand.u32 $0xFFFFFFF0, v35  }
0x25e: {  	v3 =	vor.u32 v3, v4  }
0x25f: {  	v4 =	vperm.xlane v3, v0;
	_ =	sdelay $0x1  }
0x260: {  	v3 =	vperm.xlane v3, v2;
	v4 =	vadd.s32 v1, v4;
	_ =	sdelay $0x1  }
0x261: {  	v3 =	vadd.s32 v1, v3;
	_ =	sdelay $0x2  }
0x262: {  	[tilespmem:s22], [sflag:$0x1] =	stream.indirect_vreg.gather [hbm4b:s4+s2], $0x80, v4, vm0, $0xb8;
	[tilespmem:$0x18800] =	vst v63  }
0x263: {  	s15 =	simm.s32 $0x4000  }
0x264: {  	[tilespmem:s15], [sflag:$0x1] =	stream.indirect_vreg.gather [hbm4b:s4+s2], $0x80, v3, vm0, $0xb8;
	[tilespmem:$0x18800] =	vst v63  }
0x265: {  	v3 =	vld [tilespmem:$0x340];
	_ =	sdelay $0x4  }
0x266: {  	v36 =	vshll.u32 v3, $0x1  }
0x267: {  	v3 =	vand.u32 $0x7, v3;
	v4 =	vand.u32 $0xFFFFFFF0, v36  }
0x268: {  	v3 =	vor.u32 v3, v4  }
0x269: {  	v4 =	vperm.xlane v3, v0;
	_ =	sdelay $0x1  }
0x26a: {  	v3 =	vperm.xlane v3, v2;
	v4 =	vadd.s32 v1, v4;
	_ =	sdelay $0x1  }
0x26b: {  	v3 =	vadd.s32 v1, v3;
	_ =	sdelay $0x2  }
0x26c: {  	[tilespmem:s23], [sflag:$0x1] =	stream.indirect_vreg.gather [hbm4b:s4+s2], $0x80, v4, vm0, $0xb8;
	[tilespmem:$0x18800] =	vst v63  }
0x26d: {  	_ = 	snop  }
0x26e: {  	[tilespmem:s9], [sflag:$0x1] =	stream.indirect_vreg.gather [hbm4b:s4+s2], $0x80, v3, vm0, $0xb8;
	[tilespmem:$0x18800] =	vst v63  }
0x26f: {  	v3 =	vld [tilespmem:$0x350];
	_ =	sdelay $0x4  }
0x270: {  	v37 =	vshll.u32 v3, $0x1  }
0x271: {  	v3 =	vand.u32 $0x7, v3;
	v4 =	vand.u32 $0xFFFFFFF0, v37  }
0x272: {  	v3 =	vor.u32 v3, v4  }
0x273: {  	v4 =	vperm.xlane v3, v0;
	_ =	sdelay $0x1  }
0x274: {  	v3 =	vperm.xlane v3, v2;
	v4 =	vadd.s32 v1, v4;
	_ =	sdelay $0x1  }
0x275: {  	v3 =	vadd.s32 v1, v3;
	_ =	sdelay $0x2  }
0x276: {  	[tilespmem:s1], [sflag:$0x1] =	stream.indirect_vreg.gather [hbm4b:s4+s2], $0x80, v4, vm0, $0xb8;
	[tilespmem:$0x18800] =	vst v63  }
0x277: {  	_ = 	snop  }
0x278: {  	[tilespmem:s10], [sflag:$0x1] =	stream.indirect_vreg.gather [hbm4b:s4+s2], $0x80, v3, vm0, $0xb8;
	[tilespmem:$0x18800] =	vst v63  }
0x279: {  	v3 =	vld [tilespmem:$0x360];
	_ =	sdelay $0x4  }
0x27a: {  	v38 =	vshll.u32 v3, $0x1  }
0x27b: {  	v3 =	vand.u32 $0x7, v3;
	v4 =	vand.u32 $0xFFFFFFF0, v38  }
0x27c: {  	v3 =	vor.u32 v3, v4  }
0x27d: {  	v4 =	vperm.xlane v3, v0;
	_ =	sdelay $0x1  }
0x27e: {  	v3 =	vperm.xlane v3, v2;
	v4 =	vadd.s32 v1, v4;
	_ =	sdelay $0x1  }
0x27f: {  	v3 =	vadd.s32 v1, v3;
	_ =	sdelay $0x2  }
0x280: {  	[tilespmem:s3], [sflag:$0x1] =	stream.indirect_vreg.gather [hbm4b:s4+s2], $0x80, v4, vm0, $0xb8;
	[tilespmem:$0x18800] =	vst v63  }
0x281: {  	_ = 	snop  }
0x282: {  	[tilespmem:s11], [sflag:$0x1] =	stream.indirect_vreg.gather [hbm4b:s4+s2], $0x80, v3, vm0, $0xb8;
	[tilespmem:$0x18800] =	vst v63  }
0x283: {  	v3 =	vld [tilespmem:$0x370];
	_ =	sdelay $0x4  }
0x284: {  	v39 =	vshll.u32 v3, $0x1  }
0x285: {  	v3 =	vand.u32 $0x7, v3;
	v4 =	vand.u32 $0xFFFFFFF0, v39  }
0x286: {  	v3 =	vor.u32 v3, v4  }
0x287: {  	v4 =	vperm.xlane v3, v0;
	_ =	sdelay $0x1  }
0x288: {  	v3 =	vperm.xlane v3, v2;
	v4 =	vadd.s32 v1, v4;
	_ =	sdelay $0x1  }
0x289: {  	v3 =	vadd.s32 v1, v3;
	_ =	sdelay $0x2  }
0x28a: {  	[tilespmem:s8], [sflag:$0x1] =	stream.indirect_vreg.gather [hbm4b:s4+s2], $0x80, v4, vm0, $0xb8;
	[tilespmem:$0x18800] =	vst v63  }
0x28b: {  	s16 =	simm.s32 $0x8000  }
0x28c: {  	[tilespmem:s16], [sflag:$0x1] =	stream.indirect_vreg.gather [hbm4b:s4+s2], $0x80, v3, vm0, $0xb8;
	[tilespmem:$0x18800] =	vst v63  }
0x28d: {  	_ =	swait.ge [sflag:s25], $0x8000  }
0x28e: {  	[sflag:s25] =	ssyncset.done $0x0  }
0x28f: {  	s31 =	rddreg [dreg:$0x7];
	[sflag:s25] =	ssyncadd.s32 $0xFFFF8000  }
0x290: {  	[hbm4b:s31+s2] =	stream.linear.scatter [tilespmem:s29], [sflag:$0x5], $0x8000, $0x38;
	[tilespmem:$0x18800] =	vst v63  }
0x291: {  	_ =	swait.ge [sflag:s26], $0x8000  }
0x292: {  	[sflag:s26] =	ssyncset.done $0x0  }
0x293: {  	[sflag:s26] =	ssyncadd.s32 $0xFFFF8000  }
0x294: {  	v3 =	vld [tilespmem:$0x380];
	_ =	sdelay $0x4  }
0x295: {  	v40 =	vshll.u32 v3, $0x1  }
0x296: {  	v3 =	vand.u32 $0x7, v3;
	v4 =	vand.u32 $0xFFFFFFF0, v40  }
0x297: {  	v3 =	vor.u32 v3, v4  }
0x298: {  	v4 =	vperm.xlane v3, v0;
	_ =	sdelay $0x1  }
0x299: {  	v3 =	vperm.xlane v3, v2;
	v4 =	vadd.s32 v1, v4;
	_ =	sdelay $0x1  }
0x29a: {  	v3 =	vadd.s32 v1, v3;
	_ =	sdelay $0x2  }
0x29b: {  	[tilespmem:s29], [sflag:$0x2] =	stream.indirect_vreg.gather [hbm4b:s4+s2], $0x80, v4, vm0, $0xb8;
	[tilespmem:$0x18800] =	vst v63  }
0x29c: {  	s31 =	simm.s32 $0x9000  }
0x29d: {  	[tilespmem:s31], [sflag:$0x2] =	stream.indirect_vreg.gather [hbm4b:s4+s2], $0x80, v3, vm0, $0xb8;
	[tilespmem:$0x18800] =	vst v63  }
0x29e: {  	v3 =	vld [tilespmem:$0x390];
	_ =	sdelay $0x4  }
0x29f: {  	v41 =	vshll.u32 v3, $0x1  }
0x2a0: {  	v3 =	vand.u32 $0x7, v3;
	v4 =	vand.u32 $0xFFFFFFF0, v41  }
0x2a1: {  	v3 =	vor.u32 v3, v4  }
0x2a2: {  	v4 =	vperm.xlane v3, v0;
	_ =	sdelay $0x1  }
0x2a3: {  	v3 =	vperm.xlane v3, v2;
	v4 =	vadd.s32 v1, v4;
	_ =	sdelay $0x1  }
0x2a4: {  	v3 =	vadd.s32 v1, v3;
	_ =	sdelay $0x2  }
0x2a5: {  	[tilespmem:s20], [sflag:$0x2] =	stream.indirect_vreg.gather [hbm4b:s4+s2], $0x80, v4, vm0, $0xb8;
	[tilespmem:$0x18800] =	vst v63  }
0x2a6: {  	s31 =	simm.s32 $0xA000  }
0x2a7: {  	[tilespmem:s31], [sflag:$0x2] =	stream.indirect_vreg.gather [hbm4b:s4+s2], $0x80, v3, vm0, $0xb8;
	[tilespmem:$0x18800] =	vst v63  }
0x2a8: {  	v3 =	vld [tilespmem:$0x3A0];
	_ =	sdelay $0x4  }
0x2a9: {  	v42 =	vshll.u32 v3, $0x1  }
0x2aa: {  	v3 =	vand.u32 $0x7, v3;
	v4 =	vand.u32 $0xFFFFFFF0, v42  }
0x2ab: {  	v3 =	vor.u32 v3, v4  }
0x2ac: {  	v4 =	vperm.xlane v3, v0;
	_ =	sdelay $0x1  }
0x2ad: {  	v3 =	vperm.xlane v3, v2;
	v4 =	vadd.s32 v1, v4;
	_ =	sdelay $0x1  }
0x2ae: {  	v3 =	vadd.s32 v1, v3;
	_ =	sdelay $0x1  }
0x2af: {  	s31 =	simm.s32 $0xA800  }
0x2b0: {  	[tilespmem:s31], [sflag:$0x2] =	stream.indirect_vreg.gather [hbm4b:s4+s2], $0x80, v4, vm0, $0xb8;
	[tilespmem:$0x18800] =	vst v63  }
0x2b1: {  	s31 =	simm.s32 $0xB000  }
0x2b2: {  	[tilespmem:s31], [sflag:$0x2] =	stream.indirect_vreg.gather [hbm4b:s4+s2], $0x80, v3, vm0, $0xb8;
	[tilespmem:$0x18800] =	vst v63  }
0x2b3: {  	v3 =	vld [tilespmem:$0x3B0];
	_ =	sdelay $0x4  }
0x2b4: {  	v43 =	vshll.u32 v3, $0x1  }
0x2b5: {  	v3 =	vand.u32 $0x7, v3;
	v4 =	vand.u32 $0xFFFFFFF0, v43  }
0x2b6: {  	v3 =	vor.u32 v3, v4  }
0x2b7: {  	v4 =	vperm.xlane v3, v0;
	_ =	sdelay $0x1  }
0x2b8: {  	v3 =	vperm.xlane v3, v2;
	v4 =	vadd.s32 v1, v4;
	_ =	sdelay $0x1  }
0x2b9: {  	v3 =	vadd.s32 v1, v3;
	_ =	sdelay $0x1  }
0x2ba: {  	s31 =	simm.s32 $0xB800  }
0x2bb: {  	[tilespmem:s31], [sflag:$0x2] =	stream.indirect_vreg.gather [hbm4b:s4+s2], $0x80, v4, vm0, $0xb8;
	[tilespmem:$0x18800] =	vst v63  }
0x2bc: {  	s31 =	simm.s32 $0xC000  }
0x2bd: {  	[tilespmem:s31], [sflag:$0x2] =	stream.indirect_vreg.gather [hbm4b:s4+s2], $0x80, v3, vm0, $0xb8;
	[tilespmem:$0x18800] =	vst v63  }
0x2be: {  	v3 =	vld [tilespmem:$0x3C0];
	_ =	sdelay $0x4  }
0x2bf: {  	v44 =	vshll.u32 v3, $0x1  }
0x2c0: {  	v3 =	vand.u32 $0x7, v3;
	v4 =	vand.u32 $0xFFFFFFF0, v44  }
0x2c1: {  	v3 =	vor.u32 v3, v4  }
0x2c2: {  	v4 =	vperm.xlane v3, v0;
	_ =	sdelay $0x1  }
0x2c3: {  	v3 =	vperm.xlane v3, v2;
	v4 =	vadd.s32 v1, v4;
	_ =	sdelay $0x1  }
0x2c4: {  	v3 =	vadd.s32 v1, v3;
	_ =	sdelay $0x1  }
0x2c5: {  	s31 =	simm.s32 $0xC800  }
0x2c6: {  	[tilespmem:s31], [sflag:$0x2] =	stream.indirect_vreg.gather [hbm4b:s4+s2], $0x80, v4, vm0, $0xb8;
	[tilespmem:$0x18800] =	vst v63  }
0x2c7: {  	s31 =	simm.s32 $0xD000  }
0x2c8: {  	[tilespmem:s31], [sflag:$0x2] =	stream.indirect_vreg.gather [hbm4b:s4+s2], $0x80, v3, vm0, $0xb8;
	[tilespmem:$0x18800] =	vst v63  }
0x2c9: {  	v3 =	vld [tilespmem:$0x3D0];
	_ =	sdelay $0x4  }
0x2ca: {  	v45 =	vshll.u32 v3, $0x1  }
0x2cb: {  	v3 =	vand.u32 $0x7, v3;
	v4 =	vand.u32 $0xFFFFFFF0, v45  }
0x2cc: {  	v3 =	vor.u32 v3, v4  }
0x2cd: {  	v4 =	vperm.xlane v3, v0;
	_ =	sdelay $0x1  }
0x2ce: {  	v3 =	vperm.xlane v3, v2;
	v4 =	vadd.s32 v1, v4;
	_ =	sdelay $0x1  }
0x2cf: {  	v3 =	vadd.s32 v1, v3;
	_ =	sdelay $0x1  }
0x2d0: {  	s31 =	simm.s32 $0xD800  }
0x2d1: {  	[tilespmem:s31], [sflag:$0x2] =	stream.indirect_vreg.gather [hbm4b:s4+s2], $0x80, v4, vm0, $0xb8;
	[tilespmem:$0x18800] =	vst v63  }
0x2d2: {  	s31 =	simm.s32 $0xE000  }
0x2d3: {  	[tilespmem:s31], [sflag:$0x2] =	stream.indirect_vreg.gather [hbm4b:s4+s2], $0x80, v3, vm0, $0xb8;
	[tilespmem:$0x18800] =	vst v63  }
0x2d4: {  	v3 =	vld [tilespmem:$0x3E0];
	_ =	sdelay $0x4  }
0x2d5: {  	v46 =	vshll.u32 v3, $0x1  }
0x2d6: {  	v3 =	vand.u32 $0x7, v3;
	v4 =	vand.u32 $0xFFFFFFF0, v46  }
0x2d7: {  	v3 =	vor.u32 v3, v4  }
0x2d8: {  	v4 =	vperm.xlane v3, v0;
	_ =	sdelay $0x1  }
0x2d9: {  	v3 =	vperm.xlane v3, v2;
	v4 =	vadd.s32 v1, v4;
	_ =	sdelay $0x1  }
0x2da: {  	v3 =	vadd.s32 v1, v3;
	_ =	sdelay $0x1  }
0x2db: {  	s31 =	simm.s32 $0xE800  }
0x2dc: {  	[tilespmem:s31], [sflag:$0x2] =	stream.indirect_vreg.gather [hbm4b:s4+s2], $0x80, v4, vm0, $0xb8;
	[tilespmem:$0x18800] =	vst v63  }
0x2dd: {  	s31 =	simm.s32 $0xF000  }
0x2de: {  	[tilespmem:s31], [sflag:$0x2] =	stream.indirect_vreg.gather [hbm4b:s4+s2], $0x80, v3, vm0, $0xb8;
	[tilespmem:$0x18800] =	vst v63  }
0x2df: {  	v3 =	vld [tilespmem:$0x3F0];
	_ =	sdelay $0x4  }
0x2e0: {  	v47 =	vshll.u32 v3, $0x1  }
0x2e1: {  	v3 =	vand.u32 $0x7, v3;
	v4 =	vand.u32 $0xFFFFFFF0, v47  }
0x2e2: {  	v3 =	vor.u32 v3, v4  }
0x2e3: {  	v4 =	vperm.xlane v3, v0;
	_ =	sdelay $0x1  }
0x2e4: {  	v3 =	vperm.xlane v3, v2;
	v4 =	vadd.s32 v1, v4;
	_ =	sdelay $0x1  }
0x2e5: {  	v3 =	vadd.s32 v1, v3;
	_ =	sdelay $0x2  }
0x2e6: {  	[tilespmem:s18], [sflag:$0x2] =	stream.indirect_vreg.gather [hbm4b:s4+s2], $0x80, v4, vm0, $0xb8;
	[tilespmem:$0x18800] =	vst v63  }
0x2e7: {  	_ = 	snop  }
0x2e8: {  	[tilespmem:s19], [sflag:$0x2] =	stream.indirect_vreg.gather [hbm4b:s4+s2], $0x80, v3, vm0, $0xb8;
	[tilespmem:$0x18800] =	vst v63  }
0x2e9: {  	_ =	swait.ge [sflag:s28], $0x8000  }
0x2ea: {  	[sflag:s28] =	ssyncset.done $0x0  }
0x2eb: {  	s20 =	rddreg [dreg:$0x8];
	[sflag:s28] =	ssyncadd.s32 $0xFFFF8000  }
0x2ec: {  	[hbm4b:s20+s2] =	stream.linear.scatter [tilespmem:s0], [sflag:$0x6], $0x8000, $0x38;
	[tilespmem:$0x18800] =	vst v63  }
0x2ed: {  	_ =	swait.ge [sflag:s30], $0x8000  }
0x2ee: {  	[sflag:s30] =	ssyncset.done $0x0  }
0x2ef: {  	[sflag:s30] =	ssyncadd.s32 $0xFFFF8000  }
0x2f0: {  	v3 =	vld [tilespmem:$0x400];
	_ =	sdelay $0x4  }
0x2f1: {  	v48 =	vshll.u32 v3, $0x1  }
0x2f2: {  	v3 =	vand.u32 $0x7, v3;
	v4 =	vand.u32 $0xFFFFFFF0, v48  }
0x2f3: {  	v3 =	vor.u32 v3, v4  }
0x2f4: {  	v4 =	vperm.xlane v3, v0;
	_ =	sdelay $0x1  }
0x2f5: {  	v3 =	vperm.xlane v3, v2;
	v4 =	vadd.s32 v1, v4;
	_ =	sdelay $0x1  }
0x2f6: {  	v3 =	vadd.s32 v1, v3;
	_ =	sdelay $0x2  }
0x2f7: {  	[tilespmem:s0], [sflag:$0x3] =	stream.indirect_vreg.gather [hbm4b:s4+s2], $0x80, v4, vm0, $0xb8;
	[tilespmem:$0x18800] =	vst v63  }
0x2f8: {  	s31 =	simm.s32 $0x11000  }
0x2f9: {  	[tilespmem:s31], [sflag:$0x3] =	stream.indirect_vreg.gather [hbm4b:s4+s2], $0x80, v3, vm0, $0xb8;
	[tilespmem:$0x18800] =	vst v63  }
0x2fa: {  	v3 =	vld [tilespmem:$0x410];
	_ =	sdelay $0x4  }
0x2fb: {  	v49 =	vshll.u32 v3, $0x1  }
0x2fc: {  	v3 =	vand.u32 $0x7, v3;
	v4 =	vand.u32 $0xFFFFFFF0, v49  }
0x2fd: {  	v3 =	vor.u32 v3, v4  }
0x2fe: {  	v4 =	vperm.xlane v3, v0;
	_ =	sdelay $0x1  }
0x2ff: {  	v3 =	vperm.xlane v3, v2;
	v4 =	vadd.s32 v1, v4;
	_ =	sdelay $0x1  }
0x300: {  	v3 =	vadd.s32 v1, v3;
	_ =	sdelay $0x1  }
0x301: {  	s20 =	simm.s32 $0x11800  }
0x302: {  	[tilespmem:s20], [sflag:$0x3] =	stream.indirect_vreg.gather [hbm4b:s4+s2], $0x80, v4, vm0, $0xb8;
	[tilespmem:$0x18800] =	vst v63  }
0x303: {  	s31 =	simm.s32 $0x12000  }
0x304: {  	[tilespmem:s31], [sflag:$0x3] =	stream.indirect_vreg.gather [hbm4b:s4+s2], $0x80, v3, vm0, $0xb8;
	[tilespmem:$0x18800] =	vst v63  }
0x305: {  	v3 =	vld [tilespmem:$0x420];
	_ =	sdelay $0x4  }
0x306: {  	v50 =	vshll.u32 v3, $0x1  }
0x307: {  	v3 =	vand.u32 $0x7, v3;
	v4 =	vand.u32 $0xFFFFFFF0, v50  }
0x308: {  	v3 =	vor.u32 v3, v4  }
0x309: {  	v4 =	vperm.xlane v3, v0;
	_ =	sdelay $0x1  }
0x30a: {  	v3 =	vperm.xlane v3, v2;
	v4 =	vadd.s32 v1, v4;
	_ =	sdelay $0x1  }
0x30b: {  	v3 =	vadd.s32 v1, v3;
	_ =	sdelay $0x1  }
0x30c: {  	s20 =	simm.s32 $0x12800  }
0x30d: {  	[tilespmem:s20], [sflag:$0x3] =	stream.indirect_vreg.gather [hbm4b:s4+s2], $0x80, v4, vm0, $0xb8;
	[tilespmem:$0x18800] =	vst v63  }
0x30e: {  	s31 =	simm.s32 $0x13000  }
0x30f: {  	[tilespmem:s31], [sflag:$0x3] =	stream.indirect_vreg.gather [hbm4b:s4+s2], $0x80, v3, vm0, $0xb8;
	[tilespmem:$0x18800] =	vst v63  }
0x310: {  	v3 =	vld [tilespmem:$0x430];
	_ =	sdelay $0x4  }
0x311: {  	v51 =	vshll.u32 v3, $0x1  }
0x312: {  	v3 =	vand.u32 $0x7, v3;
	v4 =	vand.u32 $0xFFFFFFF0, v51  }
0x313: {  	v3 =	vor.u32 v3, v4  }
0x314: {  	v4 =	vperm.xlane v3, v0;
	_ =	sdelay $0x1  }
0x315: {  	v3 =	vperm.xlane v3, v2;
	v4 =	vadd.s32 v1, v4;
	_ =	sdelay $0x1  }
0x316: {  	v3 =	vadd.s32 v1, v3;
	_ =	sdelay $0x1  }
0x317: {  	s20 =	simm.s32 $0x13800  }
0x318: {  	[tilespmem:s20], [sflag:$0x3] =	stream.indirect_vreg.gather [hbm4b:s4+s2], $0x80, v4, vm0, $0xb8;
	[tilespmem:$0x18800] =	vst v63  }
0x319: {  	s31 =	simm.s32 $0x14000  }
0x31a: {  	[tilespmem:s31], [sflag:$0x3] =	stream.indirect_vreg.gather [hbm4b:s4+s2], $0x80, v3, vm0, $0xb8;
	[tilespmem:$0x18800] =	vst v63  }
0x31b: {  	v3 =	vld [tilespmem:$0x440];
	_ =	sdelay $0x4  }
0x31c: {  	v52 =	vshll.u32 v3, $0x1  }
0x31d: {  	v3 =	vand.u32 $0x7, v3;
	v4 =	vand.u32 $0xFFFFFFF0, v52  }
0x31e: {  	v3 =	vor.u32 v3, v4  }
0x31f: {  	v4 =	vperm.xlane v3, v0;
	_ =	sdelay $0x1  }
0x320: {  	v3 =	vperm.xlane v3, v2;
	v4 =	vadd.s32 v1, v4;
	_ =	sdelay $0x1  }
0x321: {  	v3 =	vadd.s32 v1, v3;
	_ =	sdelay $0x1  }
0x322: {  	s20 =	simm.s32 $0x14800  }
0x323: {  	[tilespmem:s20], [sflag:$0x3] =	stream.indirect_vreg.gather [hbm4b:s4+s2], $0x80, v4, vm0, $0xb8;
	[tilespmem:$0x18800] =	vst v63  }
0x324: {  	s31 =	simm.s32 $0x15000  }
0x325: {  	[tilespmem:s31], [sflag:$0x3] =	stream.indirect_vreg.gather [hbm4b:s4+s2], $0x80, v3, vm0, $0xb8;
	[tilespmem:$0x18800] =	vst v63  }
0x326: {  	v3 =	vld [tilespmem:$0x450];
	_ =	sdelay $0x4  }
0x327: {  	v53 =	vshll.u32 v3, $0x1  }
0x328: {  	v3 =	vand.u32 $0x7, v3;
	v4 =	vand.u32 $0xFFFFFFF0, v53  }
0x329: {  	v3 =	vor.u32 v3, v4  }
0x32a: {  	v4 =	vperm.xlane v3, v0;
	_ =	sdelay $0x1  }
0x32b: {  	v3 =	vperm.xlane v3, v2;
	v4 =	vadd.s32 v1, v4;
	_ =	sdelay $0x1  }
0x32c: {  	v3 =	vadd.s32 v1, v3;
	_ =	sdelay $0x1  }
0x32d: {  	s20 =	simm.s32 $0x15800  }
0x32e: {  	[tilespmem:s20], [sflag:$0x3] =	stream.indirect_vreg.gather [hbm4b:s4+s2], $0x80, v4, vm0, $0xb8;
	[tilespmem:$0x18800] =	vst v63  }
0x32f: {  	s31 =	simm.s32 $0x16000  }
0x330: {  	[tilespmem:s31], [sflag:$0x3] =	stream.indirect_vreg.gather [hbm4b:s4+s2], $0x80, v3, vm0, $0xb8;
	[tilespmem:$0x18800] =	vst v63  }
0x331: {  	v3 =	vld [tilespmem:$0x460];
	_ =	sdelay $0x4  }
0x332: {  	v54 =	vshll.u32 v3, $0x1  }
0x333: {  	v3 =	vand.u32 $0x7, v3;
	v4 =	vand.u32 $0xFFFFFFF0, v54  }
0x334: {  	v3 =	vor.u32 v3, v4  }
0x335: {  	v4 =	vperm.xlane v3, v0;
	_ =	sdelay $0x1  }
0x336: {  	v3 =	vperm.xlane v3, v2;
	v4 =	vadd.s32 v1, v4;
	_ =	sdelay $0x1  }
0x337: {  	v3 =	vadd.s32 v1, v3;
	_ =	sdelay $0x1  }
0x338: {  	s20 =	simm.s32 $0x16800  }
0x339: {  	[tilespmem:s20], [sflag:$0x3] =	stream.indirect_vreg.gather [hbm4b:s4+s2], $0x80, v4, vm0, $0xb8;
	[tilespmem:$0x18800] =	vst v63  }
0x33a: {  	s31 =	simm.s32 $0x17000  }
0x33b: {  	[tilespmem:s31], [sflag:$0x3] =	stream.indirect_vreg.gather [hbm4b:s4+s2], $0x80, v3, vm0, $0xb8;
	[tilespmem:$0x18800] =	vst v63  }
0x33c: {  	v3 =	vld [tilespmem:$0x470];
	_ =	sdelay $0x4  }
0x33d: {  	v55 =	vshll.u32 v3, $0x1  }
0x33e: {  	v3 =	vand.u32 $0x7, v3;
	v4 =	vand.u32 $0xFFFFFFF0, v55  }
0x33f: {  	v3 =	vor.u32 v3, v4  }
0x340: {  	v4 =	vperm.xlane v3, v0;
	_ =	sdelay $0x1  }
0x341: {  	v3 =	vperm.xlane v3, v2;
	v4 =	vadd.s32 v1, v4;
	_ =	sdelay $0x1  }
0x342: {  	v3 =	vadd.s32 v1, v3;
	_ =	sdelay $0x1  }
0x343: {  	s20 =	simm.s32 $0x17800  }
0x344: {  	[tilespmem:s20], [sflag:$0x3] =	stream.indirect_vreg.gather [hbm4b:s4+s2], $0x80, v4, vm0, $0xb8;
	[tilespmem:$0x18800] =	vst v63  }
0x345: {  	s31 =	simm.s32 $0x18000  }
0x346: {  	[tilespmem:s31], [sflag:$0x3] =	stream.indirect_vreg.gather [hbm4b:s4+s2], $0x80, v3, vm0, $0xb8;
	[tilespmem:$0x18800] =	vst v63  }
0x347: {  	_ =	swait.ge [sflag:s6], $0x8000  }
0x348: {  	[sflag:s6] =	ssyncset.done $0x0  }
0x349: {  	s20 =	rddreg [dreg:$0x9];
	[sflag:s6] =	ssyncadd.s32 $0xFFFF8000  }
0x34a: {  	[hbm4b:s20+s2] =	stream.linear.scatter [tilespmem:s17], [sflag:$0x4], $0x8000, $0x38;
	[tilespmem:$0x18800] =	vst v63  }
0x34b: {  	_ =	swait.ge [sflag:s24], $0x8000  }
0x34c: {  	[sflag:s24] =	ssyncset.done $0x0  }
0x34d: {  	[sflag:s24] =	ssyncadd.s32 $0xFFFF8000  }
0x34e: {  	v3 =	vld [tilespmem:$0x480];
	_ =	sdelay $0x4  }
0x34f: {  	v56 =	vshll.u32 v3, $0x1  }
0x350: {  	v3 =	vand.u32 $0x7, v3;
	v4 =	vand.u32 $0xFFFFFFF0, v56  }
0x351: {  	v3 =	vor.u32 v3, v4  }
0x352: {  	v4 =	vperm.xlane v3, v0;
	_ =	sdelay $0x1  }
0x353: {  	v3 =	vperm.xlane v3, v2;
	v4 =	vadd.s32 v1, v4;
	_ =	sdelay $0x1  }
0x354: {  	v3 =	vadd.s32 v1, v3;
	_ =	sdelay $0x2  }
0x355: {  	[tilespmem:s17], [sflag:$0x1] =	stream.indirect_vreg.gather [hbm4b:s4+s2], $0x80, v4, vm0, $0xb8;
	[tilespmem:$0x18800] =	vst v63  }
0x356: {  	s13 =	simm.s32 $0x1000  }
0x357: {  	[tilespmem:s13], [sflag:$0x1] =	stream.indirect_vreg.gather [hbm4b:s4+s2], $0x80, v3, vm0, $0xb8;
	[tilespmem:$0x18800] =	vst v63  }
0x358: {  	v3 =	vld [tilespmem:$0x490];
	_ =	sdelay $0x4  }
0x359: {  	v57 =	vshll.u32 v3, $0x1  }
0x35a: {  	v3 =	vand.u32 $0x7, v3;
	v4 =	vand.u32 $0xFFFFFFF0, v57  }
0x35b: {  	v3 =	vor.u32 v3, v4  }
0x35c: {  	v4 =	vperm.xlane v3, v0;
	_ =	sdelay $0x1  }
0x35d: {  	v3 =	vperm.xlane v3, v2;
	v4 =	vadd.s32 v1, v4;
	_ =	sdelay $0x1  }
0x35e: {  	v3 =	vadd.s32 v1, v3;
	_ =	sdelay $0x1  }
0x35f: {  	s7 =	simm.s32 $0x1800  }
0x360: {  	[tilespmem:s7], [sflag:$0x1] =	stream.indirect_vreg.gather [hbm4b:s4+s2], $0x80, v4, vm0, $0xb8;
	[tilespmem:$0x18800] =	vst v63  }
0x361: {  	_ = 	snop  }
0x362: {  	[tilespmem:s12], [sflag:$0x1] =	stream.indirect_vreg.gather [hbm4b:s4+s2], $0x80, v3, vm0, $0xb8;
	[tilespmem:$0x18800] =	vst v63  }
0x363: {  	v3 =	vld [tilespmem:$0x4A0];
	_ =	sdelay $0x4  }
0x364: {  	v58 =	vshll.u32 v3, $0x1  }
0x365: {  	v3 =	vand.u32 $0x7, v3;
	v4 =	vand.u32 $0xFFFFFFF0, v58  }
0x366: {  	v3 =	vor.u32 v3, v4  }
0x367: {  	v4 =	vperm.xlane v3, v0;
	_ =	sdelay $0x1  }
0x368: {  	v3 =	vperm.xlane v3, v2;
	v4 =	vadd.s32 v1, v4;
	_ =	sdelay $0x1  }
0x369: {  	v3 =	vadd.s32 v1, v3;
	_ =	sdelay $0x1  }
0x36a: {  	s21 =	simm.s32 $0x2800  }
0x36b: {  	[tilespmem:s21], [sflag:$0x1] =	stream.indirect_vreg.gather [hbm4b:s4+s2], $0x80, v4, vm0, $0xb8;
	[tilespmem:$0x18800] =	vst v63  }
0x36c: {  	_ = 	snop  }
0x36d: {  	[tilespmem:s14], [sflag:$0x1] =	stream.indirect_vreg.gather [hbm4b:s4+s2], $0x80, v3, vm0, $0xb8;
	[tilespmem:$0x18800] =	vst v63  }
0x36e: {  	v3 =	vld [tilespmem:$0x4B0];
	_ =	sdelay $0x4  }
0x36f: {  	v59 =	vshll.u32 v3, $0x1  }
0x370: {  	v3 =	vand.u32 $0x7, v3;
	v4 =	vand.u32 $0xFFFFFFF0, v59  }
0x371: {  	v3 =	vor.u32 v3, v4  }
0x372: {  	v4 =	vperm.xlane v3, v0;
	_ =	sdelay $0x1  }
0x373: {  	v3 =	vperm.xlane v3, v2;
	v4 =	vadd.s32 v1, v4;
	_ =	sdelay $0x1  }
0x374: {  	v3 =	vadd.s32 v1, v3;
	_ =	sdelay $0x1  }
0x375: {  	s22 =	simm.s32 $0x3800  }
0x376: {  	[tilespmem:s22], [sflag:$0x1] =	stream.indirect_vreg.gather [hbm4b:s4+s2], $0x80, v4, vm0, $0xb8;
	[tilespmem:$0x18800] =	vst v63  }
0x377: {  	_ = 	snop  }
0x378: {  	[tilespmem:s15], [sflag:$0x1] =	stream.indirect_vreg.gather [hbm4b:s4+s2], $0x80, v3, vm0, $0xb8;
	[tilespmem:$0x18800] =	vst v63  }
0x379: {  	v3 =	vld [tilespmem:$0x4C0];
	_ =	sdelay $0x4  }
0x37a: {  	v60 =	vshll.u32 v3, $0x1  }
0x37b: {  	v3 =	vand.u32 $0x7, v3;
	v4 =	vand.u32 $0xFFFFFFF0, v60  }
0x37c: {  	v3 =	vor.u32 v3, v4  }
0x37d: {  	v4 =	vperm.xlane v3, v0;
	_ =	sdelay $0x1  }
0x37e: {  	v3 =	vperm.xlane v3, v2;
	v4 =	vadd.s32 v1, v4;
	_ =	sdelay $0x1  }
0x37f: {  	v3 =	vadd.s32 v1, v3;
	_ =	sdelay $0x1  }
0x380: {  	s23 =	simm.s32 $0x4800  }
0x381: {  	[tilespmem:s23], [sflag:$0x1] =	stream.indirect_vreg.gather [hbm4b:s4+s2], $0x80, v4, vm0, $0xb8;
	[tilespmem:$0x18800] =	vst v63  }
0x382: {  	s9 =	simm.s32 $0x5000  }
0x383: {  	[tilespmem:s9], [sflag:$0x1] =	stream.indirect_vreg.gather [hbm4b:s4+s2], $0x80, v3, vm0, $0xb8;
	[tilespmem:$0x18800] =	vst v63  }
0x384: {  	v3 =	vld [tilespmem:$0x4D0];
	_ =	sdelay $0x4  }
0x385: {  	v61 =	vshll.u32 v3, $0x1  }
0x386: {  	v3 =	vand.u32 $0x7, v3;
	v4 =	vand.u32 $0xFFFFFFF0, v61  }
0x387: {  	v3 =	vor.u32 v3, v4  }
0x388: {  	v4 =	vperm.xlane v3, v0;
	_ =	sdelay $0x1  }
0x389: {  	v3 =	vperm.xlane v3, v2;
	v4 =	vadd.s32 v1, v4;
	_ =	sdelay $0x1  }
0x38a: {  	v3 =	vadd.s32 v1, v3;
	_ =	sdelay $0x1  }
0x38b: {  	s1 =	simm.s32 $0x5800  }
0x38c: {  	[tilespmem:s1], [sflag:$0x1] =	stream.indirect_vreg.gather [hbm4b:s4+s2], $0x80, v4, vm0, $0xb8;
	[tilespmem:$0x18800] =	vst v63  }
0x38d: {  	s10 =	simm.s32 $0x6000  }
0x38e: {  	[tilespmem:s10], [sflag:$0x1] =	stream.indirect_vreg.gather [hbm4b:s4+s2], $0x80, v3, vm0, $0xb8;
	[tilespmem:$0x18800] =	vst v63  }
0x38f: {  	v3 =	vld [tilespmem:$0x4E0];
	_ =	sdelay $0x4  }
0x390: {  	v62 =	vshll.u32 v3, $0x1  }
0x391: {  	v3 =	vand.u32 $0x7, v3;
	v4 =	vand.u32 $0xFFFFFFF0, v62  }
0x392: {  	v3 =	vor.u32 v3, v4  }
0x393: {  	v4 =	vperm.xlane v3, v0;
	_ =	sdelay $0x1  }
0x394: {  	v3 =	vperm.xlane v3, v2;
	v4 =	vadd.s32 v1, v4;
	_ =	sdelay $0x1  }
0x395: {  	v3 =	vadd.s32 v1, v3;
	_ =	sdelay $0x1  }
0x396: {  	s3 =	simm.s32 $0x6800  }
0x397: {  	[tilespmem:s3], [sflag:$0x1] =	stream.indirect_vreg.gather [hbm4b:s4+s2], $0x80, v4, vm0, $0xb8;
	[tilespmem:$0x18800] =	vst v63  }
0x398: {  	s11 =	simm.s32 $0x7000  }
0x399: {  	[tilespmem:s11], [sflag:$0x1] =	stream.indirect_vreg.gather [hbm4b:s4+s2], $0x80, v3, vm0, $0xb8;
	[tilespmem:$0x18800] =	vst v63  }
0x39a: {  	v3 =	vld [tilespmem:$0x4F0];
	_ =	sdelay $0x4  }
0x39b: {  	v63 =	vshll.u32 v3, $0x1  }
0x39c: {  	v3 =	vand.u32 $0x7, v3;
	v4 =	vand.u32 $0xFFFFFFF0, v63  }
0x39d: {  	v3 =	vor.u32 v3, v4  }
0x39e: {  	v4 =	vperm.xlane v3, v0;
	_ =	sdelay $0x1  }
0x39f: {  	v3 =	vperm.xlane v3, v2;
	v4 =	vadd.s32 v1, v4;
	_ =	sdelay $0x1  }
0x3a0: {  	v3 =	vadd.s32 v1, v3;
	_ =	sdelay $0x1  }
0x3a1: {  	s8 =	simm.s32 $0x7800  }
0x3a2: {  	[tilespmem:s8], [sflag:$0x1] =	stream.indirect_vreg.gather [hbm4b:s4+s2], $0x80, v4, vm0, $0xb8;
	[tilespmem:$0x18800] =	vst v63  }
0x3a3: {  	_ = 	snop  }
0x3a4: {  	[tilespmem:s16], [sflag:$0x1] =	stream.indirect_vreg.gather [hbm4b:s4+s2], $0x80, v3, vm0, $0xb8;
	[tilespmem:$0x18800] =	vst v63  }
0x3a5: {  	_ =	swait.ge [sflag:s25], $0x8000  }
0x3a6: {  	[sflag:s25] =	ssyncset.done $0x0  }
0x3a7: {  	s21 =	rddreg [dreg:$0xa];
	[sflag:s25] =	ssyncadd.s32 $0xFFFF8000  }
0x3a8: {  	[hbm4b:s21+s2] =	stream.linear.scatter [tilespmem:s29], [sflag:$0x5], $0x8000, $0x38;
	[tilespmem:$0x18800] =	vst v63  }
0x3a9: {  	_ =	swait.ge [sflag:s28], $0x8000  }
0x3aa: {  	[sflag:s28] =	ssyncset.done $0x0  }
0x3ab: {  	s22 =	rddreg [dreg:$0xb];
	[sflag:s28] =	ssyncadd.s32 $0xFFFF8000  }
0x3ac: {  	[hbm4b:s22+s2] =	stream.linear.scatter [tilespmem:s0], [sflag:$0x6], $0x8000, $0x38;
	[tilespmem:$0x18800] =	vst v63  }
0x3ad: {  	_ =	swait.ge [sflag:s6], $0x8000  }
0x3ae: {  	[sflag:s6] =	ssyncset.done $0x0  }
0x3af: {  	s23 =	rddreg [dreg:$0xc];
	[sflag:s6] =	ssyncadd.s32 $0xFFFF8000  }
0x3b0: {  	[hbm4b:s23+s2] =	stream.linear.scatter [tilespmem:s17], [sflag:$0x4], $0x8000, $0x38;
	[tilespmem:$0x18800] =	vst v63  }
0x3b1: {  	_ =	swait.ge [sflag:s26], $0x8000  }
0x3b2: {  	[sflag:s26] =	ssyncset.done $0x0  }
0x3b3: {  	[sflag:s26] =	ssyncadd.s32 $0xFFFF8000  }
0x3b4: {  	p0 =	sne.s32 s5, $0x1;
	_ =	swait.ge [sflag:s30], $0x8000  }
.Ltmp0:
0x3b5: {  	[sflag:s30] =	ssyncset.done $0x0;
	(pc) =	sbr.rel @p0 .LBB2_1-.Ltmp0, $4  }
0x3b6: {  	[sflag:s30] =	ssyncadd.s32 $0xFFFF8000  }
0x3b7: {  	_ =	swait.ge [sflag:s24], $0x8000  }
0x3b8: {  	[sflag:s24] =	ssyncset.done $0x0  }
0x3b9: {  	s5 =	sadd.s32 $0xFFFFFFFF, s5;
	[sflag:s24] =	ssyncadd.s32 $0xFFFF8000  }
0x3ba: {  	_ =	sfence.sel $0x180000  }
0x3bb: {  	[bflag:$0x0] =	sbarrier.arrive $0xFFFF  }
0x3bc: {  	_ =	strace $0x90000047  }
0x3bd: {  	s0 =	stileid.u32;
	[bflag:$0x2] =	sbarrier.arrive $0xFFFF  }
0x3be: {  	p0 =	sne.s32 s0, $0x0;
	s0 =	rddreg [dreg:$0x2]  }
0x3bf: {  	s0 =	sadd.s32 @!p0 $0x100000, s0  }
0x3c0: {  	[sflag:s0] =	ssyncadd.tile.s32 @!p0 $0x1;
	_ =	shalt  }
.Lfunc_end2:
_tile_overlayer_lowered:
.L_overlay_start_2:
0x3c1: {  	(tag) =	ssettag $0x2  }
0x3c2: {  	s0 =	rddreg [dreg:$0x0];
	s2 =	stileid.u32  }
0x3c3: {  	s1 =	rddreg [dreg:$0x1];
	p0 =	sne.s32 s2, $0x0  }
0x3c4: {  	s3 =	rddreg [dreg:$0x2];
	[bflag:$0x3] =	sbarrier.arrive $0xFFFF;
	s2 =	simm.s32 @!p0 $0x1C07  }
0x3c5: {  	[timem:s3], [sflag:s2] =	dma.local @!p0 [hbm:s0], s1  }
0x3c6: {  	s0 =	simm.s32 @!p0 $0x7  }
0x3c7: {  	_ =	swait.ge @!p0 [sflag:s0], s1  }
0x3c8: {  	s1 =	ssub.s32 @!p0 $0x0, s1;
	[sflag:s0] =	ssyncset.done @!p0 $0x0  }
0x3c9: {  	[sflag:s0] =	ssyncadd.s32 @!p0 s1  }
0x3ca: {  	[bflag:$0x3] =	sbarrier.arrive $0xFFFF  }
0x3cb: {  	_ =	shalt  }

</sc_bundles>
